<compile_context>
chip_gen: v7x
topology: tpu7x:2x2x1
jax: 0.10.2.dev20260603
libtpu: 0.0.44.dev20260713+nightly
codegen_flags: <defaults>
</compile_context>

<pallas_src>
import functools

import jax
import jax.numpy as jnp
from jax import lax
from jax.experimental import pallas as pl
from jax.experimental.pallas import tpu as pltpu
from jax.experimental.pallas import tpu_sc as plsc

N = 10000
E = 160000
G = 64
NC = 2
NS = 16
NW = NC * NS
CHUNK = 125
NCHUNKS = E // CHUNK
KPW = NCHUNKS // NW
NPAD = 10240
RPT = NPAD // NS

_HIGH = jax.lax.Precision.HIGHEST



def _sc_mesh():
    return plsc.VectorSubcoreMesh(core_axis_name="c", subcore_axis_name="s")


def _deg_call(dst2d, ones_rows, zrows):
    def body(dst_hbm, ones_hbm, z_hbm, out_hbm, didx, ones_v, sem, acc):
        c = lax.axis_index("c")
        s = lax.axis_index("s")
        w = s * NC + c
        pltpu.sync_copy(z_hbm, acc.at[pl.ds(s * RPT, RPT)])
        pltpu.sync_copy(dst_hbm.at[pl.ds(w * KPW, KPW)], didx)
        pltpu.sync_copy(ones_hbm, ones_v)
        plsc.subcore_barrier()

        def fire(k, carry):
            pltpu.async_copy(ones_v, acc.at[didx.at[k]], sem, add=True)
            return carry

        def drain(k, carry):
            pltpu.make_async_copy(ones_v, acc.at[didx.at[k]], sem).wait()
            return carry

        lax.fori_loop(0, KPW, fire, 0)
        lax.fori_loop(0, KPW, drain, 0)
        plsc.subcore_barrier()
        pltpu.sync_copy(acc.at[pl.ds(s * RPT, RPT)],
                        out_hbm.at[c, pl.ds(s * RPT, RPT)])

    call = pl.kernel(
        body,
        out_type=jax.ShapeDtypeStruct((NC, NPAD, 16), jnp.float32),
        mesh=_sc_mesh(),
        compiler_params=pltpu.CompilerParams(use_tc_tiling_on_sc=False),
        scratch_types=[
            pltpu.VMEM((KPW, CHUNK), jnp.int32),
            pltpu.VMEM((CHUNK, 16), jnp.float32),
            pltpu.SemaphoreType.DMA,
            pltpu.VMEM_SHARED((NPAD, 16), jnp.float32),
        ],
    )
    return call(dst2d, ones_rows, zrows)


def _agg_call(t, src2d, dst2d, zrows, d, chunk=CHUNK, ring=4):
    _RING = ring
    nchunks = E // chunk
    kpw = nchunks // NW

    def body(t_hbm, src_hbm, dst_hbm, z_hbm, out_hbm, *rest):
        sidx, didx = rest[0], rest[1]
        bufs = rest[2:2 + _RING]
        gs, ss, acc = rest[2 + _RING], rest[3 + _RING], rest[4 + _RING]
        c = lax.axis_index("c")
        s = lax.axis_index("s")
        w = s * NC + c
        pltpu.sync_copy(src_hbm.at[pl.ds(w * kpw, kpw)], sidx)
        pltpu.sync_copy(dst_hbm.at[pl.ds(w * kpw, kpw)], didx)
        for p in range(_RING):
            pltpu.async_copy(t_hbm.at[sidx.at[p]], bufs[p], gs.at[p])
        pltpu.sync_copy(z_hbm, acc.at[pl.ds(s * RPT, RPT)])
        plsc.subcore_barrier()

        def block(j, carry):
            for p in range(_RING):
                k = _RING * j + p
                pltpu.make_async_copy(t_hbm.at[sidx.at[k]], bufs[p],
                                      gs.at[p]).wait()
                pltpu.async_copy(bufs[p], acc.at[didx.at[k]], ss.at[p],
                                 add=True)

                @pl.when(k + _RING < kpw)
                def _():
                    pltpu.make_async_copy(bufs[p], acc.at[didx.at[k]],
                                          ss.at[p]).wait()
                    pltpu.async_copy(t_hbm.at[sidx.at[k + _RING]], bufs[p],
                                     gs.at[p])
            return carry

        lax.fori_loop(0, kpw // _RING, block, 0)
        for p in range(_RING):
            k = kpw - _RING + p
            pltpu.make_async_copy(bufs[p], acc.at[didx.at[k]], ss.at[p]).wait()
        plsc.subcore_barrier()
        pltpu.sync_copy(acc.at[pl.ds(s * RPT, RPT)],
                        out_hbm.at[c, pl.ds(s * RPT, RPT)])

    call = pl.kernel(
        body,
        out_type=jax.ShapeDtypeStruct((NC, NPAD, d), jnp.float32),
        mesh=_sc_mesh(),
        compiler_params=pltpu.CompilerParams(use_tc_tiling_on_sc=False),
        scratch_types=(
            [pltpu.VMEM((kpw, chunk), jnp.int32)] * 2
            + [pltpu.VMEM((chunk, d), jnp.float32)] * _RING
            + [pltpu.SemaphoreType.DMA((_RING,)),
               pltpu.SemaphoreType.DMA((_RING,)),
               pltpu.VMEM_SHARED((NPAD, d), jnp.float32)]
        ),
    )
    return call(t, src2d, dst2d, zrows)



_BLK = 2000
_GRID = N // _BLK


def _bf16_dot(a, b):
    return jnp.dot(a.astype(jnp.bfloat16), b.astype(jnp.bfloat16),
                   preferred_element_type=jnp.float32)


def _prep_body(degp_ref, x_ref, w1_ref, dinv_ref, t1_ref):
    deg = degp_ref[0, :, 0:1] + degp_ref[1, :, 0:1] + 1.0
    dinv = lax.rsqrt(deg)
    dinv_ref[...] = dinv
    t1_ref[...] = dinv * _bf16_dot(x_ref[...], w1_ref[...])


def _prep_call(degp, xpad, W1p):
    return pl.pallas_call(
        _prep_body,
        grid=(_GRID,),
        in_specs=[
            pl.BlockSpec((NC, _BLK, 16), lambda i: (0, i, 0)),
            pl.BlockSpec((_BLK, 16), lambda i: (i, 0)),
            pl.BlockSpec((16, 128), lambda i: (0, 0)),
        ],
        out_specs=[
            pl.BlockSpec((_BLK, 1), lambda i: (i, 0)),
            pl.BlockSpec((_BLK, 128), lambda i: (i, 0)),
        ],
        out_shape=[
            jax.ShapeDtypeStruct((N, 1), jnp.float32),
            jax.ShapeDtypeStruct((N, 128), jnp.float32),
        ],
    )(degp, xpad, W1p)


def _mid1_body(a1_ref, t1_ref, dinv_ref, b1_ref, w2_ref, t2_ref):
    agg = a1_ref[0] + a1_ref[1] + t1_ref[...]
    dinv = dinv_ref[...]
    h1 = jnp.maximum(dinv * agg + b1_ref[...], 0.0)
    t2_ref[...] = dinv * _bf16_dot(h1, w2_ref[...])


def _mid1_call(a1, t1, dinv, b1, W2):
    return pl.pallas_call(
        _mid1_body,
        grid=(_GRID,),
        in_specs=[
            pl.BlockSpec((NC, _BLK, 128), lambda i: (0, i, 0)),
            pl.BlockSpec((_BLK, 128), lambda i: (i, 0)),
            pl.BlockSpec((_BLK, 1), lambda i: (i, 0)),
            pl.BlockSpec((1, 128), lambda i: (0, 0)),
            pl.BlockSpec((128, 128), lambda i: (0, 0)),
        ],
        out_specs=pl.BlockSpec((_BLK, 128), lambda i: (i, 0)),
        out_shape=jax.ShapeDtypeStruct((N, 128), jnp.float32),
    )(a1, t1, dinv, b1, W2)


def _mid2_body(a2_ref, t2_ref, dinv_ref, b2_ref, w3_ref, t3_ref):
    agg = a2_ref[0] + a2_ref[1] + t2_ref[...]
    dinv = dinv_ref[...]
    h2 = jnp.maximum(dinv * agg + b2_ref[...], 0.0)
    t3_ref[...] = dinv * _bf16_dot(h2, w3_ref[...])


def _mid2_call(a2, t2, dinv, b2, W3):
    return pl.pallas_call(
        _mid2_body,
        grid=(_GRID,),
        in_specs=[
            pl.BlockSpec((NC, _BLK, 128), lambda i: (0, i, 0)),
            pl.BlockSpec((_BLK, 128), lambda i: (i, 0)),
            pl.BlockSpec((_BLK, 1), lambda i: (i, 0)),
            pl.BlockSpec((1, 128), lambda i: (0, 0)),
            pl.BlockSpec((128, 64), lambda i: (0, 0)),
        ],
        out_specs=pl.BlockSpec((_BLK, 64), lambda i: (i, 0)),
        out_shape=jax.ShapeDtypeStruct((N, 64), jnp.float32),
    )(a2, t2, dinv, b2, W3)


def _pool_body(a3_ref, t3_ref, dinv_ref, b3_ref, wl_ref, bl_ref, batch_ref,
               ones_ref, sums_ref, cnts_ref, out_ref):
    i = pl.program_id(0)
    agg = a3_ref[0] + a3_ref[1] + t3_ref[...]
    h3 = jnp.maximum(dinv_ref[...] * agg + b3_ref[...], 0.0)
    gid = lax.broadcasted_iota(jnp.int32, (_BLK, G), 1)
    onehot = (batch_ref[...] == gid).astype(jnp.float32)
    cdims = (((0,), (0,)), ((), ()))
    sm = lax.dot_general(onehot, h3, cdims, precision=_HIGH)
    ct = lax.dot_general(onehot, ones_ref[...], cdims, precision=_HIGH)

    @pl.when(i == 0)
    def _():
        sums_ref[...] = sm
        cnts_ref[...] = ct

    @pl.when(i > 0)
    def _():
        sums_ref[...] += sm
        cnts_ref[...] += ct

    @pl.when(i == pl.num_programs(0) - 1)
    def _():
        pooled = sums_ref[...] / jnp.maximum(cnts_ref[...], 1.0)
        out_ref[...] = _bf16_dot(pooled, wl_ref[...]) + bl_ref[...]


def _pool_call(a3, t3, dinv, b3, Wl, bl, batch2d, ones_col):
    zero = lambda i: (0, 0)
    return pl.pallas_call(
        _pool_body,
        grid=(_GRID,),
        in_specs=[
            pl.BlockSpec((NC, _BLK, 64), lambda i: (0, i, 0)),
            pl.BlockSpec((_BLK, 64), lambda i: (i, 0)),
            pl.BlockSpec((_BLK, 1), lambda i: (i, 0)),
            pl.BlockSpec((1, 64), zero),
            pl.BlockSpec((64, 1), zero),
            pl.BlockSpec((1, 1), zero),
            pl.BlockSpec((_BLK, 1), lambda i: (i, 0)),
            pl.BlockSpec((_BLK, 1), lambda i: (i, 0)),
        ],
        out_specs=[
            pl.BlockSpec((G, 64), zero),
            pl.BlockSpec((G, 1), zero),
            pl.BlockSpec((G, 1), zero),
        ],
        out_shape=[
            jax.ShapeDtypeStruct((G, 64), jnp.float32),
            jax.ShapeDtypeStruct((G, 1), jnp.float32),
            jax.ShapeDtypeStruct((G, 1), jnp.float32),
        ],
    )(a3, t3, dinv, b3, Wl, bl, batch2d, ones_col)



def kernel(x, edge_index, batch, W1, b1, W2, b2, W3, b3, Wl, bl):
    ei = edge_index.astype(jnp.int32)
    src2d = ei[0].reshape(NCHUNKS, CHUNK)
    dst2d = ei[1].reshape(NCHUNKS, CHUNK)
    batch2d = batch.astype(jnp.int32).reshape(N, 1)
    xpad = jnp.pad(x, ((0, 0), (0, 16 - x.shape[1])))
    W1p = jnp.pad(W1, ((0, 16 - W1.shape[0]), (0, 0)))
    ones_rows = jnp.ones((CHUNK, 16), jnp.float32)
    ones_col = jnp.ones((N, 1), jnp.float32)
    z16 = jnp.zeros((RPT, 16), jnp.float32)
    z64 = jnp.zeros((RPT, 64), jnp.float32)
    z128 = jnp.zeros((RPT, 128), jnp.float32)

    src50 = ei[0].reshape(E // 50, 50)
    dst50 = ei[1].reshape(E // 50, 50)
    degp = _deg_call(dst2d, ones_rows, z16)
    dinv, t1 = _prep_call(degp, xpad, W1p)
    a1 = _agg_call(t1, src50, dst50, z128, 128, chunk=50, ring=5)
    t2 = _mid1_call(a1, t1, dinv, b1.reshape(1, -1), W2)
    a2 = _agg_call(t2, src50, dst50, z128, 128, chunk=50, ring=5)
    t3 = _mid2_call(a2, t2, dinv, b2.reshape(1, -1), W3)
    a3 = _agg_call(t3, src2d, dst2d, z64, 64, ring=5)
    _, _, out = _pool_call(a3, t3, dinv, b3.reshape(1, -1),
                           Wl, bl.reshape(1, 1), batch2d, ones_col)
    return out

# --- scband reference (transcript-rebuilt; emitter-appended) ---
"""Pipeline reference for scband-gnn-19198503813663 (READ-ONLY COPY).

The authoritative reference and input builder live on the scoring server;
editing this copy changes nothing except your own understanding.
"""

import jax, jax.numpy as jnp
import numpy as np

N_NODES = 10000
N_EDGES = 160000
N_GRAPHS = 64


def _glorot(key, shape):
    fan_in, fan_out = shape[0], shape[1]
    limit = (6.0 / (fan_in + fan_out)) ** 0.5
    return jax.random.uniform(key, shape, dtype=jnp.float32, minval=-limit, maxval=limit)


def setup_inputs(seed: int = 0) -> dict:
    key = jax.random.key(seed)
    ks = jax.random.split(key, 8)
    x = jax.random.normal(ks[0], (N_NODES, 3), dtype=jnp.float32)
    edge_index = jax.random.randint(ks[1], (2, N_EDGES), 0, N_NODES, dtype=jnp.int64)
    batch = jnp.sort(jax.random.randint(ks[2], (N_NODES,), 0, N_GRAPHS, dtype=jnp.int64))
    W1 = _glorot(ks[3], (3, 128));   b1 = jnp.zeros((128,), jnp.float32)
    W2 = _glorot(ks[4], (128, 128)); b2 = jnp.zeros((128,), jnp.float32)
    W3 = _glorot(ks[5], (128, 64));  b3 = jnp.zeros((64,), jnp.float32)
    Wl = _glorot(ks[6], (64, 1));    bl = jnp.zeros((1,), jnp.float32)
    return {"x": x, "edge_index": edge_index, "batch": batch,
            "W1": W1, "b1": b1, "W2": W2, "b2": b2,
            "W3": W3, "b3": b3, "Wl": Wl, "bl": bl}


def _gcn_norm(edge_index, n):
    # add self loops (PyG GCNConv default)
    loop = jnp.arange(n, dtype=edge_index.dtype)
    src = jnp.concatenate([edge_index[0], loop])
    dst = jnp.concatenate([edge_index[1], loop])
    deg = jax.ops.segment_sum(jnp.ones_like(dst, dtype=jnp.float32), dst, num_segments=n)
    dinv = jnp.where(deg > 0, deg ** -0.5, 0.0)
    norm = dinv[src] * dinv[dst]
    return src, dst, norm


def _gcn_conv(x, W, b, src, dst, norm, n):
    h = x @ W
    msg = h[src] * norm[:, None]
    out = jax.ops.segment_sum(msg, dst, num_segments=n)
    return out + b


def reference(x, edge_index, batch, W1, b1, W2, b2, W3, b3, Wl, bl):
    n = x.shape[0]
    src, dst, norm = _gcn_norm(edge_index, n)
    h = jax.nn.relu(_gcn_conv(x, W1, b1, src, dst, norm, n))
    h = jax.nn.relu(_gcn_conv(h, W2, b2, src, dst, norm, n))
    h = jax.nn.relu(_gcn_conv(h, W3, b3, src, dst, norm, n))
    sums = jax.ops.segment_sum(h, batch, num_segments=N_GRAPHS)
    counts = jax.ops.segment_sum(jnp.ones((n,), jnp.float32), batch, num_segments=N_GRAPHS)
    pooled = sums / jnp.clip(counts, 1.0, None)[:, None]
    return pooled @ Wl + bl

if __name__ == "__main__":
    import jax
    _d = setup_inputs()
    print(jax.jit(kernel)(*tuple(_d.values())))

</pallas_src>

<mosaic_0001>
#map = affine_map<(d0, d1) -> (0, 0)>
#map1 = affine_map<(d0, d1) -> (0, 0, 0)>
module attributes {stable_mosaic.version = 14 : i64} {
  func.func @body(%arg0: i32, %arg1: i32, %arg2: memref<10000x128xf32, #tpu.memory_space<hbm>>, %arg3: memref<3200x50xi32, #tpu.memory_space<hbm>>, %arg4: memref<3200x50xi32, #tpu.memory_space<hbm>>, %arg5: memref<640x128xf32, #tpu.memory_space<hbm>>, %arg6: memref<2x10240x128xf32, #tpu.memory_space<hbm>>, %arg7: memref<100x50xi32, #tpu.memory_space<vmem>>, %arg8: memref<100x50xi32, #tpu.memory_space<vmem>>, %arg9: memref<50x128xf32, #tpu.memory_space<vmem>>, %arg10: memref<50x128xf32, #tpu.memory_space<vmem>>, %arg11: memref<50x128xf32, #tpu.memory_space<vmem>>, %arg12: memref<50x128xf32, #tpu.memory_space<vmem>>, %arg13: memref<50x128xf32, #tpu.memory_space<vmem>>, %arg14: memref<5x!tpu.dma_semaphore, #tpu.memory_space<semaphore_mem>>, %arg15: memref<5x!tpu.dma_semaphore, #tpu.memory_space<semaphore_mem>>, %arg16: memref<10240x128xf32, #tpu.memory_space<vmem_shared>>) attributes {dimension_semantics = [#tpu.dimension_semantics<core_parallel>, #tpu.dimension_semantics<subcore_parallel>], iteration_bounds = array<i64: 2, 16>, scalar_prefetch = 0 : i64, scratch_operands = 10 : i64, tpu.core_type = #tpu.core_type<sc_vector_subcore>, window_params = [{transform_indices = #map}, {transform_indices = #map}, {transform_indices = #map}, {transform_indices = #map}, {transform_indices = #map1}]} {
    %mul3A = arith.constant 2 : i32
    %mul3A_0 = arith.muli %arg1, %mul3A : i32
    %add3A = arith.addi %mul3A_0, %arg0 : i32
    %mul3A_1 = arith.constant 100 : i32
    %mul3A_2 = arith.muli %add3A, %mul3A_1 : i32
    "tpu.region"() ({
      %run_scoped3A = tpu.sem_alloc : memref<!tpu.dma_semaphore, #tpu.memory_space<semaphore_mem>>
      %dma_start3A_115 = arith.constant 0 : i32
      %dma_start3A_116 = tpu.memref_slice %arg3[%mul3A_2, %dma_start3A_115] : memref<3200x50xi32, #tpu.memory_space<hbm>> -> memref<100x50xi32, #tpu.memory_space<hbm>>
      %dma_start3A_117 = arith.constant 0 : i32
      %dma_start3A_118 = tpu.memref_slice %arg3[%mul3A_2, %dma_start3A_117] : memref<3200x50xi32, #tpu.memory_space<hbm>> -> memref<100x50xi32, #tpu.memory_space<hbm>>
      tpu.enqueue_dma source(%dma_start3A_118 : memref<100x50xi32, #tpu.memory_space<hbm>>) target(%arg7 : memref<100x50xi32, #tpu.memory_space<vmem>>) target_semaphore(%run_scoped3A : memref<!tpu.dma_semaphore, #tpu.memory_space<semaphore_mem>>)
      %dma_wait3A_119 = arith.constant 0 : i32
      %dma_wait3A_120 = tpu.memref_slice %arg3[%mul3A_2, %dma_wait3A_119] : memref<3200x50xi32, #tpu.memory_space<hbm>> -> memref<100x50xi32, #tpu.memory_space<hbm>>
      %dma_wait3A_121 = arith.constant 0 : i32
      %dma_wait3A_122 = tpu.memref_slice %arg3[%mul3A_2, %dma_wait3A_121] : memref<3200x50xi32, #tpu.memory_space<hbm>> -> memref<100x50xi32, #tpu.memory_space<hbm>>
      tpu.wait_dma2 semaphore(%run_scoped3A : memref<!tpu.dma_semaphore, #tpu.memory_space<semaphore_mem>>) src(%dma_wait3A_122 : memref<100x50xi32, #tpu.memory_space<hbm>>) dst(%arg7 : memref<100x50xi32, #tpu.memory_space<vmem>>)
      tpu.yield
    }) : () -> ()
    %mul3A_3 = arith.constant 100 : i32
    %mul3A_4 = arith.muli %add3A, %mul3A_3 : i32
    "tpu.region"() ({
      %run_scoped3A = tpu.sem_alloc : memref<!tpu.dma_semaphore, #tpu.memory_space<semaphore_mem>>
      %dma_start3A_115 = arith.constant 0 : i32
      %dma_start3A_116 = tpu.memref_slice %arg4[%mul3A_4, %dma_start3A_115] : memref<3200x50xi32, #tpu.memory_space<hbm>> -> memref<100x50xi32, #tpu.memory_space<hbm>>
      %dma_start3A_117 = arith.constant 0 : i32
      %dma_start3A_118 = tpu.memref_slice %arg4[%mul3A_4, %dma_start3A_117] : memref<3200x50xi32, #tpu.memory_space<hbm>> -> memref<100x50xi32, #tpu.memory_space<hbm>>
      tpu.enqueue_dma source(%dma_start3A_118 : memref<100x50xi32, #tpu.memory_space<hbm>>) target(%arg8 : memref<100x50xi32, #tpu.memory_space<vmem>>) target_semaphore(%run_scoped3A : memref<!tpu.dma_semaphore, #tpu.memory_space<semaphore_mem>>)
      %dma_wait3A_119 = arith.constant 0 : i32
      %dma_wait3A_120 = tpu.memref_slice %arg4[%mul3A_4, %dma_wait3A_119] : memref<3200x50xi32, #tpu.memory_space<hbm>> -> memref<100x50xi32, #tpu.memory_space<hbm>>
      %dma_wait3A_121 = arith.constant 0 : i32
      %dma_wait3A_122 = tpu.memref_slice %arg4[%mul3A_4, %dma_wait3A_121] : memref<3200x50xi32, #tpu.memory_space<hbm>> -> memref<100x50xi32, #tpu.memory_space<hbm>>
      tpu.wait_dma2 semaphore(%run_scoped3A : memref<!tpu.dma_semaphore, #tpu.memory_space<semaphore_mem>>) src(%dma_wait3A_122 : memref<100x50xi32, #tpu.memory_space<hbm>>) dst(%arg8 : memref<100x50xi32, #tpu.memory_space<vmem>>)
      tpu.yield
    }) : () -> ()
    %dma_start3A = arith.constant 0 : i32
    %dma_start3A_5 = arith.constant 0 : i32
    %dma_start3A_6 = arith.constant 0 : i32
    %dma_start3A_7 = tpu.memref_slice %arg7[%dma_start3A, %dma_start3A_6] : memref<100x50xi32, #tpu.memory_space<vmem>> -> memref<1x50xi32, #tpu.memory_space<vmem>>
    %dma_start3A_8 = tpu.memref_squeeze %dma_start3A_7 : memref<1x50xi32, #tpu.memory_space<vmem>> -> memref<50xi32, #tpu.memory_space<vmem>>
    %dma_start3A_9 = arith.constant 0 : i32
    %dma_start3A_10 = arith.constant 0 : i32
    %dma_start3A_11 = tpu.memref_slice %arg2[%dma_start3A_9, %dma_start3A_10] : memref<10000x128xf32, #tpu.memory_space<hbm>> -> memref<10000x128xf32, #tpu.memory_space<hbm>>
    %dma_start3A_12 = tpu.memref_slice %arg14[%dma_start3A_5] : memref<5x!tpu.dma_semaphore, #tpu.memory_space<semaphore_mem>> -> memref<1x!tpu.dma_semaphore, #tpu.memory_space<semaphore_mem>>
    %dma_start3A_13 = tpu.memref_squeeze %dma_start3A_12 : memref<1x!tpu.dma_semaphore, #tpu.memory_space<semaphore_mem>> -> memref<!tpu.dma_semaphore, #tpu.memory_space<semaphore_mem>>
    tpu.enqueue_indirect_dma source(%dma_start3A_11 : memref<10000x128xf32, #tpu.memory_space<hbm>>) target(%arg9 : memref<50x128xf32, #tpu.memory_space<vmem>>) offsets(%dma_start3A_8 : memref<50xi32, #tpu.memory_space<vmem>>) semaphore(%dma_start3A_13 : memref<!tpu.dma_semaphore, #tpu.memory_space<semaphore_mem>>)
    %dma_start3A_14 = arith.constant 1 : i32
    %dma_start3A_15 = arith.constant 1 : i32
    %dma_start3A_16 = arith.constant 0 : i32
    %dma_start3A_17 = tpu.memref_slice %arg7[%dma_start3A_14, %dma_start3A_16] : memref<100x50xi32, #tpu.memory_space<vmem>> -> memref<1x50xi32, #tpu.memory_space<vmem>>
    %dma_start3A_18 = tpu.memref_squeeze %dma_start3A_17 : memref<1x50xi32, #tpu.memory_space<vmem>> -> memref<50xi32, #tpu.memory_space<vmem>>
    %dma_start3A_19 = arith.constant 0 : i32
    %dma_start3A_20 = arith.constant 0 : i32
    %dma_start3A_21 = tpu.memref_slice %arg2[%dma_start3A_19, %dma_start3A_20] : memref<10000x128xf32, #tpu.memory_space<hbm>> -> memref<10000x128xf32, #tpu.memory_space<hbm>>
    %dma_start3A_22 = tpu.memref_slice %arg14[%dma_start3A_15] : memref<5x!tpu.dma_semaphore, #tpu.memory_space<semaphore_mem>> -> memref<1x!tpu.dma_semaphore, #tpu.memory_space<semaphore_mem>>
    %dma_start3A_23 = tpu.memref_squeeze %dma_start3A_22 : memref<1x!tpu.dma_semaphore, #tpu.memory_space<semaphore_mem>> -> memref<!tpu.dma_semaphore, #tpu.memory_space<semaphore_mem>>
    tpu.enqueue_indirect_dma source(%dma_start3A_21 : memref<10000x128xf32, #tpu.memory_space<hbm>>) target(%arg10 : memref<50x128xf32, #tpu.memory_space<vmem>>) offsets(%dma_start3A_18 : memref<50xi32, #tpu.memory_space<vmem>>) semaphore(%dma_start3A_23 : memref<!tpu.dma_semaphore, #tpu.memory_space<semaphore_mem>>)
    %dma_start3A_24 = arith.constant 2 : i32
    %dma_start3A_25 = arith.constant 2 : i32
    %dma_start3A_26 = arith.constant 0 : i32
    %dma_start3A_27 = tpu.memref_slice %arg7[%dma_start3A_24, %dma_start3A_26] : memref<100x50xi32, #tpu.memory_space<vmem>> -> memref<1x50xi32, #tpu.memory_space<vmem>>
    %dma_start3A_28 = tpu.memref_squeeze %dma_start3A_27 : memref<1x50xi32, #tpu.memory_space<vmem>> -> memref<50xi32, #tpu.memory_space<vmem>>
    %dma_start3A_29 = arith.constant 0 : i32
    %dma_start3A_30 = arith.constant 0 : i32
    %dma_start3A_31 = tpu.memref_slice %arg2[%dma_start3A_29, %dma_start3A_30] : memref<10000x128xf32, #tpu.memory_space<hbm>> -> memref<10000x128xf32, #tpu.memory_space<hbm>>
    %dma_start3A_32 = tpu.memref_slice %arg14[%dma_start3A_25] : memref<5x!tpu.dma_semaphore, #tpu.memory_space<semaphore_mem>> -> memref<1x!tpu.dma_semaphore, #tpu.memory_space<semaphore_mem>>
    %dma_start3A_33 = tpu.memref_squeeze %dma_start3A_32 : memref<1x!tpu.dma_semaphore, #tpu.memory_space<semaphore_mem>> -> memref<!tpu.dma_semaphore, #tpu.memory_space<semaphore_mem>>
    tpu.enqueue_indirect_dma source(%dma_start3A_31 : memref<10000x128xf32, #tpu.memory_space<hbm>>) target(%arg11 : memref<50x128xf32, #tpu.memory_space<vmem>>) offsets(%dma_start3A_28 : memref<50xi32, #tpu.memory_space<vmem>>) semaphore(%dma_start3A_33 : memref<!tpu.dma_semaphore, #tpu.memory_space<semaphore_mem>>)
    %dma_start3A_34 = arith.constant 3 : i32
    %dma_start3A_35 = arith.constant 3 : i32
    %dma_start3A_36 = arith.constant 0 : i32
    %dma_start3A_37 = tpu.memref_slice %arg7[%dma_start3A_34, %dma_start3A_36] : memref<100x50xi32, #tpu.memory_space<vmem>> -> memref<1x50xi32, #tpu.memory_space<vmem>>
    %dma_start3A_38 = tpu.memref_squeeze %dma_start3A_37 : memref<1x50xi32, #tpu.memory_space<vmem>> -> memref<50xi32, #tpu.memory_space<vmem>>
    %dma_start3A_39 = arith.constant 0 : i32
    %dma_start3A_40 = arith.constant 0 : i32
    %dma_start3A_41 = tpu.memref_slice %arg2[%dma_start3A_39, %dma_start3A_40] : memref<10000x128xf32, #tpu.memory_space<hbm>> -> memref<10000x128xf32, #tpu.memory_space<hbm>>
    %dma_start3A_42 = tpu.memref_slice %arg14[%dma_start3A_35] : memref<5x!tpu.dma_semaphore, #tpu.memory_space<semaphore_mem>> -> memref<1x!tpu.dma_semaphore, #tpu.memory_space<semaphore_mem>>
    %dma_start3A_43 = tpu.memref_squeeze %dma_start3A_42 : memref<1x!tpu.dma_semaphore, #tpu.memory_space<semaphore_mem>> -> memref<!tpu.dma_semaphore, #tpu.memory_space<semaphore_mem>>
    tpu.enqueue_indirect_dma source(%dma_start3A_41 : memref<10000x128xf32, #tpu.memory_space<hbm>>) target(%arg12 : memref<50x128xf32, #tpu.memory_space<vmem>>) offsets(%dma_start3A_38 : memref<50xi32, #tpu.memory_space<vmem>>) semaphore(%dma_start3A_43 : memref<!tpu.dma_semaphore, #tpu.memory_space<semaphore_mem>>)
    %dma_start3A_44 = arith.constant 4 : i32
    %dma_start3A_45 = arith.constant 4 : i32
    %dma_start3A_46 = arith.constant 0 : i32
    %dma_start3A_47 = tpu.memref_slice %arg7[%dma_start3A_44, %dma_start3A_46] : memref<100x50xi32, #tpu.memory_space<vmem>> -> memref<1x50xi32, #tpu.memory_space<vmem>>
    %dma_start3A_48 = tpu.memref_squeeze %dma_start3A_47 : memref<1x50xi32, #tpu.memory_space<vmem>> -> memref<50xi32, #tpu.memory_space<vmem>>
    %dma_start3A_49 = arith.constant 0 : i32
    %dma_start3A_50 = arith.constant 0 : i32
    %dma_start3A_51 = tpu.memref_slice %arg2[%dma_start3A_49, %dma_start3A_50] : memref<10000x128xf32, #tpu.memory_space<hbm>> -> memref<10000x128xf32, #tpu.memory_space<hbm>>
    %dma_start3A_52 = tpu.memref_slice %arg14[%dma_start3A_45] : memref<5x!tpu.dma_semaphore, #tpu.memory_space<semaphore_mem>> -> memref<1x!tpu.dma_semaphore, #tpu.memory_space<semaphore_mem>>
    %dma_start3A_53 = tpu.memref_squeeze %dma_start3A_52 : memref<1x!tpu.dma_semaphore, #tpu.memory_space<semaphore_mem>> -> memref<!tpu.dma_semaphore, #tpu.memory_space<semaphore_mem>>
    tpu.enqueue_indirect_dma source(%dma_start3A_51 : memref<10000x128xf32, #tpu.memory_space<hbm>>) target(%arg13 : memref<50x128xf32, #tpu.memory_space<vmem>>) offsets(%dma_start3A_48 : memref<50xi32, #tpu.memory_space<vmem>>) semaphore(%dma_start3A_53 : memref<!tpu.dma_semaphore, #tpu.memory_space<semaphore_mem>>)
    %mul3A_54 = arith.constant 640 : i32
    %mul3A_55 = arith.muli %arg1, %mul3A_54 : i32
    "tpu.region"() ({
      %run_scoped3A = tpu.sem_alloc : memref<!tpu.dma_semaphore, #tpu.memory_space<semaphore_mem>>
      %dma_start3A_115 = arith.constant 0 : i32
      %dma_start3A_116 = tpu.memref_slice %arg16[%mul3A_55, %dma_start3A_115] : memref<10240x128xf32, #tpu.memory_space<vmem_shared>> -> memref<640x128xf32, #tpu.memory_space<vmem_shared>>
      tpu.enqueue_dma source(%arg5 : memref<640x128xf32, #tpu.memory_space<hbm>>) target(%dma_start3A_116 : memref<640x128xf32, #tpu.memory_space<vmem_shared>>) target_semaphore(%run_scoped3A : memref<!tpu.dma_semaphore, #tpu.memory_space<semaphore_mem>>)
      %dma_wait3A_117 = arith.constant 0 : i32
      %dma_wait3A_118 = tpu.memref_slice %arg16[%mul3A_55, %dma_wait3A_117] : memref<10240x128xf32, #tpu.memory_space<vmem_shared>> -> memref<640x128xf32, #tpu.memory_space<vmem_shared>>
      tpu.wait_dma2 semaphore(%run_scoped3A : memref<!tpu.dma_semaphore, #tpu.memory_space<semaphore_mem>>) src(%arg5 : memref<640x128xf32, #tpu.memory_space<hbm>>) dst(%dma_wait3A_118 : memref<640x128xf32, #tpu.memory_space<vmem_shared>>)
      tpu.yield
    }) : () -> ()
    %barrier3A = arith.constant 0 : index
    tpu.barrier barrier_id(%barrier3A)
    %scan3A = arith.constant 0 : i32
    %scan3A_56 = arith.constant 0 : i32
    %scan3A_57 = arith.constant 20 : i32
    %scan3A_58 = arith.addi %scan3A_56, %scan3A_57 : i32
    %scan3A_59 = arith.constant 1 : i32
    scf.for %scan3A_115 = %scan3A_56 to %scan3A_58 step %scan3A_59  : i32 {
      %mul3A_116 = arith.constant 5 : i32
      %mul3A_117 = arith.muli %mul3A_116, %scan3A_115 : i32
      %add3A_118 = arith.constant 0 : i32
      %add3A_119 = arith.addi %mul3A_117, %add3A_118 : i32
      %dma_wait3A_120 = arith.constant 0 : i32
      %dma_wait3A_121 = arith.constant 0 : i32
      %dma_wait3A_122 = tpu.memref_slice %arg7[%add3A_119, %dma_wait3A_121] : memref<100x50xi32, #tpu.memory_space<vmem>> -> memref<1x50xi32, #tpu.memory_space<vmem>>
      %dma_wait3A_123 = tpu.memref_squeeze %dma_wait3A_122 : memref<1x50xi32, #tpu.memory_space<vmem>> -> memref<50xi32, #tpu.memory_space<vmem>>
      %dma_wait3A_124 = arith.constant 0 : i32
      %dma_wait3A_125 = arith.constant 0 : i32
      %dma_wait3A_126 = tpu.memref_slice %arg2[%dma_wait3A_124, %dma_wait3A_125] : memref<10000x128xf32, #tpu.memory_space<hbm>> -> memref<10000x128xf32, #tpu.memory_space<hbm>>
      %dma_wait3A_127 = tpu.memref_slice %arg14[%dma_wait3A_120] : memref<5x!tpu.dma_semaphore, #tpu.memory_space<semaphore_mem>> -> memref<1x!tpu.dma_semaphore, #tpu.memory_space<semaphore_mem>>
      %dma_wait3A_128 = tpu.memref_squeeze %dma_wait3A_127 : memref<1x!tpu.dma_semaphore, #tpu.memory_space<semaphore_mem>> -> memref<!tpu.dma_semaphore, #tpu.memory_space<semaphore_mem>>
      tpu.wait_indirect_dma semaphore(%dma_wait3A_128 : memref<!tpu.dma_semaphore, #tpu.memory_space<semaphore_mem>>) src(%dma_wait3A_126 : memref<10000x128xf32, #tpu.memory_space<hbm>>) dst(%arg9 : memref<50x128xf32, #tpu.memory_space<vmem>>)
      %dma_start3A_129 = arith.constant 0 : i32
      %dma_start3A_130 = arith.constant 0 : i32
      %dma_start3A_131 = tpu.memref_slice %arg8[%add3A_119, %dma_start3A_130] : memref<100x50xi32, #tpu.memory_space<vmem>> -> memref<1x50xi32, #tpu.memory_space<vmem>>
      %dma_start3A_132 = tpu.memref_squeeze %dma_start3A_131 : memref<1x50xi32, #tpu.memory_space<vmem>> -> memref<50xi32, #tpu.memory_space<vmem>>
      %dma_start3A_133 = arith.constant 0 : i32
      %dma_start3A_134 = arith.constant 0 : i32
      %dma_start3A_135 = tpu.memref_slice %arg16[%dma_start3A_133, %dma_start3A_134] : memref<10240x128xf32, #tpu.memory_space<vmem_shared>> -> memref<10240x128xf32, #tpu.memory_space<vmem_shared>>
      %dma_start3A_136 = tpu.memref_slice %arg15[%dma_start3A_129] : memref<5x!tpu.dma_semaphore, #tpu.memory_space<semaphore_mem>> -> memref<1x!tpu.dma_semaphore, #tpu.memory_space<semaphore_mem>>
      %dma_start3A_137 = tpu.memref_squeeze %dma_start3A_136 : memref<1x!tpu.dma_semaphore, #tpu.memory_space<semaphore_mem>> -> memref<!tpu.dma_semaphore, #tpu.memory_space<semaphore_mem>>
      tpu.enqueue_indirect_dma source(%arg9 : memref<50x128xf32, #tpu.memory_space<vmem>>) target(%dma_start3A_135 : memref<10240x128xf32, #tpu.memory_space<vmem_shared>>) offsets(%dma_start3A_132 : memref<50xi32, #tpu.memory_space<vmem>>) semaphore(%dma_start3A_137 : memref<!tpu.dma_semaphore, #tpu.memory_space<semaphore_mem>>) {add = true}
      %add3A_138 = arith.constant 5 : i32
      %add3A_139 = arith.addi %add3A_119, %add3A_138 : i32
      %lt3A = arith.constant 100 : i32
      %lt3A_140 = arith.cmpi slt, %add3A_139, %lt3A : i32
      %convert_element_type3A = arith.extui %lt3A_140 : i1 to i32
      %cond3A = arith.constant 0 : i32
      %cond3A_141 = arith.cmpi ne, %convert_element_type3A, %cond3A : i32
      scf.if %cond3A_141 {
        %dma_wait3A_258 = arith.constant 0 : i32
        %dma_wait3A_259 = arith.constant 0 : i32
        %dma_wait3A_260 = tpu.memref_slice %arg8[%add3A_119, %dma_wait3A_259] : memref<100x50xi32, #tpu.memory_space<vmem>> -> memref<1x50xi32, #tpu.memory_space<vmem>>
        %dma_wait3A_261 = tpu.memref_squeeze %dma_wait3A_260 : memref<1x50xi32, #tpu.memory_space<vmem>> -> memref<50xi32, #tpu.memory_space<vmem>>
        %dma_wait3A_262 = arith.constant 0 : i32
        %dma_wait3A_263 = arith.constant 0 : i32
        %dma_wait3A_264 = tpu.memref_slice %arg16[%dma_wait3A_262, %dma_wait3A_263] : memref<10240x128xf32, #tpu.memory_space<vmem_shared>> -> memref<10240x128xf32, #tpu.memory_space<vmem_shared>>
        %dma_wait3A_265 = tpu.memref_slice %arg15[%dma_wait3A_258] : memref<5x!tpu.dma_semaphore, #tpu.memory_space<semaphore_mem>> -> memref<1x!tpu.dma_semaphore, #tpu.memory_space<semaphore_mem>>
        %dma_wait3A_266 = tpu.memref_squeeze %dma_wait3A_265 : memref<1x!tpu.dma_semaphore, #tpu.memory_space<semaphore_mem>> -> memref<!tpu.dma_semaphore, #tpu.memory_space<semaphore_mem>>
        tpu.wait_indirect_dma semaphore(%dma_wait3A_266 : memref<!tpu.dma_semaphore, #tpu.memory_space<semaphore_mem>>) src(%arg9 : memref<50x128xf32, #tpu.memory_space<vmem>>) dst(%dma_wait3A_264 : memref<10240x128xf32, #tpu.memory_space<vmem_shared>>)
        %add3A_267 = arith.constant 5 : i32
        %add3A_268 = arith.addi %add3A_119, %add3A_267 : i32
        %dma_start3A_269 = arith.constant 0 : i32
        %dma_start3A_270 = arith.constant 0 : i32
        %dma_start3A_271 = tpu.memref_slice %arg7[%add3A_268, %dma_start3A_270] : memref<100x50xi32, #tpu.memory_space<vmem>> -> memref<1x50xi32, #tpu.memory_space<vmem>>
        %dma_start3A_272 = tpu.memref_squeeze %dma_start3A_271 : memref<1x50xi32, #tpu.memory_space<vmem>> -> memref<50xi32, #tpu.memory_space<vmem>>
        %dma_start3A_273 = arith.constant 0 : i32
        %dma_start3A_274 = arith.constant 0 : i32
        %dma_start3A_275 = tpu.memref_slice %arg2[%dma_start3A_273, %dma_start3A_274] : memref<10000x128xf32, #tpu.memory_space<hbm>> -> memref<10000x128xf32, #tpu.memory_space<hbm>>
        %dma_start3A_276 = tpu.memref_slice %arg14[%dma_start3A_269] : memref<5x!tpu.dma_semaphore, #tpu.memory_space<semaphore_mem>> -> memref<1x!tpu.dma_semaphore, #tpu.memory_space<semaphore_mem>>
        %dma_start3A_277 = tpu.memref_squeeze %dma_start3A_276 : memref<1x!tpu.dma_semaphore, #tpu.memory_space<semaphore_mem>> -> memref<!tpu.dma_semaphore, #tpu.memory_space<semaphore_mem>>
        tpu.enqueue_indirect_dma source(%dma_start3A_275 : memref<10000x128xf32, #tpu.memory_space<hbm>>) target(%arg9 : memref<50x128xf32, #tpu.memory_space<vmem>>) offsets(%dma_start3A_272 : memref<50xi32, #tpu.memory_space<vmem>>) semaphore(%dma_start3A_277 : memref<!tpu.dma_semaphore, #tpu.memory_space<semaphore_mem>>)
      } else {
      }
      %mul3A_142 = arith.constant 5 : i32
      %mul3A_143 = arith.muli %mul3A_142, %scan3A_115 : i32
      %add3A_144 = arith.constant 1 : i32
      %add3A_145 = arith.addi %mul3A_143, %add3A_144 : i32
      %dma_wait3A_146 = arith.constant 1 : i32
      %dma_wait3A_147 = arith.constant 0 : i32
      %dma_wait3A_148 = tpu.memref_slice %arg7[%add3A_145, %dma_wait3A_147] : memref<100x50xi32, #tpu.memory_space<vmem>> -> memref<1x50xi32, #tpu.memory_space<vmem>>
      %dma_wait3A_149 = tpu.memref_squeeze %dma_wait3A_148 : memref<1x50xi32, #tpu.memory_space<vmem>> -> memref<50xi32, #tpu.memory_space<vmem>>
      %dma_wait3A_150 = arith.constant 0 : i32
      %dma_wait3A_151 = arith.constant 0 : i32
      %dma_wait3A_152 = tpu.memref_slice %arg2[%dma_wait3A_150, %dma_wait3A_151] : memref<10000x128xf32, #tpu.memory_space<hbm>> -> memref<10000x128xf32, #tpu.memory_space<hbm>>
      %dma_wait3A_153 = tpu.memref_slice %arg14[%dma_wait3A_146] : memref<5x!tpu.dma_semaphore, #tpu.memory_space<semaphore_mem>> -> memref<1x!tpu.dma_semaphore, #tpu.memory_space<semaphore_mem>>
      %dma_wait3A_154 = tpu.memref_squeeze %dma_wait3A_153 : memref<1x!tpu.dma_semaphore, #tpu.memory_space<semaphore_mem>> -> memref<!tpu.dma_semaphore, #tpu.memory_space<semaphore_mem>>
      tpu.wait_indirect_dma semaphore(%dma_wait3A_154 : memref<!tpu.dma_semaphore, #tpu.memory_space<semaphore_mem>>) src(%dma_wait3A_152 : memref<10000x128xf32, #tpu.memory_space<hbm>>) dst(%arg10 : memref<50x128xf32, #tpu.memory_space<vmem>>)
      %dma_start3A_155 = arith.constant 1 : i32
      %dma_start3A_156 = arith.constant 0 : i32
      %dma_start3A_157 = tpu.memref_slice %arg8[%add3A_145, %dma_start3A_156] : memref<100x50xi32, #tpu.memory_space<vmem>> -> memref<1x50xi32, #tpu.memory_space<vmem>>
      %dma_start3A_158 = tpu.memref_squeeze %dma_start3A_157 : memref<1x50xi32, #tpu.memory_space<vmem>> -> memref<50xi32, #tpu.memory_space<vmem>>
      %dma_start3A_159 = arith.constant 0 : i32
      %dma_start3A_160 = arith.constant 0 : i32
      %dma_start3A_161 = tpu.memref_slice %arg16[%dma_start3A_159, %dma_start3A_160] : memref<10240x128xf32, #tpu.memory_space<vmem_shared>> -> memref<10240x128xf32, #tpu.memory_space<vmem_shared>>
      %dma_start3A_162 = tpu.memref_slice %arg15[%dma_start3A_155] : memref<5x!tpu.dma_semaphore, #tpu.memory_space<semaphore_mem>> -> memref<1x!tpu.dma_semaphore, #tpu.memory_space<semaphore_mem>>
      %dma_start3A_163 = tpu.memref_squeeze %dma_start3A_162 : memref<1x!tpu.dma_semaphore, #tpu.memory_space<semaphore_mem>> -> memref<!tpu.dma_semaphore, #tpu.memory_space<semaphore_mem>>
      tpu.enqueue_indirect_dma source(%arg10 : memref<50x128xf32, #tpu.memory_space<vmem>>) target(%dma_start3A_161 : memref<10240x128xf32, #tpu.memory_space<vmem_shared>>) offsets(%dma_start3A_158 : memref<50xi32, #tpu.memory_space<vmem>>) semaphore(%dma_start3A_163 : memref<!tpu.dma_semaphore, #tpu.memory_space<semaphore_mem>>) {add = true}
      %add3A_164 = arith.constant 5 : i32
      %add3A_165 = arith.addi %add3A_145, %add3A_164 : i32
      %lt3A_166 = arith.constant 100 : i32
      %lt3A_167 = arith.cmpi slt, %add3A_165, %lt3A_166 : i32
      %convert_element_type3A_168 = arith.extui %lt3A_167 : i1 to i32
      %cond3A_169 = arith.constant 0 : i32
      %cond3A_170 = arith.cmpi ne, %convert_element_type3A_168, %cond3A_169 : i32
      scf.if %cond3A_170 {
        %dma_wait3A_258 = arith.constant 1 : i32
        %dma_wait3A_259 = arith.constant 0 : i32
        %dma_wait3A_260 = tpu.memref_slice %arg8[%add3A_145, %dma_wait3A_259] : memref<100x50xi32, #tpu.memory_space<vmem>> -> memref<1x50xi32, #tpu.memory_space<vmem>>
        %dma_wait3A_261 = tpu.memref_squeeze %dma_wait3A_260 : memref<1x50xi32, #tpu.memory_space<vmem>> -> memref<50xi32, #tpu.memory_space<vmem>>
        %dma_wait3A_262 = arith.constant 0 : i32
        %dma_wait3A_263 = arith.constant 0 : i32
        %dma_wait3A_264 = tpu.memref_slice %arg16[%dma_wait3A_262, %dma_wait3A_263] : memref<10240x128xf32, #tpu.memory_space<vmem_shared>> -> memref<10240x128xf32, #tpu.memory_space<vmem_shared>>
        %dma_wait3A_265 = tpu.memref_slice %arg15[%dma_wait3A_258] : memref<5x!tpu.dma_semaphore, #tpu.memory_space<semaphore_mem>> -> memref<1x!tpu.dma_semaphore, #tpu.memory_space<semaphore_mem>>
        %dma_wait3A_266 = tpu.memref_squeeze %dma_wait3A_265 : memref<1x!tpu.dma_semaphore, #tpu.memory_space<semaphore_mem>> -> memref<!tpu.dma_semaphore, #tpu.memory_space<semaphore_mem>>
        tpu.wait_indirect_dma semaphore(%dma_wait3A_266 : memref<!tpu.dma_semaphore, #tpu.memory_space<semaphore_mem>>) src(%arg10 : memref<50x128xf32, #tpu.memory_space<vmem>>) dst(%dma_wait3A_264 : memref<10240x128xf32, #tpu.memory_space<vmem_shared>>)
        %add3A_267 = arith.constant 5 : i32
        %add3A_268 = arith.addi %add3A_145, %add3A_267 : i32
        %dma_start3A_269 = arith.constant 1 : i32
        %dma_start3A_270 = arith.constant 0 : i32
        %dma_start3A_271 = tpu.memref_slice %arg7[%add3A_268, %dma_start3A_270] : memref<100x50xi32, #tpu.memory_space<vmem>> -> memref<1x50xi32, #tpu.memory_space<vmem>>
        %dma_start3A_272 = tpu.memref_squeeze %dma_start3A_271 : memref<1x50xi32, #tpu.memory_space<vmem>> -> memref<50xi32, #tpu.memory_space<vmem>>
        %dma_start3A_273 = arith.constant 0 : i32
        %dma_start3A_274 = arith.constant 0 : i32
        %dma_start3A_275 = tpu.memref_slice %arg2[%dma_start3A_273, %dma_start3A_274] : memref<10000x128xf32, #tpu.memory_space<hbm>> -> memref<10000x128xf32, #tpu.memory_space<hbm>>
        %dma_start3A_276 = tpu.memref_slice %arg14[%dma_start3A_269] : memref<5x!tpu.dma_semaphore, #tpu.memory_space<semaphore_mem>> -> memref<1x!tpu.dma_semaphore, #tpu.memory_space<semaphore_mem>>
        %dma_start3A_277 = tpu.memref_squeeze %dma_start3A_276 : memref<1x!tpu.dma_semaphore, #tpu.memory_space<semaphore_mem>> -> memref<!tpu.dma_semaphore, #tpu.memory_space<semaphore_mem>>
        tpu.enqueue_indirect_dma source(%dma_start3A_275 : memref<10000x128xf32, #tpu.memory_space<hbm>>) target(%arg10 : memref<50x128xf32, #tpu.memory_space<vmem>>) offsets(%dma_start3A_272 : memref<50xi32, #tpu.memory_space<vmem>>) semaphore(%dma_start3A_277 : memref<!tpu.dma_semaphore, #tpu.memory_space<semaphore_mem>>)
      } else {
      }
      %mul3A_171 = arith.constant 5 : i32
      %mul3A_172 = arith.muli %mul3A_171, %scan3A_115 : i32
      %add3A_173 = arith.constant 2 : i32
      %add3A_174 = arith.addi %mul3A_172, %add3A_173 : i32
      %dma_wait3A_175 = arith.constant 2 : i32
      %dma_wait3A_176 = arith.constant 0 : i32
      %dma_wait3A_177 = tpu.memref_slice %arg7[%add3A_174, %dma_wait3A_176] : memref<100x50xi32, #tpu.memory_space<vmem>> -> memref<1x50xi32, #tpu.memory_space<vmem>>
      %dma_wait3A_178 = tpu.memref_squeeze %dma_wait3A_177 : memref<1x50xi32, #tpu.memory_space<vmem>> -> memref<50xi32, #tpu.memory_space<vmem>>
      %dma_wait3A_179 = arith.constant 0 : i32
      %dma_wait3A_180 = arith.constant 0 : i32
      %dma_wait3A_181 = tpu.memref_slice %arg2[%dma_wait3A_179, %dma_wait3A_180] : memref<10000x128xf32, #tpu.memory_space<hbm>> -> memref<10000x128xf32, #tpu.memory_space<hbm>>
      %dma_wait3A_182 = tpu.memref_slice %arg14[%dma_wait3A_175] : memref<5x!tpu.dma_semaphore, #tpu.memory_space<semaphore_mem>> -> memref<1x!tpu.dma_semaphore, #tpu.memory_space<semaphore_mem>>
      %dma_wait3A_183 = tpu.memref_squeeze %dma_wait3A_182 : memref<1x!tpu.dma_semaphore, #tpu.memory_space<semaphore_mem>> -> memref<!tpu.dma_semaphore, #tpu.memory_space<semaphore_mem>>
      tpu.wait_indirect_dma semaphore(%dma_wait3A_183 : memref<!tpu.dma_semaphore, #tpu.memory_space<semaphore_mem>>) src(%dma_wait3A_181 : memref<10000x128xf32, #tpu.memory_space<hbm>>) dst(%arg11 : memref<50x128xf32, #tpu.memory_space<vmem>>)
      %dma_start3A_184 = arith.constant 2 : i32
      %dma_start3A_185 = arith.constant 0 : i32
      %dma_start3A_186 = tpu.memref_slice %arg8[%add3A_174, %dma_start3A_185] : memref<100x50xi32, #tpu.memory_space<vmem>> -> memref<1x50xi32, #tpu.memory_space<vmem>>
      %dma_start3A_187 = tpu.memref_squeeze %dma_start3A_186 : memref<1x50xi32, #tpu.memory_space<vmem>> -> memref<50xi32, #tpu.memory_space<vmem>>
      %dma_start3A_188 = arith.constant 0 : i32
      %dma_start3A_189 = arith.constant 0 : i32
      %dma_start3A_190 = tpu.memref_slice %arg16[%dma_start3A_188, %dma_start3A_189] : memref<10240x128xf32, #tpu.memory_space<vmem_shared>> -> memref<10240x128xf32, #tpu.memory_space<vmem_shared>>
      %dma_start3A_191 = tpu.memref_slice %arg15[%dma_start3A_184] : memref<5x!tpu.dma_semaphore, #tpu.memory_space<semaphore_mem>> -> memref<1x!tpu.dma_semaphore, #tpu.memory_space<semaphore_mem>>
      %dma_start3A_192 = tpu.memref_squeeze %dma_start3A_191 : memref<1x!tpu.dma_semaphore, #tpu.memory_space<semaphore_mem>> -> memref<!tpu.dma_semaphore, #tpu.memory_space<semaphore_mem>>
      tpu.enqueue_indirect_dma source(%arg11 : memref<50x128xf32, #tpu.memory_space<vmem>>) target(%dma_start3A_190 : memref<10240x128xf32, #tpu.memory_space<vmem_shared>>) offsets(%dma_start3A_187 : memref<50xi32, #tpu.memory_space<vmem>>) semaphore(%dma_start3A_192 : memref<!tpu.dma_semaphore, #tpu.memory_space<semaphore_mem>>) {add = true}
      %add3A_193 = arith.constant 5 : i32
      %add3A_194 = arith.addi %add3A_174, %add3A_193 : i32
      %lt3A_195 = arith.constant 100 : i32
      %lt3A_196 = arith.cmpi slt, %add3A_194, %lt3A_195 : i32
      %convert_element_type3A_197 = arith.extui %lt3A_196 : i1 to i32
      %cond3A_198 = arith.constant 0 : i32
      %cond3A_199 = arith.cmpi ne, %convert_element_type3A_197, %cond3A_198 : i32
      scf.if %cond3A_199 {
        %dma_wait3A_258 = arith.constant 2 : i32
        %dma_wait3A_259 = arith.constant 0 : i32
        %dma_wait3A_260 = tpu.memref_slice %arg8[%add3A_174, %dma_wait3A_259] : memref<100x50xi32, #tpu.memory_space<vmem>> -> memref<1x50xi32, #tpu.memory_space<vmem>>
        %dma_wait3A_261 = tpu.memref_squeeze %dma_wait3A_260 : memref<1x50xi32, #tpu.memory_space<vmem>> -> memref<50xi32, #tpu.memory_space<vmem>>
        %dma_wait3A_262 = arith.constant 0 : i32
        %dma_wait3A_263 = arith.constant 0 : i32
        %dma_wait3A_264 = tpu.memref_slice %arg16[%dma_wait3A_262, %dma_wait3A_263] : memref<10240x128xf32, #tpu.memory_space<vmem_shared>> -> memref<10240x128xf32, #tpu.memory_space<vmem_shared>>
        %dma_wait3A_265 = tpu.memref_slice %arg15[%dma_wait3A_258] : memref<5x!tpu.dma_semaphore, #tpu.memory_space<semaphore_mem>> -> memref<1x!tpu.dma_semaphore, #tpu.memory_space<semaphore_mem>>
        %dma_wait3A_266 = tpu.memref_squeeze %dma_wait3A_265 : memref<1x!tpu.dma_semaphore, #tpu.memory_space<semaphore_mem>> -> memref<!tpu.dma_semaphore, #tpu.memory_space<semaphore_mem>>
        tpu.wait_indirect_dma semaphore(%dma_wait3A_266 : memref<!tpu.dma_semaphore, #tpu.memory_space<semaphore_mem>>) src(%arg11 : memref<50x128xf32, #tpu.memory_space<vmem>>) dst(%dma_wait3A_264 : memref<10240x128xf32, #tpu.memory_space<vmem_shared>>)
        %add3A_267 = arith.constant 5 : i32
        %add3A_268 = arith.addi %add3A_174, %add3A_267 : i32
        %dma_start3A_269 = arith.constant 2 : i32
        %dma_start3A_270 = arith.constant 0 : i32
        %dma_start3A_271 = tpu.memref_slice %arg7[%add3A_268, %dma_start3A_270] : memref<100x50xi32, #tpu.memory_space<vmem>> -> memref<1x50xi32, #tpu.memory_space<vmem>>
        %dma_start3A_272 = tpu.memref_squeeze %dma_start3A_271 : memref<1x50xi32, #tpu.memory_space<vmem>> -> memref<50xi32, #tpu.memory_space<vmem>>
        %dma_start3A_273 = arith.constant 0 : i32
        %dma_start3A_274 = arith.constant 0 : i32
        %dma_start3A_275 = tpu.memref_slice %arg2[%dma_start3A_273, %dma_start3A_274] : memref<10000x128xf32, #tpu.memory_space<hbm>> -> memref<10000x128xf32, #tpu.memory_space<hbm>>
        %dma_start3A_276 = tpu.memref_slice %arg14[%dma_start3A_269] : memref<5x!tpu.dma_semaphore, #tpu.memory_space<semaphore_mem>> -> memref<1x!tpu.dma_semaphore, #tpu.memory_space<semaphore_mem>>
        %dma_start3A_277 = tpu.memref_squeeze %dma_start3A_276 : memref<1x!tpu.dma_semaphore, #tpu.memory_space<semaphore_mem>> -> memref<!tpu.dma_semaphore, #tpu.memory_space<semaphore_mem>>
        tpu.enqueue_indirect_dma source(%dma_start3A_275 : memref<10000x128xf32, #tpu.memory_space<hbm>>) target(%arg11 : memref<50x128xf32, #tpu.memory_space<vmem>>) offsets(%dma_start3A_272 : memref<50xi32, #tpu.memory_space<vmem>>) semaphore(%dma_start3A_277 : memref<!tpu.dma_semaphore, #tpu.memory_space<semaphore_mem>>)
      } else {
      }
      %mul3A_200 = arith.constant 5 : i32
      %mul3A_201 = arith.muli %mul3A_200, %scan3A_115 : i32
      %add3A_202 = arith.constant 3 : i32
      %add3A_203 = arith.addi %mul3A_201, %add3A_202 : i32
      %dma_wait3A_204 = arith.constant 3 : i32
      %dma_wait3A_205 = arith.constant 0 : i32
      %dma_wait3A_206 = tpu.memref_slice %arg7[%add3A_203, %dma_wait3A_205] : memref<100x50xi32, #tpu.memory_space<vmem>> -> memref<1x50xi32, #tpu.memory_space<vmem>>
      %dma_wait3A_207 = tpu.memref_squeeze %dma_wait3A_206 : memref<1x50xi32, #tpu.memory_space<vmem>> -> memref<50xi32, #tpu.memory_space<vmem>>
      %dma_wait3A_208 = arith.constant 0 : i32
      %dma_wait3A_209 = arith.constant 0 : i32
      %dma_wait3A_210 = tpu.memref_slice %arg2[%dma_wait3A_208, %dma_wait3A_209] : memref<10000x128xf32, #tpu.memory_space<hbm>> -> memref<10000x128xf32, #tpu.memory_space<hbm>>
      %dma_wait3A_211 = tpu.memref_slice %arg14[%dma_wait3A_204] : memref<5x!tpu.dma_semaphore, #tpu.memory_space<semaphore_mem>> -> memref<1x!tpu.dma_semaphore, #tpu.memory_space<semaphore_mem>>
      %dma_wait3A_212 = tpu.memref_squeeze %dma_wait3A_211 : memref<1x!tpu.dma_semaphore, #tpu.memory_space<semaphore_mem>> -> memref<!tpu.dma_semaphore, #tpu.memory_space<semaphore_mem>>
      tpu.wait_indirect_dma semaphore(%dma_wait3A_212 : memref<!tpu.dma_semaphore, #tpu.memory_space<semaphore_mem>>) src(%dma_wait3A_210 : memref<10000x128xf32, #tpu.memory_space<hbm>>) dst(%arg12 : memref<50x128xf32, #tpu.memory_space<vmem>>)
      %dma_start3A_213 = arith.constant 3 : i32
      %dma_start3A_214 = arith.constant 0 : i32
      %dma_start3A_215 = tpu.memref_slice %arg8[%add3A_203, %dma_start3A_214] : memref<100x50xi32, #tpu.memory_space<vmem>> -> memref<1x50xi32, #tpu.memory_space<vmem>>
      %dma_start3A_216 = tpu.memref_squeeze %dma_start3A_215 : memref<1x50xi32, #tpu.memory_space<vmem>> -> memref<50xi32, #tpu.memory_space<vmem>>
      %dma_start3A_217 = arith.constant 0 : i32
      %dma_start3A_218 = arith.constant 0 : i32
      %dma_start3A_219 = tpu.memref_slice %arg16[%dma_start3A_217, %dma_start3A_218] : memref<10240x128xf32, #tpu.memory_space<vmem_shared>> -> memref<10240x128xf32, #tpu.memory_space<vmem_shared>>
      %dma_start3A_220 = tpu.memref_slice %arg15[%dma_start3A_213] : memref<5x!tpu.dma_semaphore, #tpu.memory_space<semaphore_mem>> -> memref<1x!tpu.dma_semaphore, #tpu.memory_space<semaphore_mem>>
      %dma_start3A_221 = tpu.memref_squeeze %dma_start3A_220 : memref<1x!tpu.dma_semaphore, #tpu.memory_space<semaphore_mem>> -> memref<!tpu.dma_semaphore, #tpu.memory_space<semaphore_mem>>
      tpu.enqueue_indirect_dma source(%arg12 : memref<50x128xf32, #tpu.memory_space<vmem>>) target(%dma_start3A_219 : memref<10240x128xf32, #tpu.memory_space<vmem_shared>>) offsets(%dma_start3A_216 : memref<50xi32, #tpu.memory_space<vmem>>) semaphore(%dma_start3A_221 : memref<!tpu.dma_semaphore, #tpu.memory_space<semaphore_mem>>) {add = true}
      %add3A_222 = arith.constant 5 : i32
      %add3A_223 = arith.addi %add3A_203, %add3A_222 : i32
      %lt3A_224 = arith.constant 100 : i32
      %lt3A_225 = arith.cmpi slt, %add3A_223, %lt3A_224 : i32
      %convert_element_type3A_226 = arith.extui %lt3A_225 : i1 to i32
      %cond3A_227 = arith.constant 0 : i32
      %cond3A_228 = arith.cmpi ne, %convert_element_type3A_226, %cond3A_227 : i32
      scf.if %cond3A_228 {
        %dma_wait3A_258 = arith.constant 3 : i32
        %dma_wait3A_259 = arith.constant 0 : i32
        %dma_wait3A_260 = tpu.memref_slice %arg8[%add3A_203, %dma_wait3A_259] : memref<100x50xi32, #tpu.memory_space<vmem>> -> memref<1x50xi32, #tpu.memory_space<vmem>>
        %dma_wait3A_261 = tpu.memref_squeeze %dma_wait3A_260 : memref<1x50xi32, #tpu.memory_space<vmem>> -> memref<50xi32, #tpu.memory_space<vmem>>
        %dma_wait3A_262 = arith.constant 0 : i32
        %dma_wait3A_263 = arith.constant 0 : i32
        %dma_wait3A_264 = tpu.memref_slice %arg16[%dma_wait3A_262, %dma_wait3A_263] : memref<10240x128xf32, #tpu.memory_space<vmem_shared>> -> memref<10240x128xf32, #tpu.memory_space<vmem_shared>>
        %dma_wait3A_265 = tpu.memref_slice %arg15[%dma_wait3A_258] : memref<5x!tpu.dma_semaphore, #tpu.memory_space<semaphore_mem>> -> memref<1x!tpu.dma_semaphore, #tpu.memory_space<semaphore_mem>>
        %dma_wait3A_266 = tpu.memref_squeeze %dma_wait3A_265 : memref<1x!tpu.dma_semaphore, #tpu.memory_space<semaphore_mem>> -> memref<!tpu.dma_semaphore, #tpu.memory_space<semaphore_mem>>
        tpu.wait_indirect_dma semaphore(%dma_wait3A_266 : memref<!tpu.dma_semaphore, #tpu.memory_space<semaphore_mem>>) src(%arg12 : memref<50x128xf32, #tpu.memory_space<vmem>>) dst(%dma_wait3A_264 : memref<10240x128xf32, #tpu.memory_space<vmem_shared>>)
        %add3A_267 = arith.constant 5 : i32
        %add3A_268 = arith.addi %add3A_203, %add3A_267 : i32
        %dma_start3A_269 = arith.constant 3 : i32
        %dma_start3A_270 = arith.constant 0 : i32
        %dma_start3A_271 = tpu.memref_slice %arg7[%add3A_268, %dma_start3A_270] : memref<100x50xi32, #tpu.memory_space<vmem>> -> memref<1x50xi32, #tpu.memory_space<vmem>>
        %dma_start3A_272 = tpu.memref_squeeze %dma_start3A_271 : memref<1x50xi32, #tpu.memory_space<vmem>> -> memref<50xi32, #tpu.memory_space<vmem>>
        %dma_start3A_273 = arith.constant 0 : i32
        %dma_start3A_274 = arith.constant 0 : i32
        %dma_start3A_275 = tpu.memref_slice %arg2[%dma_start3A_273, %dma_start3A_274] : memref<10000x128xf32, #tpu.memory_space<hbm>> -> memref<10000x128xf32, #tpu.memory_space<hbm>>
        %dma_start3A_276 = tpu.memref_slice %arg14[%dma_start3A_269] : memref<5x!tpu.dma_semaphore, #tpu.memory_space<semaphore_mem>> -> memref<1x!tpu.dma_semaphore, #tpu.memory_space<semaphore_mem>>
        %dma_start3A_277 = tpu.memref_squeeze %dma_start3A_276 : memref<1x!tpu.dma_semaphore, #tpu.memory_space<semaphore_mem>> -> memref<!tpu.dma_semaphore, #tpu.memory_space<semaphore_mem>>
        tpu.enqueue_indirect_dma source(%dma_start3A_275 : memref<10000x128xf32, #tpu.memory_space<hbm>>) target(%arg12 : memref<50x128xf32, #tpu.memory_space<vmem>>) offsets(%dma_start3A_272 : memref<50xi32, #tpu.memory_space<vmem>>) semaphore(%dma_start3A_277 : memref<!tpu.dma_semaphore, #tpu.memory_space<semaphore_mem>>)
      } else {
      }
      %mul3A_229 = arith.constant 5 : i32
      %mul3A_230 = arith.muli %mul3A_229, %scan3A_115 : i32
      %add3A_231 = arith.constant 4 : i32
      %add3A_232 = arith.addi %mul3A_230, %add3A_231 : i32
      %dma_wait3A_233 = arith.constant 4 : i32
      %dma_wait3A_234 = arith.constant 0 : i32
      %dma_wait3A_235 = tpu.memref_slice %arg7[%add3A_232, %dma_wait3A_234] : memref<100x50xi32, #tpu.memory_space<vmem>> -> memref<1x50xi32, #tpu.memory_space<vmem>>
      %dma_wait3A_236 = tpu.memref_squeeze %dma_wait3A_235 : memref<1x50xi32, #tpu.memory_space<vmem>> -> memref<50xi32, #tpu.memory_space<vmem>>
      %dma_wait3A_237 = arith.constant 0 : i32
      %dma_wait3A_238 = arith.constant 0 : i32
      %dma_wait3A_239 = tpu.memref_slice %arg2[%dma_wait3A_237, %dma_wait3A_238] : memref<10000x128xf32, #tpu.memory_space<hbm>> -> memref<10000x128xf32, #tpu.memory_space<hbm>>
      %dma_wait3A_240 = tpu.memref_slice %arg14[%dma_wait3A_233] : memref<5x!tpu.dma_semaphore, #tpu.memory_space<semaphore_mem>> -> memref<1x!tpu.dma_semaphore, #tpu.memory_space<semaphore_mem>>
      %dma_wait3A_241 = tpu.memref_squeeze %dma_wait3A_240 : memref<1x!tpu.dma_semaphore, #tpu.memory_space<semaphore_mem>> -> memref<!tpu.dma_semaphore, #tpu.memory_space<semaphore_mem>>
      tpu.wait_indirect_dma semaphore(%dma_wait3A_241 : memref<!tpu.dma_semaphore, #tpu.memory_space<semaphore_mem>>) src(%dma_wait3A_239 : memref<10000x128xf32, #tpu.memory_space<hbm>>) dst(%arg13 : memref<50x128xf32, #tpu.memory_space<vmem>>)
      %dma_start3A_242 = arith.constant 4 : i32
      %dma_start3A_243 = arith.constant 0 : i32
      %dma_start3A_244 = tpu.memref_slice %arg8[%add3A_232, %dma_start3A_243] : memref<100x50xi32, #tpu.memory_space<vmem>> -> memref<1x50xi32, #tpu.memory_space<vmem>>
      %dma_start3A_245 = tpu.memref_squeeze %dma_start3A_244 : memref<1x50xi32, #tpu.memory_space<vmem>> -> memref<50xi32, #tpu.memory_space<vmem>>
      %dma_start3A_246 = arith.constant 0 : i32
      %dma_start3A_247 = arith.constant 0 : i32
      %dma_start3A_248 = tpu.memref_slice %arg16[%dma_start3A_246, %dma_start3A_247] : memref<10240x128xf32, #tpu.memory_space<vmem_shared>> -> memref<10240x128xf32, #tpu.memory_space<vmem_shared>>
      %dma_start3A_249 = tpu.memref_slice %arg15[%dma_start3A_242] : memref<5x!tpu.dma_semaphore, #tpu.memory_space<semaphore_mem>> -> memref<1x!tpu.dma_semaphore, #tpu.memory_space<semaphore_mem>>
      %dma_start3A_250 = tpu.memref_squeeze %dma_start3A_249 : memref<1x!tpu.dma_semaphore, #tpu.memory_space<semaphore_mem>> -> memref<!tpu.dma_semaphore, #tpu.memory_space<semaphore_mem>>
      tpu.enqueue_indirect_dma source(%arg13 : memref<50x128xf32, #tpu.memory_space<vmem>>) target(%dma_start3A_248 : memref<10240x128xf32, #tpu.memory_space<vmem_shared>>) offsets(%dma_start3A_245 : memref<50xi32, #tpu.memory_space<vmem>>) semaphore(%dma_start3A_250 : memref<!tpu.dma_semaphore, #tpu.memory_space<semaphore_mem>>) {add = true}
      %add3A_251 = arith.constant 5 : i32
      %add3A_252 = arith.addi %add3A_232, %add3A_251 : i32
      %lt3A_253 = arith.constant 100 : i32
      %lt3A_254 = arith.cmpi slt, %add3A_252, %lt3A_253 : i32
      %convert_element_type3A_255 = arith.extui %lt3A_254 : i1 to i32
      %cond3A_256 = arith.constant 0 : i32
      %cond3A_257 = arith.cmpi ne, %convert_element_type3A_255, %cond3A_256 : i32
      scf.if %cond3A_257 {
        %dma_wait3A_258 = arith.constant 4 : i32
        %dma_wait3A_259 = arith.constant 0 : i32
        %dma_wait3A_260 = tpu.memref_slice %arg8[%add3A_232, %dma_wait3A_259] : memref<100x50xi32, #tpu.memory_space<vmem>> -> memref<1x50xi32, #tpu.memory_space<vmem>>
        %dma_wait3A_261 = tpu.memref_squeeze %dma_wait3A_260 : memref<1x50xi32, #tpu.memory_space<vmem>> -> memref<50xi32, #tpu.memory_space<vmem>>
        %dma_wait3A_262 = arith.constant 0 : i32
        %dma_wait3A_263 = arith.constant 0 : i32
        %dma_wait3A_264 = tpu.memref_slice %arg16[%dma_wait3A_262, %dma_wait3A_263] : memref<10240x128xf32, #tpu.memory_space<vmem_shared>> -> memref<10240x128xf32, #tpu.memory_space<vmem_shared>>
        %dma_wait3A_265 = tpu.memref_slice %arg15[%dma_wait3A_258] : memref<5x!tpu.dma_semaphore, #tpu.memory_space<semaphore_mem>> -> memref<1x!tpu.dma_semaphore, #tpu.memory_space<semaphore_mem>>
        %dma_wait3A_266 = tpu.memref_squeeze %dma_wait3A_265 : memref<1x!tpu.dma_semaphore, #tpu.memory_space<semaphore_mem>> -> memref<!tpu.dma_semaphore, #tpu.memory_space<semaphore_mem>>
        tpu.wait_indirect_dma semaphore(%dma_wait3A_266 : memref<!tpu.dma_semaphore, #tpu.memory_space<semaphore_mem>>) src(%arg13 : memref<50x128xf32, #tpu.memory_space<vmem>>) dst(%dma_wait3A_264 : memref<10240x128xf32, #tpu.memory_space<vmem_shared>>)
        %add3A_267 = arith.constant 5 : i32
        %add3A_268 = arith.addi %add3A_232, %add3A_267 : i32
        %dma_start3A_269 = arith.constant 4 : i32
        %dma_start3A_270 = arith.constant 0 : i32
        %dma_start3A_271 = tpu.memref_slice %arg7[%add3A_268, %dma_start3A_270] : memref<100x50xi32, #tpu.memory_space<vmem>> -> memref<1x50xi32, #tpu.memory_space<vmem>>
        %dma_start3A_272 = tpu.memref_squeeze %dma_start3A_271 : memref<1x50xi32, #tpu.memory_space<vmem>> -> memref<50xi32, #tpu.memory_space<vmem>>
        %dma_start3A_273 = arith.constant 0 : i32
        %dma_start3A_274 = arith.constant 0 : i32
        %dma_start3A_275 = tpu.memref_slice %arg2[%dma_start3A_273, %dma_start3A_274] : memref<10000x128xf32, #tpu.memory_space<hbm>> -> memref<10000x128xf32, #tpu.memory_space<hbm>>
        %dma_start3A_276 = tpu.memref_slice %arg14[%dma_start3A_269] : memref<5x!tpu.dma_semaphore, #tpu.memory_space<semaphore_mem>> -> memref<1x!tpu.dma_semaphore, #tpu.memory_space<semaphore_mem>>
        %dma_start3A_277 = tpu.memref_squeeze %dma_start3A_276 : memref<1x!tpu.dma_semaphore, #tpu.memory_space<semaphore_mem>> -> memref<!tpu.dma_semaphore, #tpu.memory_space<semaphore_mem>>
        tpu.enqueue_indirect_dma source(%dma_start3A_275 : memref<10000x128xf32, #tpu.memory_space<hbm>>) target(%arg13 : memref<50x128xf32, #tpu.memory_space<vmem>>) offsets(%dma_start3A_272 : memref<50xi32, #tpu.memory_space<vmem>>) semaphore(%dma_start3A_277 : memref<!tpu.dma_semaphore, #tpu.memory_space<semaphore_mem>>)
      } else {
      }
    }
    %scan3A_60 = arith.constant 20 : i32
    %dma_wait3A = arith.constant 95 : i32
    %dma_wait3A_61 = arith.constant 0 : i32
    %dma_wait3A_62 = arith.constant 0 : i32
    %dma_wait3A_63 = tpu.memref_slice %arg8[%dma_wait3A, %dma_wait3A_62] : memref<100x50xi32, #tpu.memory_space<vmem>> -> memref<1x50xi32, #tpu.memory_space<vmem>>
    %dma_wait3A_64 = tpu.memref_squeeze %dma_wait3A_63 : memref<1x50xi32, #tpu.memory_space<vmem>> -> memref<50xi32, #tpu.memory_space<vmem>>
    %dma_wait3A_65 = arith.constant 0 : i32
    %dma_wait3A_66 = arith.constant 0 : i32
    %dma_wait3A_67 = tpu.memref_slice %arg16[%dma_wait3A_65, %dma_wait3A_66] : memref<10240x128xf32, #tpu.memory_space<vmem_shared>> -> memref<10240x128xf32, #tpu.memory_space<vmem_shared>>
    %dma_wait3A_68 = tpu.memref_slice %arg15[%dma_wait3A_61] : memref<5x!tpu.dma_semaphore, #tpu.memory_space<semaphore_mem>> -> memref<1x!tpu.dma_semaphore, #tpu.memory_space<semaphore_mem>>
    %dma_wait3A_69 = tpu.memref_squeeze %dma_wait3A_68 : memref<1x!tpu.dma_semaphore, #tpu.memory_space<semaphore_mem>> -> memref<!tpu.dma_semaphore, #tpu.memory_space<semaphore_mem>>
    tpu.wait_indirect_dma semaphore(%dma_wait3A_69 : memref<!tpu.dma_semaphore, #tpu.memory_space<semaphore_mem>>) src(%arg9 : memref<50x128xf32, #tpu.memory_space<vmem>>) dst(%dma_wait3A_67 : memref<10240x128xf32, #tpu.memory_space<vmem_shared>>)
    %dma_wait3A_70 = arith.constant 96 : i32
    %dma_wait3A_71 = arith.constant 1 : i32
    %dma_wait3A_72 = arith.constant 0 : i32
    %dma_wait3A_73 = tpu.memref_slice %arg8[%dma_wait3A_70, %dma_wait3A_72] : memref<100x50xi32, #tpu.memory_space<vmem>> -> memref<1x50xi32, #tpu.memory_space<vmem>>
    %dma_wait3A_74 = tpu.memref_squeeze %dma_wait3A_73 : memref<1x50xi32, #tpu.memory_space<vmem>> -> memref<50xi32, #tpu.memory_space<vmem>>
    %dma_wait3A_75 = arith.constant 0 : i32
    %dma_wait3A_76 = arith.constant 0 : i32
    %dma_wait3A_77 = tpu.memref_slice %arg16[%dma_wait3A_75, %dma_wait3A_76] : memref<10240x128xf32, #tpu.memory_space<vmem_shared>> -> memref<10240x128xf32, #tpu.memory_space<vmem_shared>>
    %dma_wait3A_78 = tpu.memref_slice %arg15[%dma_wait3A_71] : memref<5x!tpu.dma_semaphore, #tpu.memory_space<semaphore_mem>> -> memref<1x!tpu.dma_semaphore, #tpu.memory_space<semaphore_mem>>
    %dma_wait3A_79 = tpu.memref_squeeze %dma_wait3A_78 : memref<1x!tpu.dma_semaphore, #tpu.memory_space<semaphore_mem>> -> memref<!tpu.dma_semaphore, #tpu.memory_space<semaphore_mem>>
    tpu.wait_indirect_dma semaphore(%dma_wait3A_79 : memref<!tpu.dma_semaphore, #tpu.memory_space<semaphore_mem>>) src(%arg10 : memref<50x128xf32, #tpu.memory_space<vmem>>) dst(%dma_wait3A_77 : memref<10240x128xf32, #tpu.memory_space<vmem_shared>>)
    %dma_wait3A_80 = arith.constant 97 : i32
    %dma_wait3A_81 = arith.constant 2 : i32
    %dma_wait3A_82 = arith.constant 0 : i32
    %dma_wait3A_83 = tpu.memref_slice %arg8[%dma_wait3A_80, %dma_wait3A_82] : memref<100x50xi32, #tpu.memory_space<vmem>> -> memref<1x50xi32, #tpu.memory_space<vmem>>
    %dma_wait3A_84 = tpu.memref_squeeze %dma_wait3A_83 : memref<1x50xi32, #tpu.memory_space<vmem>> -> memref<50xi32, #tpu.memory_space<vmem>>
    %dma_wait3A_85 = arith.constant 0 : i32
    %dma_wait3A_86 = arith.constant 0 : i32
    %dma_wait3A_87 = tpu.memref_slice %arg16[%dma_wait3A_85, %dma_wait3A_86] : memref<10240x128xf32, #tpu.memory_space<vmem_shared>> -> memref<10240x128xf32, #tpu.memory_space<vmem_shared>>
    %dma_wait3A_88 = tpu.memref_slice %arg15[%dma_wait3A_81] : memref<5x!tpu.dma_semaphore, #tpu.memory_space<semaphore_mem>> -> memref<1x!tpu.dma_semaphore, #tpu.memory_space<semaphore_mem>>
    %dma_wait3A_89 = tpu.memref_squeeze %dma_wait3A_88 : memref<1x!tpu.dma_semaphore, #tpu.memory_space<semaphore_mem>> -> memref<!tpu.dma_semaphore, #tpu.memory_space<semaphore_mem>>
    tpu.wait_indirect_dma semaphore(%dma_wait3A_89 : memref<!tpu.dma_semaphore, #tpu.memory_space<semaphore_mem>>) src(%arg11 : memref<50x128xf32, #tpu.memory_space<vmem>>) dst(%dma_wait3A_87 : memref<10240x128xf32, #tpu.memory_space<vmem_shared>>)
    %dma_wait3A_90 = arith.constant 98 : i32
    %dma_wait3A_91 = arith.constant 3 : i32
    %dma_wait3A_92 = arith.constant 0 : i32
    %dma_wait3A_93 = tpu.memref_slice %arg8[%dma_wait3A_90, %dma_wait3A_92] : memref<100x50xi32, #tpu.memory_space<vmem>> -> memref<1x50xi32, #tpu.memory_space<vmem>>
    %dma_wait3A_94 = tpu.memref_squeeze %dma_wait3A_93 : memref<1x50xi32, #tpu.memory_space<vmem>> -> memref<50xi32, #tpu.memory_space<vmem>>
    %dma_wait3A_95 = arith.constant 0 : i32
    %dma_wait3A_96 = arith.constant 0 : i32
    %dma_wait3A_97 = tpu.memref_slice %arg16[%dma_wait3A_95, %dma_wait3A_96] : memref<10240x128xf32, #tpu.memory_space<vmem_shared>> -> memref<10240x128xf32, #tpu.memory_space<vmem_shared>>
    %dma_wait3A_98 = tpu.memref_slice %arg15[%dma_wait3A_91] : memref<5x!tpu.dma_semaphore, #tpu.memory_space<semaphore_mem>> -> memref<1x!tpu.dma_semaphore, #tpu.memory_space<semaphore_mem>>
    %dma_wait3A_99 = tpu.memref_squeeze %dma_wait3A_98 : memref<1x!tpu.dma_semaphore, #tpu.memory_space<semaphore_mem>> -> memref<!tpu.dma_semaphore, #tpu.memory_space<semaphore_mem>>
    tpu.wait_indirect_dma semaphore(%dma_wait3A_99 : memref<!tpu.dma_semaphore, #tpu.memory_space<semaphore_mem>>) src(%arg12 : memref<50x128xf32, #tpu.memory_space<vmem>>) dst(%dma_wait3A_97 : memref<10240x128xf32, #tpu.memory_space<vmem_shared>>)
    %dma_wait3A_100 = arith.constant 99 : i32
    %dma_wait3A_101 = arith.constant 4 : i32
    %dma_wait3A_102 = arith.constant 0 : i32
    %dma_wait3A_103 = tpu.memref_slice %arg8[%dma_wait3A_100, %dma_wait3A_102] : memref<100x50xi32, #tpu.memory_space<vmem>> -> memref<1x50xi32, #tpu.memory_space<vmem>>
    %dma_wait3A_104 = tpu.memref_squeeze %dma_wait3A_103 : memref<1x50xi32, #tpu.memory_space<vmem>> -> memref<50xi32, #tpu.memory_space<vmem>>
    %dma_wait3A_105 = arith.constant 0 : i32
    %dma_wait3A_106 = arith.constant 0 : i32
    %dma_wait3A_107 = tpu.memref_slice %arg16[%dma_wait3A_105, %dma_wait3A_106] : memref<10240x128xf32, #tpu.memory_space<vmem_shared>> -> memref<10240x128xf32, #tpu.memory_space<vmem_shared>>
    %dma_wait3A_108 = tpu.memref_slice %arg15[%dma_wait3A_101] : memref<5x!tpu.dma_semaphore, #tpu.memory_space<semaphore_mem>> -> memref<1x!tpu.dma_semaphore, #tpu.memory_space<semaphore_mem>>
    %dma_wait3A_109 = tpu.memref_squeeze %dma_wait3A_108 : memref<1x!tpu.dma_semaphore, #tpu.memory_space<semaphore_mem>> -> memref<!tpu.dma_semaphore, #tpu.memory_space<semaphore_mem>>
    tpu.wait_indirect_dma semaphore(%dma_wait3A_109 : memref<!tpu.dma_semaphore, #tpu.memory_space<semaphore_mem>>) src(%arg13 : memref<50x128xf32, #tpu.memory_space<vmem>>) dst(%dma_wait3A_107 : memref<10240x128xf32, #tpu.memory_space<vmem_shared>>)
    %barrier3A_110 = arith.constant 0 : index
    tpu.barrier barrier_id(%barrier3A_110)
    %mul3A_111 = arith.constant 640 : i32
    %mul3A_112 = arith.muli %arg1, %mul3A_111 : i32
    %mul3A_113 = arith.constant 640 : i32
    %mul3A_114 = arith.muli %arg1, %mul3A_113 : i32
    "tpu.region"() ({
      %run_scoped3A = tpu.sem_alloc : memref<!tpu.dma_semaphore, #tpu.memory_space<semaphore_mem>>
      %dma_start3A_115 = arith.constant 0 : i32
      %dma_start3A_116 = tpu.memref_slice %arg6[%arg0, %mul3A_114, %dma_start3A_115] : memref<2x10240x128xf32, #tpu.memory_space<hbm>> -> memref<1x640x128xf32, #tpu.memory_space<hbm>>
      %dma_start3A_117 = tpu.memref_squeeze %dma_start3A_116 : memref<1x640x128xf32, #tpu.memory_space<hbm>> -> memref<640x128xf32, #tpu.memory_space<hbm>>
      %dma_start3A_118 = arith.constant 0 : i32
      %dma_start3A_119 = tpu.memref_slice %arg16[%mul3A_112, %dma_start3A_118] : memref<10240x128xf32, #tpu.memory_space<vmem_shared>> -> memref<640x128xf32, #tpu.memory_space<vmem_shared>>
      tpu.enqueue_dma source(%dma_start3A_119 : memref<640x128xf32, #tpu.memory_space<vmem_shared>>) target(%dma_start3A_117 : memref<640x128xf32, #tpu.memory_space<hbm>>) target_semaphore(%run_scoped3A : memref<!tpu.dma_semaphore, #tpu.memory_space<semaphore_mem>>)
      %dma_wait3A_120 = arith.constant 0 : i32
      %dma_wait3A_121 = tpu.memref_slice %arg6[%arg0, %mul3A_114, %dma_wait3A_120] : memref<2x10240x128xf32, #tpu.memory_space<hbm>> -> memref<1x640x128xf32, #tpu.memory_space<hbm>>
      %dma_wait3A_122 = tpu.memref_squeeze %dma_wait3A_121 : memref<1x640x128xf32, #tpu.memory_space<hbm>> -> memref<640x128xf32, #tpu.memory_space<hbm>>
      %dma_wait3A_123 = arith.constant 0 : i32
      %dma_wait3A_124 = tpu.memref_slice %arg16[%mul3A_112, %dma_wait3A_123] : memref<10240x128xf32, #tpu.memory_space<vmem_shared>> -> memref<640x128xf32, #tpu.memory_space<vmem_shared>>
      tpu.wait_dma2 semaphore(%run_scoped3A : memref<!tpu.dma_semaphore, #tpu.memory_space<semaphore_mem>>) src(%dma_wait3A_124 : memref<640x128xf32, #tpu.memory_space<vmem_shared>>) dst(%dma_wait3A_122 : memref<640x128xf32, #tpu.memory_space<hbm>>)
      tpu.yield
    }) : () -> ()
    return
  }
}

#map = affine_map<(d0, d1) -> (0, 0)>
#map1 = affine_map<(d0, d1) -> (0, 0, 0)>
module attributes {stable_mosaic.version = 14 : i64} {
  func.func @body(%arg0: i32, %arg1: i32, %arg2: memref<1280x125xi32, #tpu.memory_space<hbm>>, %arg3: memref<125x16xf32, #tpu.memory_space<hbm>>, %arg4: memref<640x16xf32, #tpu.memory_space<hbm>>, %arg5: memref<2x10240x16xf32, #tpu.memory_space<hbm>>, %arg6: memref<40x125xi32, #tpu.memory_space<vmem>>, %arg7: memref<125x16xf32, #tpu.memory_space<vmem>>, %arg8: memref<!tpu.dma_semaphore, #tpu.memory_space<semaphore_mem>>, %arg9: memref<10240x16xf32, #tpu.memory_space<vmem_shared>>) attributes {dimension_semantics = [#tpu.dimension_semantics<core_parallel>, #tpu.dimension_semantics<subcore_parallel>], iteration_bounds = array<i64: 2, 16>, scalar_prefetch = 0 : i64, scratch_operands = 4 : i64, tpu.core_type = #tpu.core_type<sc_vector_subcore>, window_params = [{transform_indices = #map}, {transform_indices = #map}, {transform_indices = #map}, {transform_indices = #map1}]} {
    %mul3A = arith.constant 2 : i32
    %mul3A_0 = arith.muli %arg1, %mul3A : i32
    %add3A = arith.addi %mul3A_0, %arg0 : i32
    %mul3A_1 = arith.constant 640 : i32
    %mul3A_2 = arith.muli %arg1, %mul3A_1 : i32
    "tpu.region"() ({
      %run_scoped3A = tpu.sem_alloc : memref<!tpu.dma_semaphore, #tpu.memory_space<semaphore_mem>>
      %dma_start3A = arith.constant 0 : i32
      %dma_start3A_21 = tpu.memref_slice %arg9[%mul3A_2, %dma_start3A] : memref<10240x16xf32, #tpu.memory_space<vmem_shared>> -> memref<640x16xf32, #tpu.memory_space<vmem_shared>>
      tpu.enqueue_dma source(%arg4 : memref<640x16xf32, #tpu.memory_space<hbm>>) target(%dma_start3A_21 : memref<640x16xf32, #tpu.memory_space<vmem_shared>>) target_semaphore(%run_scoped3A : memref<!tpu.dma_semaphore, #tpu.memory_space<semaphore_mem>>)
      %dma_wait3A = arith.constant 0 : i32
      %dma_wait3A_22 = tpu.memref_slice %arg9[%mul3A_2, %dma_wait3A] : memref<10240x16xf32, #tpu.memory_space<vmem_shared>> -> memref<640x16xf32, #tpu.memory_space<vmem_shared>>
      tpu.wait_dma2 semaphore(%run_scoped3A : memref<!tpu.dma_semaphore, #tpu.memory_space<semaphore_mem>>) src(%arg4 : memref<640x16xf32, #tpu.memory_space<hbm>>) dst(%dma_wait3A_22 : memref<640x16xf32, #tpu.memory_space<vmem_shared>>)
      tpu.yield
    }) : () -> ()
    %mul3A_3 = arith.constant 40 : i32
    %mul3A_4 = arith.muli %add3A, %mul3A_3 : i32
    "tpu.region"() ({
      %run_scoped3A = tpu.sem_alloc : memref<!tpu.dma_semaphore, #tpu.memory_space<semaphore_mem>>
      %dma_start3A = arith.constant 0 : i32
      %dma_start3A_21 = tpu.memref_slice %arg2[%mul3A_4, %dma_start3A] : memref<1280x125xi32, #tpu.memory_space<hbm>> -> memref<40x125xi32, #tpu.memory_space<hbm>>
      %dma_start3A_22 = arith.constant 0 : i32
      %dma_start3A_23 = tpu.memref_slice %arg2[%mul3A_4, %dma_start3A_22] : memref<1280x125xi32, #tpu.memory_space<hbm>> -> memref<40x125xi32, #tpu.memory_space<hbm>>
      tpu.enqueue_dma source(%dma_start3A_23 : memref<40x125xi32, #tpu.memory_space<hbm>>) target(%arg6 : memref<40x125xi32, #tpu.memory_space<vmem>>) target_semaphore(%run_scoped3A : memref<!tpu.dma_semaphore, #tpu.memory_space<semaphore_mem>>)
      %dma_wait3A = arith.constant 0 : i32
      %dma_wait3A_24 = tpu.memref_slice %arg2[%mul3A_4, %dma_wait3A] : memref<1280x125xi32, #tpu.memory_space<hbm>> -> memref<40x125xi32, #tpu.memory_space<hbm>>
      %dma_wait3A_25 = arith.constant 0 : i32
      %dma_wait3A_26 = tpu.memref_slice %arg2[%mul3A_4, %dma_wait3A_25] : memref<1280x125xi32, #tpu.memory_space<hbm>> -> memref<40x125xi32, #tpu.memory_space<hbm>>
      tpu.wait_dma2 semaphore(%run_scoped3A : memref<!tpu.dma_semaphore, #tpu.memory_space<semaphore_mem>>) src(%dma_wait3A_26 : memref<40x125xi32, #tpu.memory_space<hbm>>) dst(%arg6 : memref<40x125xi32, #tpu.memory_space<vmem>>)
      tpu.yield
    }) : () -> ()
    "tpu.region"() ({
      %run_scoped3A = tpu.sem_alloc : memref<!tpu.dma_semaphore, #tpu.memory_space<semaphore_mem>>
      tpu.enqueue_dma source(%arg3 : memref<125x16xf32, #tpu.memory_space<hbm>>) target(%arg7 : memref<125x16xf32, #tpu.memory_space<vmem>>) target_semaphore(%run_scoped3A : memref<!tpu.dma_semaphore, #tpu.memory_space<semaphore_mem>>)
      tpu.wait_dma2 semaphore(%run_scoped3A : memref<!tpu.dma_semaphore, #tpu.memory_space<semaphore_mem>>) src(%arg3 : memref<125x16xf32, #tpu.memory_space<hbm>>) dst(%arg7 : memref<125x16xf32, #tpu.memory_space<vmem>>)
      tpu.yield
    }) : () -> ()
    %barrier3A = arith.constant 0 : index
    tpu.barrier barrier_id(%barrier3A)
    %scan3A = arith.constant 0 : i32
    %scan3A_5 = arith.constant 0 : i32
    %scan3A_6 = arith.constant 40 : i32
    %scan3A_7 = arith.addi %scan3A_5, %scan3A_6 : i32
    %scan3A_8 = arith.constant 1 : i32
    scf.for %scan3A_21 = %scan3A_5 to %scan3A_7 step %scan3A_8  : i32 {
      %dma_start3A = arith.constant 0 : i32
      %dma_start3A_22 = tpu.memref_slice %arg6[%scan3A_21, %dma_start3A] : memref<40x125xi32, #tpu.memory_space<vmem>> -> memref<1x125xi32, #tpu.memory_space<vmem>>
      %dma_start3A_23 = tpu.memref_squeeze %dma_start3A_22 : memref<1x125xi32, #tpu.memory_space<vmem>> -> memref<125xi32, #tpu.memory_space<vmem>>
      %dma_start3A_24 = arith.constant 0 : i32
      %dma_start3A_25 = arith.constant 0 : i32
      %dma_start3A_26 = tpu.memref_slice %arg9[%dma_start3A_24, %dma_start3A_25] : memref<10240x16xf32, #tpu.memory_space<vmem_shared>> -> memref<10240x16xf32, #tpu.memory_space<vmem_shared>>
      tpu.enqueue_indirect_dma source(%arg7 : memref<125x16xf32, #tpu.memory_space<vmem>>) target(%dma_start3A_26 : memref<10240x16xf32, #tpu.memory_space<vmem_shared>>) offsets(%dma_start3A_23 : memref<125xi32, #tpu.memory_space<vmem>>) semaphore(%arg8 : memref<!tpu.dma_semaphore, #tpu.memory_space<semaphore_mem>>) {add = true}
    }
    %scan3A_9 = arith.constant 40 : i32
    %scan3A_10 = arith.constant 0 : i32
    %scan3A_11 = arith.constant 0 : i32
    %scan3A_12 = arith.constant 40 : i32
    %scan3A_13 = arith.addi %scan3A_11, %scan3A_12 : i32
    %scan3A_14 = arith.constant 1 : i32
    scf.for %scan3A_21 = %scan3A_11 to %scan3A_13 step %scan3A_14  : i32 {
      %dma_wait3A = arith.constant 0 : i32
      %dma_wait3A_22 = tpu.memref_slice %arg6[%scan3A_21, %dma_wait3A] : memref<40x125xi32, #tpu.memory_space<vmem>> -> memref<1x125xi32, #tpu.memory_space<vmem>>
      %dma_wait3A_23 = tpu.memref_squeeze %dma_wait3A_22 : memref<1x125xi32, #tpu.memory_space<vmem>> -> memref<125xi32, #tpu.memory_space<vmem>>
      %dma_wait3A_24 = arith.constant 0 : i32
      %dma_wait3A_25 = arith.constant 0 : i32
      %dma_wait3A_26 = tpu.memref_slice %arg9[%dma_wait3A_24, %dma_wait3A_25] : memref<10240x16xf32, #tpu.memory_space<vmem_shared>> -> memref<10240x16xf32, #tpu.memory_space<vmem_shared>>
      tpu.wait_indirect_dma semaphore(%arg8 : memref<!tpu.dma_semaphore, #tpu.memory_space<semaphore_mem>>) src(%arg7 : memref<125x16xf32, #tpu.memory_space<vmem>>) dst(%dma_wait3A_26 : memref<10240x16xf32, #tpu.memory_space<vmem_shared>>)
    }
    %scan3A_15 = arith.constant 40 : i32
    %barrier3A_16 = arith.constant 0 : index
    tpu.barrier barrier_id(%barrier3A_16)
    %mul3A_17 = arith.constant 640 : i32
    %mul3A_18 = arith.muli %arg1, %mul3A_17 : i32
    %mul3A_19 = arith.constant 640 : i32
    %mul3A_20 = arith.muli %arg1, %mul3A_19 : i32
    "tpu.region"() ({
      %run_scoped3A = tpu.sem_alloc : memref<!tpu.dma_semaphore, #tpu.memory_space<semaphore_mem>>
      %dma_start3A = arith.constant 0 : i32
      %dma_start3A_21 = tpu.memref_slice %arg5[%arg0, %mul3A_20, %dma_start3A] : memref<2x10240x16xf32, #tpu.memory_space<hbm>> -> memref<1x640x16xf32, #tpu.memory_space<hbm>>
      %dma_start3A_22 = tpu.memref_squeeze %dma_start3A_21 : memref<1x640x16xf32, #tpu.memory_space<hbm>> -> memref<640x16xf32, #tpu.memory_space<hbm>>
      %dma_start3A_23 = arith.constant 0 : i32
      %dma_start3A_24 = tpu.memref_slice %arg9[%mul3A_18, %dma_start3A_23] : memref<10240x16xf32, #tpu.memory_space<vmem_shared>> -> memref<640x16xf32, #tpu.memory_space<vmem_shared>>
      tpu.enqueue_dma source(%dma_start3A_24 : memref<640x16xf32, #tpu.memory_space<vmem_shared>>) target(%dma_start3A_22 : memref<640x16xf32, #tpu.memory_space<hbm>>) target_semaphore(%run_scoped3A : memref<!tpu.dma_semaphore, #tpu.memory_space<semaphore_mem>>)
      %dma_wait3A = arith.constant 0 : i32
      %dma_wait3A_25 = tpu.memref_slice %arg5[%arg0, %mul3A_20, %dma_wait3A] : memref<2x10240x16xf32, #tpu.memory_space<hbm>> -> memref<1x640x16xf32, #tpu.memory_space<hbm>>
      %dma_wait3A_26 = tpu.memref_squeeze %dma_wait3A_25 : memref<1x640x16xf32, #tpu.memory_space<hbm>> -> memref<640x16xf32, #tpu.memory_space<hbm>>
      %dma_wait3A_27 = arith.constant 0 : i32
      %dma_wait3A_28 = tpu.memref_slice %arg9[%mul3A_18, %dma_wait3A_27] : memref<10240x16xf32, #tpu.memory_space<vmem_shared>> -> memref<640x16xf32, #tpu.memory_space<vmem_shared>>
      tpu.wait_dma2 semaphore(%run_scoped3A : memref<!tpu.dma_semaphore, #tpu.memory_space<semaphore_mem>>) src(%dma_wait3A_28 : memref<640x16xf32, #tpu.memory_space<vmem_shared>>) dst(%dma_wait3A_26 : memref<640x16xf32, #tpu.memory_space<hbm>>)
      tpu.yield
    }) : () -> ()
    return
  }
}

#map = affine_map<(d0, d1) -> (0, 0)>
#map1 = affine_map<(d0, d1) -> (0, 0, 0)>
module attributes {stable_mosaic.version = 14 : i64} {
  func.func @body(%arg0: i32, %arg1: i32, %arg2: memref<10000x64xf32, #tpu.memory_space<hbm>>, %arg3: memref<1280x125xi32, #tpu.memory_space<hbm>>, %arg4: memref<1280x125xi32, #tpu.memory_space<hbm>>, %arg5: memref<640x64xf32, #tpu.memory_space<hbm>>, %arg6: memref<2x10240x64xf32, #tpu.memory_space<hbm>>, %arg7: memref<40x125xi32, #tpu.memory_space<vmem>>, %arg8: memref<40x125xi32, #tpu.memory_space<vmem>>, %arg9: memref<125x64xf32, #tpu.memory_space<vmem>>, %arg10: memref<125x64xf32, #tpu.memory_space<vmem>>, %arg11: memref<125x64xf32, #tpu.memory_space<vmem>>, %arg12: memref<125x64xf32, #tpu.memory_space<vmem>>, %arg13: memref<125x64xf32, #tpu.memory_space<vmem>>, %arg14: memref<5x!tpu.dma_semaphore, #tpu.memory_space<semaphore_mem>>, %arg15: memref<5x!tpu.dma_semaphore, #tpu.memory_space<semaphore_mem>>, %arg16: memref<10240x64xf32, #tpu.memory_space<vmem_shared>>) attributes {dimension_semantics = [#tpu.dimension_semantics<core_parallel>, #tpu.dimension_semantics<subcore_parallel>], iteration_bounds = array<i64: 2, 16>, scalar_prefetch = 0 : i64, scratch_operands = 10 : i64, tpu.core_type = #tpu.core_type<sc_vector_subcore>, window_params = [{transform_indices = #map}, {transform_indices = #map}, {transform_indices = #map}, {transform_indices = #map}, {transform_indices = #map1}]} {
    %mul3A = arith.constant 2 : i32
    %mul3A_0 = arith.muli %arg1, %mul3A : i32
    %add3A = arith.addi %mul3A_0, %arg0 : i32
    %mul3A_1 = arith.constant 40 : i32
    %mul3A_2 = arith.muli %add3A, %mul3A_1 : i32
    "tpu.region"() ({
      %run_scoped3A = tpu.sem_alloc : memref<!tpu.dma_semaphore, #tpu.memory_space<semaphore_mem>>
      %dma_start3A_115 = arith.constant 0 : i32
      %dma_start3A_116 = tpu.memref_slice %arg3[%mul3A_2, %dma_start3A_115] : memref<1280x125xi32, #tpu.memory_space<hbm>> -> memref<40x125xi32, #tpu.memory_space<hbm>>
      %dma_start3A_117 = arith.constant 0 : i32
      %dma_start3A_118 = tpu.memref_slice %arg3[%mul3A_2, %dma_start3A_117] : memref<1280x125xi32, #tpu.memory_space<hbm>> -> memref<40x125xi32, #tpu.memory_space<hbm>>
      tpu.enqueue_dma source(%dma_start3A_118 : memref<40x125xi32, #tpu.memory_space<hbm>>) target(%arg7 : memref<40x125xi32, #tpu.memory_space<vmem>>) target_semaphore(%run_scoped3A : memref<!tpu.dma_semaphore, #tpu.memory_space<semaphore_mem>>)
      %dma_wait3A_119 = arith.constant 0 : i32
      %dma_wait3A_120 = tpu.memref_slice %arg3[%mul3A_2, %dma_wait3A_119] : memref<1280x125xi32, #tpu.memory_space<hbm>> -> memref<40x125xi32, #tpu.memory_space<hbm>>
      %dma_wait3A_121 = arith.constant 0 : i32
      %dma_wait3A_122 = tpu.memref_slice %arg3[%mul3A_2, %dma_wait3A_121] : memref<1280x125xi32, #tpu.memory_space<hbm>> -> memref<40x125xi32, #tpu.memory_space<hbm>>
      tpu.wait_dma2 semaphore(%run_scoped3A : memref<!tpu.dma_semaphore, #tpu.memory_space<semaphore_mem>>) src(%dma_wait3A_122 : memref<40x125xi32, #tpu.memory_space<hbm>>) dst(%arg7 : memref<40x125xi32, #tpu.memory_space<vmem>>)
      tpu.yield
    }) : () -> ()
    %mul3A_3 = arith.constant 40 : i32
    %mul3A_4 = arith.muli %add3A, %mul3A_3 : i32
    "tpu.region"() ({
      %run_scoped3A = tpu.sem_alloc : memref<!tpu.dma_semaphore, #tpu.memory_space<semaphore_mem>>
      %dma_start3A_115 = arith.constant 0 : i32
      %dma_start3A_116 = tpu.memref_slice %arg4[%mul3A_4, %dma_start3A_115] : memref<1280x125xi32, #tpu.memory_space<hbm>> -> memref<40x125xi32, #tpu.memory_space<hbm>>
      %dma_start3A_117 = arith.constant 0 : i32
      %dma_start3A_118 = tpu.memref_slice %arg4[%mul3A_4, %dma_start3A_117] : memref<1280x125xi32, #tpu.memory_space<hbm>> -> memref<40x125xi32, #tpu.memory_space<hbm>>
      tpu.enqueue_dma source(%dma_start3A_118 : memref<40x125xi32, #tpu.memory_space<hbm>>) target(%arg8 : memref<40x125xi32, #tpu.memory_space<vmem>>) target_semaphore(%run_scoped3A : memref<!tpu.dma_semaphore, #tpu.memory_space<semaphore_mem>>)
      %dma_wait3A_119 = arith.constant 0 : i32
      %dma_wait3A_120 = tpu.memref_slice %arg4[%mul3A_4, %dma_wait3A_119] : memref<1280x125xi32, #tpu.memory_space<hbm>> -> memref<40x125xi32, #tpu.memory_space<hbm>>
      %dma_wait3A_121 = arith.constant 0 : i32
      %dma_wait3A_122 = tpu.memref_slice %arg4[%mul3A_4, %dma_wait3A_121] : memref<1280x125xi32, #tpu.memory_space<hbm>> -> memref<40x125xi32, #tpu.memory_space<hbm>>
      tpu.wait_dma2 semaphore(%run_scoped3A : memref<!tpu.dma_semaphore, #tpu.memory_space<semaphore_mem>>) src(%dma_wait3A_122 : memref<40x125xi32, #tpu.memory_space<hbm>>) dst(%arg8 : memref<40x125xi32, #tpu.memory_space<vmem>>)
      tpu.yield
    }) : () -> ()
    %dma_start3A = arith.constant 0 : i32
    %dma_start3A_5 = arith.constant 0 : i32
    %dma_start3A_6 = arith.constant 0 : i32
    %dma_start3A_7 = tpu.memref_slice %arg7[%dma_start3A, %dma_start3A_6] : memref<40x125xi32, #tpu.memory_space<vmem>> -> memref<1x125xi32, #tpu.memory_space<vmem>>
    %dma_start3A_8 = tpu.memref_squeeze %dma_start3A_7 : memref<1x125xi32, #tpu.memory_space<vmem>> -> memref<125xi32, #tpu.memory_space<vmem>>
    %dma_start3A_9 = arith.constant 0 : i32
    %dma_start3A_10 = arith.constant 0 : i32
    %dma_start3A_11 = tpu.memref_slice %arg2[%dma_start3A_9, %dma_start3A_10] : memref<10000x64xf32, #tpu.memory_space<hbm>> -> memref<10000x64xf32, #tpu.memory_space<hbm>>
    %dma_start3A_12 = tpu.memref_slice %arg14[%dma_start3A_5] : memref<5x!tpu.dma_semaphore, #tpu.memory_space<semaphore_mem>> -> memref<1x!tpu.dma_semaphore, #tpu.memory_space<semaphore_mem>>
    %dma_start3A_13 = tpu.memref_squeeze %dma_start3A_12 : memref<1x!tpu.dma_semaphore, #tpu.memory_space<semaphore_mem>> -> memref<!tpu.dma_semaphore, #tpu.memory_space<semaphore_mem>>
    tpu.enqueue_indirect_dma source(%dma_start3A_11 : memref<10000x64xf32, #tpu.memory_space<hbm>>) target(%arg9 : memref<125x64xf32, #tpu.memory_space<vmem>>) offsets(%dma_start3A_8 : memref<125xi32, #tpu.memory_space<vmem>>) semaphore(%dma_start3A_13 : memref<!tpu.dma_semaphore, #tpu.memory_space<semaphore_mem>>)
    %dma_start3A_14 = arith.constant 1 : i32
    %dma_start3A_15 = arith.constant 1 : i32
    %dma_start3A_16 = arith.constant 0 : i32
    %dma_start3A_17 = tpu.memref_slice %arg7[%dma_start3A_14, %dma_start3A_16] : memref<40x125xi32, #tpu.memory_space<vmem>> -> memref<1x125xi32, #tpu.memory_space<vmem>>
    %dma_start3A_18 = tpu.memref_squeeze %dma_start3A_17 : memref<1x125xi32, #tpu.memory_space<vmem>> -> memref<125xi32, #tpu.memory_space<vmem>>
    %dma_start3A_19 = arith.constant 0 : i32
    %dma_start3A_20 = arith.constant 0 : i32
    %dma_start3A_21 = tpu.memref_slice %arg2[%dma_start3A_19, %dma_start3A_20] : memref<10000x64xf32, #tpu.memory_space<hbm>> -> memref<10000x64xf32, #tpu.memory_space<hbm>>
    %dma_start3A_22 = tpu.memref_slice %arg14[%dma_start3A_15] : memref<5x!tpu.dma_semaphore, #tpu.memory_space<semaphore_mem>> -> memref<1x!tpu.dma_semaphore, #tpu.memory_space<semaphore_mem>>
    %dma_start3A_23 = tpu.memref_squeeze %dma_start3A_22 : memref<1x!tpu.dma_semaphore, #tpu.memory_space<semaphore_mem>> -> memref<!tpu.dma_semaphore, #tpu.memory_space<semaphore_mem>>
    tpu.enqueue_indirect_dma source(%dma_start3A_21 : memref<10000x64xf32, #tpu.memory_space<hbm>>) target(%arg10 : memref<125x64xf32, #tpu.memory_space<vmem>>) offsets(%dma_start3A_18 : memref<125xi32, #tpu.memory_space<vmem>>) semaphore(%dma_start3A_23 : memref<!tpu.dma_semaphore, #tpu.memory_space<semaphore_mem>>)
    %dma_start3A_24 = arith.constant 2 : i32
    %dma_start3A_25 = arith.constant 2 : i32
    %dma_start3A_26 = arith.constant 0 : i32
    %dma_start3A_27 = tpu.memref_slice %arg7[%dma_start3A_24, %dma_start3A_26] : memref<40x125xi32, #tpu.memory_space<vmem>> -> memref<1x125xi32, #tpu.memory_space<vmem>>
    %dma_start3A_28 = tpu.memref_squeeze %dma_start3A_27 : memref<1x125xi32, #tpu.memory_space<vmem>> -> memref<125xi32, #tpu.memory_space<vmem>>
    %dma_start3A_29 = arith.constant 0 : i32
    %dma_start3A_30 = arith.constant 0 : i32
    %dma_start3A_31 = tpu.memref_slice %arg2[%dma_start3A_29, %dma_start3A_30] : memref<10000x64xf32, #tpu.memory_space<hbm>> -> memref<10000x64xf32, #tpu.memory_space<hbm>>
    %dma_start3A_32 = tpu.memref_slice %arg14[%dma_start3A_25] : memref<5x!tpu.dma_semaphore, #tpu.memory_space<semaphore_mem>> -> memref<1x!tpu.dma_semaphore, #tpu.memory_space<semaphore_mem>>
    %dma_start3A_33 = tpu.memref_squeeze %dma_start3A_32 : memref<1x!tpu.dma_semaphore, #tpu.memory_space<semaphore_mem>> -> memref<!tpu.dma_semaphore, #tpu.memory_space<semaphore_mem>>
    tpu.enqueue_indirect_dma source(%dma_start3A_31 : memref<10000x64xf32, #tpu.memory_space<hbm>>) target(%arg11 : memref<125x64xf32, #tpu.memory_space<vmem>>) offsets(%dma_start3A_28 : memref<125xi32, #tpu.memory_space<vmem>>) semaphore(%dma_start3A_33 : memref<!tpu.dma_semaphore, #tpu.memory_space<semaphore_mem>>)
    %dma_start3A_34 = arith.constant 3 : i32
    %dma_start3A_35 = arith.constant 3 : i32
    %dma_start3A_36 = arith.constant 0 : i32
    %dma_start3A_37 = tpu.memref_slice %arg7[%dma_start3A_34, %dma_start3A_36] : memref<40x125xi32, #tpu.memory_space<vmem>> -> memref<1x125xi32, #tpu.memory_space<vmem>>
    %dma_start3A_38 = tpu.memref_squeeze %dma_start3A_37 : memref<1x125xi32, #tpu.memory_space<vmem>> -> memref<125xi32, #tpu.memory_space<vmem>>
    %dma_start3A_39 = arith.constant 0 : i32
    %dma_start3A_40 = arith.constant 0 : i32
    %dma_start3A_41 = tpu.memref_slice %arg2[%dma_start3A_39, %dma_start3A_40] : memref<10000x64xf32, #tpu.memory_space<hbm>> -> memref<10000x64xf32, #tpu.memory_space<hbm>>
    %dma_start3A_42 = tpu.memref_slice %arg14[%dma_start3A_35] : memref<5x!tpu.dma_semaphore, #tpu.memory_space<semaphore_mem>> -> memref<1x!tpu.dma_semaphore, #tpu.memory_space<semaphore_mem>>
    %dma_start3A_43 = tpu.memref_squeeze %dma_start3A_42 : memref<1x!tpu.dma_semaphore, #tpu.memory_space<semaphore_mem>> -> memref<!tpu.dma_semaphore, #tpu.memory_space<semaphore_mem>>
    tpu.enqueue_indirect_dma source(%dma_start3A_41 : memref<10000x64xf32, #tpu.memory_space<hbm>>) target(%arg12 : memref<125x64xf32, #tpu.memory_space<vmem>>) offsets(%dma_start3A_38 : memref<125xi32, #tpu.memory_space<vmem>>) semaphore(%dma_start3A_43 : memref<!tpu.dma_semaphore, #tpu.memory_space<semaphore_mem>>)
    %dma_start3A_44 = arith.constant 4 : i32
    %dma_start3A_45 = arith.constant 4 : i32
    %dma_start3A_46 = arith.constant 0 : i32
    %dma_start3A_47 = tpu.memref_slice %arg7[%dma_start3A_44, %dma_start3A_46] : memref<40x125xi32, #tpu.memory_space<vmem>> -> memref<1x125xi32, #tpu.memory_space<vmem>>
    %dma_start3A_48 = tpu.memref_squeeze %dma_start3A_47 : memref<1x125xi32, #tpu.memory_space<vmem>> -> memref<125xi32, #tpu.memory_space<vmem>>
    %dma_start3A_49 = arith.constant 0 : i32
    %dma_start3A_50 = arith.constant 0 : i32
    %dma_start3A_51 = tpu.memref_slice %arg2[%dma_start3A_49, %dma_start3A_50] : memref<10000x64xf32, #tpu.memory_space<hbm>> -> memref<10000x64xf32, #tpu.memory_space<hbm>>
    %dma_start3A_52 = tpu.memref_slice %arg14[%dma_start3A_45] : memref<5x!tpu.dma_semaphore, #tpu.memory_space<semaphore_mem>> -> memref<1x!tpu.dma_semaphore, #tpu.memory_space<semaphore_mem>>
    %dma_start3A_53 = tpu.memref_squeeze %dma_start3A_52 : memref<1x!tpu.dma_semaphore, #tpu.memory_space<semaphore_mem>> -> memref<!tpu.dma_semaphore, #tpu.memory_space<semaphore_mem>>
    tpu.enqueue_indirect_dma source(%dma_start3A_51 : memref<10000x64xf32, #tpu.memory_space<hbm>>) target(%arg13 : memref<125x64xf32, #tpu.memory_space<vmem>>) offsets(%dma_start3A_48 : memref<125xi32, #tpu.memory_space<vmem>>) semaphore(%dma_start3A_53 : memref<!tpu.dma_semaphore, #tpu.memory_space<semaphore_mem>>)
    %mul3A_54 = arith.constant 640 : i32
    %mul3A_55 = arith.muli %arg1, %mul3A_54 : i32
    "tpu.region"() ({
      %run_scoped3A = tpu.sem_alloc : memref<!tpu.dma_semaphore, #tpu.memory_space<semaphore_mem>>
      %dma_start3A_115 = arith.constant 0 : i32
      %dma_start3A_116 = tpu.memref_slice %arg16[%mul3A_55, %dma_start3A_115] : memref<10240x64xf32, #tpu.memory_space<vmem_shared>> -> memref<640x64xf32, #tpu.memory_space<vmem_shared>>
      tpu.enqueue_dma source(%arg5 : memref<640x64xf32, #tpu.memory_space<hbm>>) target(%dma_start3A_116 : memref<640x64xf32, #tpu.memory_space<vmem_shared>>) target_semaphore(%run_scoped3A : memref<!tpu.dma_semaphore, #tpu.memory_space<semaphore_mem>>)
      %dma_wait3A_117 = arith.constant 0 : i32
      %dma_wait3A_118 = tpu.memref_slice %arg16[%mul3A_55, %dma_wait3A_117] : memref<10240x64xf32, #tpu.memory_space<vmem_shared>> -> memref<640x64xf32, #tpu.memory_space<vmem_shared>>
      tpu.wait_dma2 semaphore(%run_scoped3A : memref<!tpu.dma_semaphore, #tpu.memory_space<semaphore_mem>>) src(%arg5 : memref<640x64xf32, #tpu.memory_space<hbm>>) dst(%dma_wait3A_118 : memref<640x64xf32, #tpu.memory_space<vmem_shared>>)
      tpu.yield
    }) : () -> ()
    %barrier3A = arith.constant 0 : index
    tpu.barrier barrier_id(%barrier3A)
    %scan3A = arith.constant 0 : i32
    %scan3A_56 = arith.constant 0 : i32
    %scan3A_57 = arith.constant 8 : i32
    %scan3A_58 = arith.addi %scan3A_56, %scan3A_57 : i32
    %scan3A_59 = arith.constant 1 : i32
    scf.for %scan3A_115 = %scan3A_56 to %scan3A_58 step %scan3A_59  : i32 {
      %mul3A_116 = arith.constant 5 : i32
      %mul3A_117 = arith.muli %mul3A_116, %scan3A_115 : i32
      %add3A_118 = arith.constant 0 : i32
      %add3A_119 = arith.addi %mul3A_117, %add3A_118 : i32
      %dma_wait3A_120 = arith.constant 0 : i32
      %dma_wait3A_121 = arith.constant 0 : i32
      %dma_wait3A_122 = tpu.memref_slice %arg7[%add3A_119, %dma_wait3A_121] : memref<40x125xi32, #tpu.memory_space<vmem>> -> memref<1x125xi32, #tpu.memory_space<vmem>>
      %dma_wait3A_123 = tpu.memref_squeeze %dma_wait3A_122 : memref<1x125xi32, #tpu.memory_space<vmem>> -> memref<125xi32, #tpu.memory_space<vmem>>
      %dma_wait3A_124 = arith.constant 0 : i32
      %dma_wait3A_125 = arith.constant 0 : i32
      %dma_wait3A_126 = tpu.memref_slice %arg2[%dma_wait3A_124, %dma_wait3A_125] : memref<10000x64xf32, #tpu.memory_space<hbm>> -> memref<10000x64xf32, #tpu.memory_space<hbm>>
      %dma_wait3A_127 = tpu.memref_slice %arg14[%dma_wait3A_120] : memref<5x!tpu.dma_semaphore, #tpu.memory_space<semaphore_mem>> -> memref<1x!tpu.dma_semaphore, #tpu.memory_space<semaphore_mem>>
      %dma_wait3A_128 = tpu.memref_squeeze %dma_wait3A_127 : memref<1x!tpu.dma_semaphore, #tpu.memory_space<semaphore_mem>> -> memref<!tpu.dma_semaphore, #tpu.memory_space<semaphore_mem>>
      tpu.wait_indirect_dma semaphore(%dma_wait3A_128 : memref<!tpu.dma_semaphore, #tpu.memory_space<semaphore_mem>>) src(%dma_wait3A_126 : memref<10000x64xf32, #tpu.memory_space<hbm>>) dst(%arg9 : memref<125x64xf32, #tpu.memory_space<vmem>>)
      %dma_start3A_129 = arith.constant 0 : i32
      %dma_start3A_130 = arith.constant 0 : i32
      %dma_start3A_131 = tpu.memref_slice %arg8[%add3A_119, %dma_start3A_130] : memref<40x125xi32, #tpu.memory_space<vmem>> -> memref<1x125xi32, #tpu.memory_space<vmem>>
      %dma_start3A_132 = tpu.memref_squeeze %dma_start3A_131 : memref<1x125xi32, #tpu.memory_space<vmem>> -> memref<125xi32, #tpu.memory_space<vmem>>
      %dma_start3A_133 = arith.constant 0 : i32
      %dma_start3A_134 = arith.constant 0 : i32
      %dma_start3A_135 = tpu.memref_slice %arg16[%dma_start3A_133, %dma_start3A_134] : memref<10240x64xf32, #tpu.memory_space<vmem_shared>> -> memref<10240x64xf32, #tpu.memory_space<vmem_shared>>
      %dma_start3A_136 = tpu.memref_slice %arg15[%dma_start3A_129] : memref<5x!tpu.dma_semaphore, #tpu.memory_space<semaphore_mem>> -> memref<1x!tpu.dma_semaphore, #tpu.memory_space<semaphore_mem>>
      %dma_start3A_137 = tpu.memref_squeeze %dma_start3A_136 : memref<1x!tpu.dma_semaphore, #tpu.memory_space<semaphore_mem>> -> memref<!tpu.dma_semaphore, #tpu.memory_space<semaphore_mem>>
      tpu.enqueue_indirect_dma source(%arg9 : memref<125x64xf32, #tpu.memory_space<vmem>>) target(%dma_start3A_135 : memref<10240x64xf32, #tpu.memory_space<vmem_shared>>) offsets(%dma_start3A_132 : memref<125xi32, #tpu.memory_space<vmem>>) semaphore(%dma_start3A_137 : memref<!tpu.dma_semaphore, #tpu.memory_space<semaphore_mem>>) {add = true}
      %add3A_138 = arith.constant 5 : i32
      %add3A_139 = arith.addi %add3A_119, %add3A_138 : i32
      %lt3A = arith.constant 40 : i32
      %lt3A_140 = arith.cmpi slt, %add3A_139, %lt3A : i32
      %convert_element_type3A = arith.extui %lt3A_140 : i1 to i32
      %cond3A = arith.constant 0 : i32
      %cond3A_141 = arith.cmpi ne, %convert_element_type3A, %cond3A : i32
      scf.if %cond3A_141 {
        %dma_wait3A_258 = arith.constant 0 : i32
        %dma_wait3A_259 = arith.constant 0 : i32
        %dma_wait3A_260 = tpu.memref_slice %arg8[%add3A_119, %dma_wait3A_259] : memref<40x125xi32, #tpu.memory_space<vmem>> -> memref<1x125xi32, #tpu.memory_space<vmem>>
        %dma_wait3A_261 = tpu.memref_squeeze %dma_wait3A_260 : memref<1x125xi32, #tpu.memory_space<vmem>> -> memref<125xi32, #tpu.memory_space<vmem>>
        %dma_wait3A_262 = arith.constant 0 : i32
        %dma_wait3A_263 = arith.constant 0 : i32
        %dma_wait3A_264 = tpu.memref_slice %arg16[%dma_wait3A_262, %dma_wait3A_263] : memref<10240x64xf32, #tpu.memory_space<vmem_shared>> -> memref<10240x64xf32, #tpu.memory_space<vmem_shared>>
        %dma_wait3A_265 = tpu.memref_slice %arg15[%dma_wait3A_258] : memref<5x!tpu.dma_semaphore, #tpu.memory_space<semaphore_mem>> -> memref<1x!tpu.dma_semaphore, #tpu.memory_space<semaphore_mem>>
        %dma_wait3A_266 = tpu.memref_squeeze %dma_wait3A_265 : memref<1x!tpu.dma_semaphore, #tpu.memory_space<semaphore_mem>> -> memref<!tpu.dma_semaphore, #tpu.memory_space<semaphore_mem>>
        tpu.wait_indirect_dma semaphore(%dma_wait3A_266 : memref<!tpu.dma_semaphore, #tpu.memory_space<semaphore_mem>>) src(%arg9 : memref<125x64xf32, #tpu.memory_space<vmem>>) dst(%dma_wait3A_264 : memref<10240x64xf32, #tpu.memory_space<vmem_shared>>)
        %add3A_267 = arith.constant 5 : i32
        %add3A_268 = arith.addi %add3A_119, %add3A_267 : i32
        %dma_start3A_269 = arith.constant 0 : i32
        %dma_start3A_270 = arith.constant 0 : i32
        %dma_start3A_271 = tpu.memref_slice %arg7[%add3A_268, %dma_start3A_270] : memref<40x125xi32, #tpu.memory_space<vmem>> -> memref<1x125xi32, #tpu.memory_space<vmem>>
        %dma_start3A_272 = tpu.memref_squeeze %dma_start3A_271 : memref<1x125xi32, #tpu.memory_space<vmem>> -> memref<125xi32, #tpu.memory_space<vmem>>
        %dma_start3A_273 = arith.constant 0 : i32
        %dma_start3A_274 = arith.constant 0 : i32
        %dma_start3A_275 = tpu.memref_slice %arg2[%dma_start3A_273, %dma_start3A_274] : memref<10000x64xf32, #tpu.memory_space<hbm>> -> memref<10000x64xf32, #tpu.memory_space<hbm>>
        %dma_start3A_276 = tpu.memref_slice %arg14[%dma_start3A_269] : memref<5x!tpu.dma_semaphore, #tpu.memory_space<semaphore_mem>> -> memref<1x!tpu.dma_semaphore, #tpu.memory_space<semaphore_mem>>
        %dma_start3A_277 = tpu.memref_squeeze %dma_start3A_276 : memref<1x!tpu.dma_semaphore, #tpu.memory_space<semaphore_mem>> -> memref<!tpu.dma_semaphore, #tpu.memory_space<semaphore_mem>>
        tpu.enqueue_indirect_dma source(%dma_start3A_275 : memref<10000x64xf32, #tpu.memory_space<hbm>>) target(%arg9 : memref<125x64xf32, #tpu.memory_space<vmem>>) offsets(%dma_start3A_272 : memref<125xi32, #tpu.memory_space<vmem>>) semaphore(%dma_start3A_277 : memref<!tpu.dma_semaphore, #tpu.memory_space<semaphore_mem>>)
      } else {
      }
      %mul3A_142 = arith.constant 5 : i32
      %mul3A_143 = arith.muli %mul3A_142, %scan3A_115 : i32
      %add3A_144 = arith.constant 1 : i32
      %add3A_145 = arith.addi %mul3A_143, %add3A_144 : i32
      %dma_wait3A_146 = arith.constant 1 : i32
      %dma_wait3A_147 = arith.constant 0 : i32
      %dma_wait3A_148 = tpu.memref_slice %arg7[%add3A_145, %dma_wait3A_147] : memref<40x125xi32, #tpu.memory_space<vmem>> -> memref<1x125xi32, #tpu.memory_space<vmem>>
      %dma_wait3A_149 = tpu.memref_squeeze %dma_wait3A_148 : memref<1x125xi32, #tpu.memory_space<vmem>> -> memref<125xi32, #tpu.memory_space<vmem>>
      %dma_wait3A_150 = arith.constant 0 : i32
      %dma_wait3A_151 = arith.constant 0 : i32
      %dma_wait3A_152 = tpu.memref_slice %arg2[%dma_wait3A_150, %dma_wait3A_151] : memref<10000x64xf32, #tpu.memory_space<hbm>> -> memref<10000x64xf32, #tpu.memory_space<hbm>>
      %dma_wait3A_153 = tpu.memref_slice %arg14[%dma_wait3A_146] : memref<5x!tpu.dma_semaphore, #tpu.memory_space<semaphore_mem>> -> memref<1x!tpu.dma_semaphore, #tpu.memory_space<semaphore_mem>>
      %dma_wait3A_154 = tpu.memref_squeeze %dma_wait3A_153 : memref<1x!tpu.dma_semaphore, #tpu.memory_space<semaphore_mem>> -> memref<!tpu.dma_semaphore, #tpu.memory_space<semaphore_mem>>
      tpu.wait_indirect_dma semaphore(%dma_wait3A_154 : memref<!tpu.dma_semaphore, #tpu.memory_space<semaphore_mem>>) src(%dma_wait3A_152 : memref<10000x64xf32, #tpu.memory_space<hbm>>) dst(%arg10 : memref<125x64xf32, #tpu.memory_space<vmem>>)
      %dma_start3A_155 = arith.constant 1 : i32
      %dma_start3A_156 = arith.constant 0 : i32
      %dma_start3A_157 = tpu.memref_slice %arg8[%add3A_145, %dma_start3A_156] : memref<40x125xi32, #tpu.memory_space<vmem>> -> memref<1x125xi32, #tpu.memory_space<vmem>>
      %dma_start3A_158 = tpu.memref_squeeze %dma_start3A_157 : memref<1x125xi32, #tpu.memory_space<vmem>> -> memref<125xi32, #tpu.memory_space<vmem>>
      %dma_start3A_159 = arith.constant 0 : i32
      %dma_start3A_160 = arith.constant 0 : i32
      %dma_start3A_161 = tpu.memref_slice %arg16[%dma_start3A_159, %dma_start3A_160] : memref<10240x64xf32, #tpu.memory_space<vmem_shared>> -> memref<10240x64xf32, #tpu.memory_space<vmem_shared>>
      %dma_start3A_162 = tpu.memref_slice %arg15[%dma_start3A_155] : memref<5x!tpu.dma_semaphore, #tpu.memory_space<semaphore_mem>> -> memref<1x!tpu.dma_semaphore, #tpu.memory_space<semaphore_mem>>
      %dma_start3A_163 = tpu.memref_squeeze %dma_start3A_162 : memref<1x!tpu.dma_semaphore, #tpu.memory_space<semaphore_mem>> -> memref<!tpu.dma_semaphore, #tpu.memory_space<semaphore_mem>>
      tpu.enqueue_indirect_dma source(%arg10 : memref<125x64xf32, #tpu.memory_space<vmem>>) target(%dma_start3A_161 : memref<10240x64xf32, #tpu.memory_space<vmem_shared>>) offsets(%dma_start3A_158 : memref<125xi32, #tpu.memory_space<vmem>>) semaphore(%dma_start3A_163 : memref<!tpu.dma_semaphore, #tpu.memory_space<semaphore_mem>>) {add = true}
      %add3A_164 = arith.constant 5 : i32
      %add3A_165 = arith.addi %add3A_145, %add3A_164 : i32
      %lt3A_166 = arith.constant 40 : i32
      %lt3A_167 = arith.cmpi slt, %add3A_165, %lt3A_166 : i32
      %convert_element_type3A_168 = arith.extui %lt3A_167 : i1 to i32
      %cond3A_169 = arith.constant 0 : i32
      %cond3A_170 = arith.cmpi ne, %convert_element_type3A_168, %cond3A_169 : i32
      scf.if %cond3A_170 {
        %dma_wait3A_258 = arith.constant 1 : i32
        %dma_wait3A_259 = arith.constant 0 : i32
        %dma_wait3A_260 = tpu.memref_slice %arg8[%add3A_145, %dma_wait3A_259] : memref<40x125xi32, #tpu.memory_space<vmem>> -> memref<1x125xi32, #tpu.memory_space<vmem>>
        %dma_wait3A_261 = tpu.memref_squeeze %dma_wait3A_260 : memref<1x125xi32, #tpu.memory_space<vmem>> -> memref<125xi32, #tpu.memory_space<vmem>>
        %dma_wait3A_262 = arith.constant 0 : i32
        %dma_wait3A_263 = arith.constant 0 : i32
        %dma_wait3A_264 = tpu.memref_slice %arg16[%dma_wait3A_262, %dma_wait3A_263] : memref<10240x64xf32, #tpu.memory_space<vmem_shared>> -> memref<10240x64xf32, #tpu.memory_space<vmem_shared>>
        %dma_wait3A_265 = tpu.memref_slice %arg15[%dma_wait3A_258] : memref<5x!tpu.dma_semaphore, #tpu.memory_space<semaphore_mem>> -> memref<1x!tpu.dma_semaphore, #tpu.memory_space<semaphore_mem>>
        %dma_wait3A_266 = tpu.memref_squeeze %dma_wait3A_265 : memref<1x!tpu.dma_semaphore, #tpu.memory_space<semaphore_mem>> -> memref<!tpu.dma_semaphore, #tpu.memory_space<semaphore_mem>>
        tpu.wait_indirect_dma semaphore(%dma_wait3A_266 : memref<!tpu.dma_semaphore, #tpu.memory_space<semaphore_mem>>) src(%arg10 : memref<125x64xf32, #tpu.memory_space<vmem>>) dst(%dma_wait3A_264 : memref<10240x64xf32, #tpu.memory_space<vmem_shared>>)
        %add3A_267 = arith.constant 5 : i32
        %add3A_268 = arith.addi %add3A_145, %add3A_267 : i32
        %dma_start3A_269 = arith.constant 1 : i32
        %dma_start3A_270 = arith.constant 0 : i32
        %dma_start3A_271 = tpu.memref_slice %arg7[%add3A_268, %dma_start3A_270] : memref<40x125xi32, #tpu.memory_space<vmem>> -> memref<1x125xi32, #tpu.memory_space<vmem>>
        %dma_start3A_272 = tpu.memref_squeeze %dma_start3A_271 : memref<1x125xi32, #tpu.memory_space<vmem>> -> memref<125xi32, #tpu.memory_space<vmem>>
        %dma_start3A_273 = arith.constant 0 : i32
        %dma_start3A_274 = arith.constant 0 : i32
        %dma_start3A_275 = tpu.memref_slice %arg2[%dma_start3A_273, %dma_start3A_274] : memref<10000x64xf32, #tpu.memory_space<hbm>> -> memref<10000x64xf32, #tpu.memory_space<hbm>>
        %dma_start3A_276 = tpu.memref_slice %arg14[%dma_start3A_269] : memref<5x!tpu.dma_semaphore, #tpu.memory_space<semaphore_mem>> -> memref<1x!tpu.dma_semaphore, #tpu.memory_space<semaphore_mem>>
        %dma_start3A_277 = tpu.memref_squeeze %dma_start3A_276 : memref<1x!tpu.dma_semaphore, #tpu.memory_space<semaphore_mem>> -> memref<!tpu.dma_semaphore, #tpu.memory_space<semaphore_mem>>
        tpu.enqueue_indirect_dma source(%dma_start3A_275 : memref<10000x64xf32, #tpu.memory_space<hbm>>) target(%arg10 : memref<125x64xf32, #tpu.memory_space<vmem>>) offsets(%dma_start3A_272 : memref<125xi32, #tpu.memory_space<vmem>>) semaphore(%dma_start3A_277 : memref<!tpu.dma_semaphore, #tpu.memory_space<semaphore_mem>>)
      } else {
      }
      %mul3A_171 = arith.constant 5 : i32
      %mul3A_172 = arith.muli %mul3A_171, %scan3A_115 : i32
      %add3A_173 = arith.constant 2 : i32
      %add3A_174 = arith.addi %mul3A_172, %add3A_173 : i32
      %dma_wait3A_175 = arith.constant 2 : i32
      %dma_wait3A_176 = arith.constant 0 : i32
      %dma_wait3A_177 = tpu.memref_slice %arg7[%add3A_174, %dma_wait3A_176] : memref<40x125xi32, #tpu.memory_space<vmem>> -> memref<1x125xi32, #tpu.memory_space<vmem>>
      %dma_wait3A_178 = tpu.memref_squeeze %dma_wait3A_177 : memref<1x125xi32, #tpu.memory_space<vmem>> -> memref<125xi32, #tpu.memory_space<vmem>>
      %dma_wait3A_179 = arith.constant 0 : i32
      %dma_wait3A_180 = arith.constant 0 : i32
      %dma_wait3A_181 = tpu.memref_slice %arg2[%dma_wait3A_179, %dma_wait3A_180] : memref<10000x64xf32, #tpu.memory_space<hbm>> -> memref<10000x64xf32, #tpu.memory_space<hbm>>
      %dma_wait3A_182 = tpu.memref_slice %arg14[%dma_wait3A_175] : memref<5x!tpu.dma_semaphore, #tpu.memory_space<semaphore_mem>> -> memref<1x!tpu.dma_semaphore, #tpu.memory_space<semaphore_mem>>
      %dma_wait3A_183 = tpu.memref_squeeze %dma_wait3A_182 : memref<1x!tpu.dma_semaphore, #tpu.memory_space<semaphore_mem>> -> memref<!tpu.dma_semaphore, #tpu.memory_space<semaphore_mem>>
      tpu.wait_indirect_dma semaphore(%dma_wait3A_183 : memref<!tpu.dma_semaphore, #tpu.memory_space<semaphore_mem>>) src(%dma_wait3A_181 : memref<10000x64xf32, #tpu.memory_space<hbm>>) dst(%arg11 : memref<125x64xf32, #tpu.memory_space<vmem>>)
      %dma_start3A_184 = arith.constant 2 : i32
      %dma_start3A_185 = arith.constant 0 : i32
      %dma_start3A_186 = tpu.memref_slice %arg8[%add3A_174, %dma_start3A_185] : memref<40x125xi32, #tpu.memory_space<vmem>> -> memref<1x125xi32, #tpu.memory_space<vmem>>
      %dma_start3A_187 = tpu.memref_squeeze %dma_start3A_186 : memref<1x125xi32, #tpu.memory_space<vmem>> -> memref<125xi32, #tpu.memory_space<vmem>>
      %dma_start3A_188 = arith.constant 0 : i32
      %dma_start3A_189 = arith.constant 0 : i32
      %dma_start3A_190 = tpu.memref_slice %arg16[%dma_start3A_188, %dma_start3A_189] : memref<10240x64xf32, #tpu.memory_space<vmem_shared>> -> memref<10240x64xf32, #tpu.memory_space<vmem_shared>>
      %dma_start3A_191 = tpu.memref_slice %arg15[%dma_start3A_184] : memref<5x!tpu.dma_semaphore, #tpu.memory_space<semaphore_mem>> -> memref<1x!tpu.dma_semaphore, #tpu.memory_space<semaphore_mem>>
      %dma_start3A_192 = tpu.memref_squeeze %dma_start3A_191 : memref<1x!tpu.dma_semaphore, #tpu.memory_space<semaphore_mem>> -> memref<!tpu.dma_semaphore, #tpu.memory_space<semaphore_mem>>
      tpu.enqueue_indirect_dma source(%arg11 : memref<125x64xf32, #tpu.memory_space<vmem>>) target(%dma_start3A_190 : memref<10240x64xf32, #tpu.memory_space<vmem_shared>>) offsets(%dma_start3A_187 : memref<125xi32, #tpu.memory_space<vmem>>) semaphore(%dma_start3A_192 : memref<!tpu.dma_semaphore, #tpu.memory_space<semaphore_mem>>) {add = true}
      %add3A_193 = arith.constant 5 : i32
      %add3A_194 = arith.addi %add3A_174, %add3A_193 : i32
      %lt3A_195 = arith.constant 40 : i32
      %lt3A_196 = arith.cmpi slt, %add3A_194, %lt3A_195 : i32
      %convert_element_type3A_197 = arith.extui %lt3A_196 : i1 to i32
      %cond3A_198 = arith.constant 0 : i32
      %cond3A_199 = arith.cmpi ne, %convert_element_type3A_197, %cond3A_198 : i32
      scf.if %cond3A_199 {
        %dma_wait3A_258 = arith.constant 2 : i32
        %dma_wait3A_259 = arith.constant 0 : i32
        %dma_wait3A_260 = tpu.memref_slice %arg8[%add3A_174, %dma_wait3A_259] : memref<40x125xi32, #tpu.memory_space<vmem>> -> memref<1x125xi32, #tpu.memory_space<vmem>>
        %dma_wait3A_261 = tpu.memref_squeeze %dma_wait3A_260 : memref<1x125xi32, #tpu.memory_space<vmem>> -> memref<125xi32, #tpu.memory_space<vmem>>
        %dma_wait3A_262 = arith.constant 0 : i32
        %dma_wait3A_263 = arith.constant 0 : i32
        %dma_wait3A_264 = tpu.memref_slice %arg16[%dma_wait3A_262, %dma_wait3A_263] : memref<10240x64xf32, #tpu.memory_space<vmem_shared>> -> memref<10240x64xf32, #tpu.memory_space<vmem_shared>>
        %dma_wait3A_265 = tpu.memref_slice %arg15[%dma_wait3A_258] : memref<5x!tpu.dma_semaphore, #tpu.memory_space<semaphore_mem>> -> memref<1x!tpu.dma_semaphore, #tpu.memory_space<semaphore_mem>>
        %dma_wait3A_266 = tpu.memref_squeeze %dma_wait3A_265 : memref<1x!tpu.dma_semaphore, #tpu.memory_space<semaphore_mem>> -> memref<!tpu.dma_semaphore, #tpu.memory_space<semaphore_mem>>
        tpu.wait_indirect_dma semaphore(%dma_wait3A_266 : memref<!tpu.dma_semaphore, #tpu.memory_space<semaphore_mem>>) src(%arg11 : memref<125x64xf32, #tpu.memory_space<vmem>>) dst(%dma_wait3A_264 : memref<10240x64xf32, #tpu.memory_space<vmem_shared>>)
        %add3A_267 = arith.constant 5 : i32
        %add3A_268 = arith.addi %add3A_174, %add3A_267 : i32
        %dma_start3A_269 = arith.constant 2 : i32
        %dma_start3A_270 = arith.constant 0 : i32
        %dma_start3A_271 = tpu.memref_slice %arg7[%add3A_268, %dma_start3A_270] : memref<40x125xi32, #tpu.memory_space<vmem>> -> memref<1x125xi32, #tpu.memory_space<vmem>>
        %dma_start3A_272 = tpu.memref_squeeze %dma_start3A_271 : memref<1x125xi32, #tpu.memory_space<vmem>> -> memref<125xi32, #tpu.memory_space<vmem>>
        %dma_start3A_273 = arith.constant 0 : i32
        %dma_start3A_274 = arith.constant 0 : i32
        %dma_start3A_275 = tpu.memref_slice %arg2[%dma_start3A_273, %dma_start3A_274] : memref<10000x64xf32, #tpu.memory_space<hbm>> -> memref<10000x64xf32, #tpu.memory_space<hbm>>
        %dma_start3A_276 = tpu.memref_slice %arg14[%dma_start3A_269] : memref<5x!tpu.dma_semaphore, #tpu.memory_space<semaphore_mem>> -> memref<1x!tpu.dma_semaphore, #tpu.memory_space<semaphore_mem>>
        %dma_start3A_277 = tpu.memref_squeeze %dma_start3A_276 : memref<1x!tpu.dma_semaphore, #tpu.memory_space<semaphore_mem>> -> memref<!tpu.dma_semaphore, #tpu.memory_space<semaphore_mem>>
        tpu.enqueue_indirect_dma source(%dma_start3A_275 : memref<10000x64xf32, #tpu.memory_space<hbm>>) target(%arg11 : memref<125x64xf32, #tpu.memory_space<vmem>>) offsets(%dma_start3A_272 : memref<125xi32, #tpu.memory_space<vmem>>) semaphore(%dma_start3A_277 : memref<!tpu.dma_semaphore, #tpu.memory_space<semaphore_mem>>)
      } else {
      }
      %mul3A_200 = arith.constant 5 : i32
      %mul3A_201 = arith.muli %mul3A_200, %scan3A_115 : i32
      %add3A_202 = arith.constant 3 : i32
      %add3A_203 = arith.addi %mul3A_201, %add3A_202 : i32
      %dma_wait3A_204 = arith.constant 3 : i32
      %dma_wait3A_205 = arith.constant 0 : i32
      %dma_wait3A_206 = tpu.memref_slice %arg7[%add3A_203, %dma_wait3A_205] : memref<40x125xi32, #tpu.memory_space<vmem>> -> memref<1x125xi32, #tpu.memory_space<vmem>>
      %dma_wait3A_207 = tpu.memref_squeeze %dma_wait3A_206 : memref<1x125xi32, #tpu.memory_space<vmem>> -> memref<125xi32, #tpu.memory_space<vmem>>
      %dma_wait3A_208 = arith.constant 0 : i32
      %dma_wait3A_209 = arith.constant 0 : i32
      %dma_wait3A_210 = tpu.memref_slice %arg2[%dma_wait3A_208, %dma_wait3A_209] : memref<10000x64xf32, #tpu.memory_space<hbm>> -> memref<10000x64xf32, #tpu.memory_space<hbm>>
      %dma_wait3A_211 = tpu.memref_slice %arg14[%dma_wait3A_204] : memref<5x!tpu.dma_semaphore, #tpu.memory_space<semaphore_mem>> -> memref<1x!tpu.dma_semaphore, #tpu.memory_space<semaphore_mem>>
      %dma_wait3A_212 = tpu.memref_squeeze %dma_wait3A_211 : memref<1x!tpu.dma_semaphore, #tpu.memory_space<semaphore_mem>> -> memref<!tpu.dma_semaphore, #tpu.memory_space<semaphore_mem>>
      tpu.wait_indirect_dma semaphore(%dma_wait3A_212 : memref<!tpu.dma_semaphore, #tpu.memory_space<semaphore_mem>>) src(%dma_wait3A_210 : memref<10000x64xf32, #tpu.memory_space<hbm>>) dst(%arg12 : memref<125x64xf32, #tpu.memory_space<vmem>>)
      %dma_start3A_213 = arith.constant 3 : i32
      %dma_start3A_214 = arith.constant 0 : i32
      %dma_start3A_215 = tpu.memref_slice %arg8[%add3A_203, %dma_start3A_214] : memref<40x125xi32, #tpu.memory_space<vmem>> -> memref<1x125xi32, #tpu.memory_space<vmem>>
      %dma_start3A_216 = tpu.memref_squeeze %dma_start3A_215 : memref<1x125xi32, #tpu.memory_space<vmem>> -> memref<125xi32, #tpu.memory_space<vmem>>
      %dma_start3A_217 = arith.constant 0 : i32
      %dma_start3A_218 = arith.constant 0 : i32
      %dma_start3A_219 = tpu.memref_slice %arg16[%dma_start3A_217, %dma_start3A_218] : memref<10240x64xf32, #tpu.memory_space<vmem_shared>> -> memref<10240x64xf32, #tpu.memory_space<vmem_shared>>
      %dma_start3A_220 = tpu.memref_slice %arg15[%dma_start3A_213] : memref<5x!tpu.dma_semaphore, #tpu.memory_space<semaphore_mem>> -> memref<1x!tpu.dma_semaphore, #tpu.memory_space<semaphore_mem>>
      %dma_start3A_221 = tpu.memref_squeeze %dma_start3A_220 : memref<1x!tpu.dma_semaphore, #tpu.memory_space<semaphore_mem>> -> memref<!tpu.dma_semaphore, #tpu.memory_space<semaphore_mem>>
      tpu.enqueue_indirect_dma source(%arg12 : memref<125x64xf32, #tpu.memory_space<vmem>>) target(%dma_start3A_219 : memref<10240x64xf32, #tpu.memory_space<vmem_shared>>) offsets(%dma_start3A_216 : memref<125xi32, #tpu.memory_space<vmem>>) semaphore(%dma_start3A_221 : memref<!tpu.dma_semaphore, #tpu.memory_space<semaphore_mem>>) {add = true}
      %add3A_222 = arith.constant 5 : i32
      %add3A_223 = arith.addi %add3A_203, %add3A_222 : i32
      %lt3A_224 = arith.constant 40 : i32
      %lt3A_225 = arith.cmpi slt, %add3A_223, %lt3A_224 : i32
      %convert_element_type3A_226 = arith.extui %lt3A_225 : i1 to i32
      %cond3A_227 = arith.constant 0 : i32
      %cond3A_228 = arith.cmpi ne, %convert_element_type3A_226, %cond3A_227 : i32
      scf.if %cond3A_228 {
        %dma_wait3A_258 = arith.constant 3 : i32
        %dma_wait3A_259 = arith.constant 0 : i32
        %dma_wait3A_260 = tpu.memref_slice %arg8[%add3A_203, %dma_wait3A_259] : memref<40x125xi32, #tpu.memory_space<vmem>> -> memref<1x125xi32, #tpu.memory_space<vmem>>
        %dma_wait3A_261 = tpu.memref_squeeze %dma_wait3A_260 : memref<1x125xi32, #tpu.memory_space<vmem>> -> memref<125xi32, #tpu.memory_space<vmem>>
        %dma_wait3A_262 = arith.constant 0 : i32
        %dma_wait3A_263 = arith.constant 0 : i32
        %dma_wait3A_264 = tpu.memref_slice %arg16[%dma_wait3A_262, %dma_wait3A_263] : memref<10240x64xf32, #tpu.memory_space<vmem_shared>> -> memref<10240x64xf32, #tpu.memory_space<vmem_shared>>
        %dma_wait3A_265 = tpu.memref_slice %arg15[%dma_wait3A_258] : memref<5x!tpu.dma_semaphore, #tpu.memory_space<semaphore_mem>> -> memref<1x!tpu.dma_semaphore, #tpu.memory_space<semaphore_mem>>
        %dma_wait3A_266 = tpu.memref_squeeze %dma_wait3A_265 : memref<1x!tpu.dma_semaphore, #tpu.memory_space<semaphore_mem>> -> memref<!tpu.dma_semaphore, #tpu.memory_space<semaphore_mem>>
        tpu.wait_indirect_dma semaphore(%dma_wait3A_266 : memref<!tpu.dma_semaphore, #tpu.memory_space<semaphore_mem>>) src(%arg12 : memref<125x64xf32, #tpu.memory_space<vmem>>) dst(%dma_wait3A_264 : memref<10240x64xf32, #tpu.memory_space<vmem_shared>>)
        %add3A_267 = arith.constant 5 : i32
        %add3A_268 = arith.addi %add3A_203, %add3A_267 : i32
        %dma_start3A_269 = arith.constant 3 : i32
        %dma_start3A_270 = arith.constant 0 : i32
        %dma_start3A_271 = tpu.memref_slice %arg7[%add3A_268, %dma_start3A_270] : memref<40x125xi32, #tpu.memory_space<vmem>> -> memref<1x125xi32, #tpu.memory_space<vmem>>
        %dma_start3A_272 = tpu.memref_squeeze %dma_start3A_271 : memref<1x125xi32, #tpu.memory_space<vmem>> -> memref<125xi32, #tpu.memory_space<vmem>>
        %dma_start3A_273 = arith.constant 0 : i32
        %dma_start3A_274 = arith.constant 0 : i32
        %dma_start3A_275 = tpu.memref_slice %arg2[%dma_start3A_273, %dma_start3A_274] : memref<10000x64xf32, #tpu.memory_space<hbm>> -> memref<10000x64xf32, #tpu.memory_space<hbm>>
        %dma_start3A_276 = tpu.memref_slice %arg14[%dma_start3A_269] : memref<5x!tpu.dma_semaphore, #tpu.memory_space<semaphore_mem>> -> memref<1x!tpu.dma_semaphore, #tpu.memory_space<semaphore_mem>>
        %dma_start3A_277 = tpu.memref_squeeze %dma_start3A_276 : memref<1x!tpu.dma_semaphore, #tpu.memory_space<semaphore_mem>> -> memref<!tpu.dma_semaphore, #tpu.memory_space<semaphore_mem>>
        tpu.enqueue_indirect_dma source(%dma_start3A_275 : memref<10000x64xf32, #tpu.memory_space<hbm>>) target(%arg12 : memref<125x64xf32, #tpu.memory_space<vmem>>) offsets(%dma_start3A_272 : memref<125xi32, #tpu.memory_space<vmem>>) semaphore(%dma_start3A_277 : memref<!tpu.dma_semaphore, #tpu.memory_space<semaphore_mem>>)
      } else {
      }
      %mul3A_229 = arith.constant 5 : i32
      %mul3A_230 = arith.muli %mul3A_229, %scan3A_115 : i32
      %add3A_231 = arith.constant 4 : i32
      %add3A_232 = arith.addi %mul3A_230, %add3A_231 : i32
      %dma_wait3A_233 = arith.constant 4 : i32
      %dma_wait3A_234 = arith.constant 0 : i32
      %dma_wait3A_235 = tpu.memref_slice %arg7[%add3A_232, %dma_wait3A_234] : memref<40x125xi32, #tpu.memory_space<vmem>> -> memref<1x125xi32, #tpu.memory_space<vmem>>
      %dma_wait3A_236 = tpu.memref_squeeze %dma_wait3A_235 : memref<1x125xi32, #tpu.memory_space<vmem>> -> memref<125xi32, #tpu.memory_space<vmem>>
      %dma_wait3A_237 = arith.constant 0 : i32
      %dma_wait3A_238 = arith.constant 0 : i32
      %dma_wait3A_239 = tpu.memref_slice %arg2[%dma_wait3A_237, %dma_wait3A_238] : memref<10000x64xf32, #tpu.memory_space<hbm>> -> memref<10000x64xf32, #tpu.memory_space<hbm>>
      %dma_wait3A_240 = tpu.memref_slice %arg14[%dma_wait3A_233] : memref<5x!tpu.dma_semaphore, #tpu.memory_space<semaphore_mem>> -> memref<1x!tpu.dma_semaphore, #tpu.memory_space<semaphore_mem>>
      %dma_wait3A_241 = tpu.memref_squeeze %dma_wait3A_240 : memref<1x!tpu.dma_semaphore, #tpu.memory_space<semaphore_mem>> -> memref<!tpu.dma_semaphore, #tpu.memory_space<semaphore_mem>>
      tpu.wait_indirect_dma semaphore(%dma_wait3A_241 : memref<!tpu.dma_semaphore, #tpu.memory_space<semaphore_mem>>) src(%dma_wait3A_239 : memref<10000x64xf32, #tpu.memory_space<hbm>>) dst(%arg13 : memref<125x64xf32, #tpu.memory_space<vmem>>)
      %dma_start3A_242 = arith.constant 4 : i32
      %dma_start3A_243 = arith.constant 0 : i32
      %dma_start3A_244 = tpu.memref_slice %arg8[%add3A_232, %dma_start3A_243] : memref<40x125xi32, #tpu.memory_space<vmem>> -> memref<1x125xi32, #tpu.memory_space<vmem>>
      %dma_start3A_245 = tpu.memref_squeeze %dma_start3A_244 : memref<1x125xi32, #tpu.memory_space<vmem>> -> memref<125xi32, #tpu.memory_space<vmem>>
      %dma_start3A_246 = arith.constant 0 : i32
      %dma_start3A_247 = arith.constant 0 : i32
      %dma_start3A_248 = tpu.memref_slice %arg16[%dma_start3A_246, %dma_start3A_247] : memref<10240x64xf32, #tpu.memory_space<vmem_shared>> -> memref<10240x64xf32, #tpu.memory_space<vmem_shared>>
      %dma_start3A_249 = tpu.memref_slice %arg15[%dma_start3A_242] : memref<5x!tpu.dma_semaphore, #tpu.memory_space<semaphore_mem>> -> memref<1x!tpu.dma_semaphore, #tpu.memory_space<semaphore_mem>>
      %dma_start3A_250 = tpu.memref_squeeze %dma_start3A_249 : memref<1x!tpu.dma_semaphore, #tpu.memory_space<semaphore_mem>> -> memref<!tpu.dma_semaphore, #tpu.memory_space<semaphore_mem>>
      tpu.enqueue_indirect_dma source(%arg13 : memref<125x64xf32, #tpu.memory_space<vmem>>) target(%dma_start3A_248 : memref<10240x64xf32, #tpu.memory_space<vmem_shared>>) offsets(%dma_start3A_245 : memref<125xi32, #tpu.memory_space<vmem>>) semaphore(%dma_start3A_250 : memref<!tpu.dma_semaphore, #tpu.memory_space<semaphore_mem>>) {add = true}
      %add3A_251 = arith.constant 5 : i32
      %add3A_252 = arith.addi %add3A_232, %add3A_251 : i32
      %lt3A_253 = arith.constant 40 : i32
      %lt3A_254 = arith.cmpi slt, %add3A_252, %lt3A_253 : i32
      %convert_element_type3A_255 = arith.extui %lt3A_254 : i1 to i32
      %cond3A_256 = arith.constant 0 : i32
      %cond3A_257 = arith.cmpi ne, %convert_element_type3A_255, %cond3A_256 : i32
      scf.if %cond3A_257 {
        %dma_wait3A_258 = arith.constant 4 : i32
        %dma_wait3A_259 = arith.constant 0 : i32
        %dma_wait3A_260 = tpu.memref_slice %arg8[%add3A_232, %dma_wait3A_259] : memref<40x125xi32, #tpu.memory_space<vmem>> -> memref<1x125xi32, #tpu.memory_space<vmem>>
        %dma_wait3A_261 = tpu.memref_squeeze %dma_wait3A_260 : memref<1x125xi32, #tpu.memory_space<vmem>> -> memref<125xi32, #tpu.memory_space<vmem>>
        %dma_wait3A_262 = arith.constant 0 : i32
        %dma_wait3A_263 = arith.constant 0 : i32
        %dma_wait3A_264 = tpu.memref_slice %arg16[%dma_wait3A_262, %dma_wait3A_263] : memref<10240x64xf32, #tpu.memory_space<vmem_shared>> -> memref<10240x64xf32, #tpu.memory_space<vmem_shared>>
        %dma_wait3A_265 = tpu.memref_slice %arg15[%dma_wait3A_258] : memref<5x!tpu.dma_semaphore, #tpu.memory_space<semaphore_mem>> -> memref<1x!tpu.dma_semaphore, #tpu.memory_space<semaphore_mem>>
        %dma_wait3A_266 = tpu.memref_squeeze %dma_wait3A_265 : memref<1x!tpu.dma_semaphore, #tpu.memory_space<semaphore_mem>> -> memref<!tpu.dma_semaphore, #tpu.memory_space<semaphore_mem>>
        tpu.wait_indirect_dma semaphore(%dma_wait3A_266 : memref<!tpu.dma_semaphore, #tpu.memory_space<semaphore_mem>>) src(%arg13 : memref<125x64xf32, #tpu.memory_space<vmem>>) dst(%dma_wait3A_264 : memref<10240x64xf32, #tpu.memory_space<vmem_shared>>)
        %add3A_267 = arith.constant 5 : i32
        %add3A_268 = arith.addi %add3A_232, %add3A_267 : i32
        %dma_start3A_269 = arith.constant 4 : i32
        %dma_start3A_270 = arith.constant 0 : i32
        %dma_start3A_271 = tpu.memref_slice %arg7[%add3A_268, %dma_start3A_270] : memref<40x125xi32, #tpu.memory_space<vmem>> -> memref<1x125xi32, #tpu.memory_space<vmem>>
        %dma_start3A_272 = tpu.memref_squeeze %dma_start3A_271 : memref<1x125xi32, #tpu.memory_space<vmem>> -> memref<125xi32, #tpu.memory_space<vmem>>
        %dma_start3A_273 = arith.constant 0 : i32
        %dma_start3A_274 = arith.constant 0 : i32
        %dma_start3A_275 = tpu.memref_slice %arg2[%dma_start3A_273, %dma_start3A_274] : memref<10000x64xf32, #tpu.memory_space<hbm>> -> memref<10000x64xf32, #tpu.memory_space<hbm>>
        %dma_start3A_276 = tpu.memref_slice %arg14[%dma_start3A_269] : memref<5x!tpu.dma_semaphore, #tpu.memory_space<semaphore_mem>> -> memref<1x!tpu.dma_semaphore, #tpu.memory_space<semaphore_mem>>
        %dma_start3A_277 = tpu.memref_squeeze %dma_start3A_276 : memref<1x!tpu.dma_semaphore, #tpu.memory_space<semaphore_mem>> -> memref<!tpu.dma_semaphore, #tpu.memory_space<semaphore_mem>>
        tpu.enqueue_indirect_dma source(%dma_start3A_275 : memref<10000x64xf32, #tpu.memory_space<hbm>>) target(%arg13 : memref<125x64xf32, #tpu.memory_space<vmem>>) offsets(%dma_start3A_272 : memref<125xi32, #tpu.memory_space<vmem>>) semaphore(%dma_start3A_277 : memref<!tpu.dma_semaphore, #tpu.memory_space<semaphore_mem>>)
      } else {
      }
    }
    %scan3A_60 = arith.constant 8 : i32
    %dma_wait3A = arith.constant 35 : i32
    %dma_wait3A_61 = arith.constant 0 : i32
    %dma_wait3A_62 = arith.constant 0 : i32
    %dma_wait3A_63 = tpu.memref_slice %arg8[%dma_wait3A, %dma_wait3A_62] : memref<40x125xi32, #tpu.memory_space<vmem>> -> memref<1x125xi32, #tpu.memory_space<vmem>>
    %dma_wait3A_64 = tpu.memref_squeeze %dma_wait3A_63 : memref<1x125xi32, #tpu.memory_space<vmem>> -> memref<125xi32, #tpu.memory_space<vmem>>
    %dma_wait3A_65 = arith.constant 0 : i32
    %dma_wait3A_66 = arith.constant 0 : i32
    %dma_wait3A_67 = tpu.memref_slice %arg16[%dma_wait3A_65, %dma_wait3A_66] : memref<10240x64xf32, #tpu.memory_space<vmem_shared>> -> memref<10240x64xf32, #tpu.memory_space<vmem_shared>>
    %dma_wait3A_68 = tpu.memref_slice %arg15[%dma_wait3A_61] : memref<5x!tpu.dma_semaphore, #tpu.memory_space<semaphore_mem>> -> memref<1x!tpu.dma_semaphore, #tpu.memory_space<semaphore_mem>>
    %dma_wait3A_69 = tpu.memref_squeeze %dma_wait3A_68 : memref<1x!tpu.dma_semaphore, #tpu.memory_space<semaphore_mem>> -> memref<!tpu.dma_semaphore, #tpu.memory_space<semaphore_mem>>
    tpu.wait_indirect_dma semaphore(%dma_wait3A_69 : memref<!tpu.dma_semaphore, #tpu.memory_space<semaphore_mem>>) src(%arg9 : memref<125x64xf32, #tpu.memory_space<vmem>>) dst(%dma_wait3A_67 : memref<10240x64xf32, #tpu.memory_space<vmem_shared>>)
    %dma_wait3A_70 = arith.constant 36 : i32
    %dma_wait3A_71 = arith.constant 1 : i32
    %dma_wait3A_72 = arith.constant 0 : i32
    %dma_wait3A_73 = tpu.memref_slice %arg8[%dma_wait3A_70, %dma_wait3A_72] : memref<40x125xi32, #tpu.memory_space<vmem>> -> memref<1x125xi32, #tpu.memory_space<vmem>>
    %dma_wait3A_74 = tpu.memref_squeeze %dma_wait3A_73 : memref<1x125xi32, #tpu.memory_space<vmem>> -> memref<125xi32, #tpu.memory_space<vmem>>
    %dma_wait3A_75 = arith.constant 0 : i32
    %dma_wait3A_76 = arith.constant 0 : i32
    %dma_wait3A_77 = tpu.memref_slice %arg16[%dma_wait3A_75, %dma_wait3A_76] : memref<10240x64xf32, #tpu.memory_space<vmem_shared>> -> memref<10240x64xf32, #tpu.memory_space<vmem_shared>>
    %dma_wait3A_78 = tpu.memref_slice %arg15[%dma_wait3A_71] : memref<5x!tpu.dma_semaphore, #tpu.memory_space<semaphore_mem>> -> memref<1x!tpu.dma_semaphore, #tpu.memory_space<semaphore_mem>>
    %dma_wait3A_79 = tpu.memref_squeeze %dma_wait3A_78 : memref<1x!tpu.dma_semaphore, #tpu.memory_space<semaphore_mem>> -> memref<!tpu.dma_semaphore, #tpu.memory_space<semaphore_mem>>
    tpu.wait_indirect_dma semaphore(%dma_wait3A_79 : memref<!tpu.dma_semaphore, #tpu.memory_space<semaphore_mem>>) src(%arg10 : memref<125x64xf32, #tpu.memory_space<vmem>>) dst(%dma_wait3A_77 : memref<10240x64xf32, #tpu.memory_space<vmem_shared>>)
    %dma_wait3A_80 = arith.constant 37 : i32
    %dma_wait3A_81 = arith.constant 2 : i32
    %dma_wait3A_82 = arith.constant 0 : i32
    %dma_wait3A_83 = tpu.memref_slice %arg8[%dma_wait3A_80, %dma_wait3A_82] : memref<40x125xi32, #tpu.memory_space<vmem>> -> memref<1x125xi32, #tpu.memory_space<vmem>>
    %dma_wait3A_84 = tpu.memref_squeeze %dma_wait3A_83 : memref<1x125xi32, #tpu.memory_space<vmem>> -> memref<125xi32, #tpu.memory_space<vmem>>
    %dma_wait3A_85 = arith.constant 0 : i32
    %dma_wait3A_86 = arith.constant 0 : i32
    %dma_wait3A_87 = tpu.memref_slice %arg16[%dma_wait3A_85, %dma_wait3A_86] : memref<10240x64xf32, #tpu.memory_space<vmem_shared>> -> memref<10240x64xf32, #tpu.memory_space<vmem_shared>>
    %dma_wait3A_88 = tpu.memref_slice %arg15[%dma_wait3A_81] : memref<5x!tpu.dma_semaphore, #tpu.memory_space<semaphore_mem>> -> memref<1x!tpu.dma_semaphore, #tpu.memory_space<semaphore_mem>>
    %dma_wait3A_89 = tpu.memref_squeeze %dma_wait3A_88 : memref<1x!tpu.dma_semaphore, #tpu.memory_space<semaphore_mem>> -> memref<!tpu.dma_semaphore, #tpu.memory_space<semaphore_mem>>
    tpu.wait_indirect_dma semaphore(%dma_wait3A_89 : memref<!tpu.dma_semaphore, #tpu.memory_space<semaphore_mem>>) src(%arg11 : memref<125x64xf32, #tpu.memory_space<vmem>>) dst(%dma_wait3A_87 : memref<10240x64xf32, #tpu.memory_space<vmem_shared>>)
    %dma_wait3A_90 = arith.constant 38 : i32
    %dma_wait3A_91 = arith.constant 3 : i32
    %dma_wait3A_92 = arith.constant 0 : i32
    %dma_wait3A_93 = tpu.memref_slice %arg8[%dma_wait3A_90, %dma_wait3A_92] : memref<40x125xi32, #tpu.memory_space<vmem>> -> memref<1x125xi32, #tpu.memory_space<vmem>>
    %dma_wait3A_94 = tpu.memref_squeeze %dma_wait3A_93 : memref<1x125xi32, #tpu.memory_space<vmem>> -> memref<125xi32, #tpu.memory_space<vmem>>
    %dma_wait3A_95 = arith.constant 0 : i32
    %dma_wait3A_96 = arith.constant 0 : i32
    %dma_wait3A_97 = tpu.memref_slice %arg16[%dma_wait3A_95, %dma_wait3A_96] : memref<10240x64xf32, #tpu.memory_space<vmem_shared>> -> memref<10240x64xf32, #tpu.memory_space<vmem_shared>>
    %dma_wait3A_98 = tpu.memref_slice %arg15[%dma_wait3A_91] : memref<5x!tpu.dma_semaphore, #tpu.memory_space<semaphore_mem>> -> memref<1x!tpu.dma_semaphore, #tpu.memory_space<semaphore_mem>>
    %dma_wait3A_99 = tpu.memref_squeeze %dma_wait3A_98 : memref<1x!tpu.dma_semaphore, #tpu.memory_space<semaphore_mem>> -> memref<!tpu.dma_semaphore, #tpu.memory_space<semaphore_mem>>
    tpu.wait_indirect_dma semaphore(%dma_wait3A_99 : memref<!tpu.dma_semaphore, #tpu.memory_space<semaphore_mem>>) src(%arg12 : memref<125x64xf32, #tpu.memory_space<vmem>>) dst(%dma_wait3A_97 : memref<10240x64xf32, #tpu.memory_space<vmem_shared>>)
    %dma_wait3A_100 = arith.constant 39 : i32
    %dma_wait3A_101 = arith.constant 4 : i32
    %dma_wait3A_102 = arith.constant 0 : i32
    %dma_wait3A_103 = tpu.memref_slice %arg8[%dma_wait3A_100, %dma_wait3A_102] : memref<40x125xi32, #tpu.memory_space<vmem>> -> memref<1x125xi32, #tpu.memory_space<vmem>>
    %dma_wait3A_104 = tpu.memref_squeeze %dma_wait3A_103 : memref<1x125xi32, #tpu.memory_space<vmem>> -> memref<125xi32, #tpu.memory_space<vmem>>
    %dma_wait3A_105 = arith.constant 0 : i32
    %dma_wait3A_106 = arith.constant 0 : i32
    %dma_wait3A_107 = tpu.memref_slice %arg16[%dma_wait3A_105, %dma_wait3A_106] : memref<10240x64xf32, #tpu.memory_space<vmem_shared>> -> memref<10240x64xf32, #tpu.memory_space<vmem_shared>>
    %dma_wait3A_108 = tpu.memref_slice %arg15[%dma_wait3A_101] : memref<5x!tpu.dma_semaphore, #tpu.memory_space<semaphore_mem>> -> memref<1x!tpu.dma_semaphore, #tpu.memory_space<semaphore_mem>>
    %dma_wait3A_109 = tpu.memref_squeeze %dma_wait3A_108 : memref<1x!tpu.dma_semaphore, #tpu.memory_space<semaphore_mem>> -> memref<!tpu.dma_semaphore, #tpu.memory_space<semaphore_mem>>
    tpu.wait_indirect_dma semaphore(%dma_wait3A_109 : memref<!tpu.dma_semaphore, #tpu.memory_space<semaphore_mem>>) src(%arg13 : memref<125x64xf32, #tpu.memory_space<vmem>>) dst(%dma_wait3A_107 : memref<10240x64xf32, #tpu.memory_space<vmem_shared>>)
    %barrier3A_110 = arith.constant 0 : index
    tpu.barrier barrier_id(%barrier3A_110)
    %mul3A_111 = arith.constant 640 : i32
    %mul3A_112 = arith.muli %arg1, %mul3A_111 : i32
    %mul3A_113 = arith.constant 640 : i32
    %mul3A_114 = arith.muli %arg1, %mul3A_113 : i32
    "tpu.region"() ({
      %run_scoped3A = tpu.sem_alloc : memref<!tpu.dma_semaphore, #tpu.memory_space<semaphore_mem>>
      %dma_start3A_115 = arith.constant 0 : i32
      %dma_start3A_116 = tpu.memref_slice %arg6[%arg0, %mul3A_114, %dma_start3A_115] : memref<2x10240x64xf32, #tpu.memory_space<hbm>> -> memref<1x640x64xf32, #tpu.memory_space<hbm>>
      %dma_start3A_117 = tpu.memref_squeeze %dma_start3A_116 : memref<1x640x64xf32, #tpu.memory_space<hbm>> -> memref<640x64xf32, #tpu.memory_space<hbm>>
      %dma_start3A_118 = arith.constant 0 : i32
      %dma_start3A_119 = tpu.memref_slice %arg16[%mul3A_112, %dma_start3A_118] : memref<10240x64xf32, #tpu.memory_space<vmem_shared>> -> memref<640x64xf32, #tpu.memory_space<vmem_shared>>
      tpu.enqueue_dma source(%dma_start3A_119 : memref<640x64xf32, #tpu.memory_space<vmem_shared>>) target(%dma_start3A_117 : memref<640x64xf32, #tpu.memory_space<hbm>>) target_semaphore(%run_scoped3A : memref<!tpu.dma_semaphore, #tpu.memory_space<semaphore_mem>>)
      %dma_wait3A_120 = arith.constant 0 : i32
      %dma_wait3A_121 = tpu.memref_slice %arg6[%arg0, %mul3A_114, %dma_wait3A_120] : memref<2x10240x64xf32, #tpu.memory_space<hbm>> -> memref<1x640x64xf32, #tpu.memory_space<hbm>>
      %dma_wait3A_122 = tpu.memref_squeeze %dma_wait3A_121 : memref<1x640x64xf32, #tpu.memory_space<hbm>> -> memref<640x64xf32, #tpu.memory_space<hbm>>
      %dma_wait3A_123 = arith.constant 0 : i32
      %dma_wait3A_124 = tpu.memref_slice %arg16[%mul3A_112, %dma_wait3A_123] : memref<10240x64xf32, #tpu.memory_space<vmem_shared>> -> memref<640x64xf32, #tpu.memory_space<vmem_shared>>
      tpu.wait_dma2 semaphore(%run_scoped3A : memref<!tpu.dma_semaphore, #tpu.memory_space<semaphore_mem>>) src(%dma_wait3A_124 : memref<640x64xf32, #tpu.memory_space<vmem_shared>>) dst(%dma_wait3A_122 : memref<640x64xf32, #tpu.memory_space<hbm>>)
      tpu.yield
    }) : () -> ()
    return
  }
}

#map = affine_map<(d0, d1) -> (0, 0)>
#map1 = affine_map<(d0, d1) -> (0, 0, 0)>
module attributes {stable_mosaic.version = 14 : i64} {
  func.func @body(%arg0: i32, %arg1: i32, %arg2: memref<10000x128xf32, #tpu.memory_space<hbm>>, %arg3: memref<3200x50xi32, #tpu.memory_space<hbm>>, %arg4: memref<3200x50xi32, #tpu.memory_space<hbm>>, %arg5: memref<640x128xf32, #tpu.memory_space<hbm>>, %arg6: memref<2x10240x128xf32, #tpu.memory_space<hbm>>, %arg7: memref<100x50xi32, #tpu.memory_space<vmem>>, %arg8: memref<100x50xi32, #tpu.memory_space<vmem>>, %arg9: memref<50x128xf32, #tpu.memory_space<vmem>>, %arg10: memref<50x128xf32, #tpu.memory_space<vmem>>, %arg11: memref<50x128xf32, #tpu.memory_space<vmem>>, %arg12: memref<50x128xf32, #tpu.memory_space<vmem>>, %arg13: memref<50x128xf32, #tpu.memory_space<vmem>>, %arg14: memref<5x!tpu.dma_semaphore, #tpu.memory_space<semaphore_mem>>, %arg15: memref<5x!tpu.dma_semaphore, #tpu.memory_space<semaphore_mem>>, %arg16: memref<10240x128xf32, #tpu.memory_space<vmem_shared>>) attributes {dimension_semantics = [#tpu.dimension_semantics<core_parallel>, #tpu.dimension_semantics<subcore_parallel>], iteration_bounds = array<i64: 2, 16>, scalar_prefetch = 0 : i64, scratch_operands = 10 : i64, tpu.core_type = #tpu.core_type<sc_vector_subcore>, window_params = [{transform_indices = #map}, {transform_indices = #map}, {transform_indices = #map}, {transform_indices = #map}, {transform_indices = #map1}]} {
    %mul3A = arith.constant 2 : i32
    %mul3A_0 = arith.muli %arg1, %mul3A : i32
    %add3A = arith.addi %mul3A_0, %arg0 : i32
    %mul3A_1 = arith.constant 100 : i32
    %mul3A_2 = arith.muli %add3A, %mul3A_1 : i32
    "tpu.region"() ({
      %run_scoped3A = tpu.sem_alloc : memref<!tpu.dma_semaphore, #tpu.memory_space<semaphore_mem>>
      %dma_start3A_115 = arith.constant 0 : i32
      %dma_start3A_116 = tpu.memref_slice %arg3[%mul3A_2, %dma_start3A_115] : memref<3200x50xi32, #tpu.memory_space<hbm>> -> memref<100x50xi32, #tpu.memory_space<hbm>>
      %dma_start3A_117 = arith.constant 0 : i32
      %dma_start3A_118 = tpu.memref_slice %arg3[%mul3A_2, %dma_start3A_117] : memref<3200x50xi32, #tpu.memory_space<hbm>> -> memref<100x50xi32, #tpu.memory_space<hbm>>
      tpu.enqueue_dma source(%dma_start3A_118 : memref<100x50xi32, #tpu.memory_space<hbm>>) target(%arg7 : memref<100x50xi32, #tpu.memory_space<vmem>>) target_semaphore(%run_scoped3A : memref<!tpu.dma_semaphore, #tpu.memory_space<semaphore_mem>>)
      %dma_wait3A_119 = arith.constant 0 : i32
      %dma_wait3A_120 = tpu.memref_slice %arg3[%mul3A_2, %dma_wait3A_119] : memref<3200x50xi32, #tpu.memory_space<hbm>> -> memref<100x50xi32, #tpu.memory_space<hbm>>
      %dma_wait3A_121 = arith.constant 0 : i32
      %dma_wait3A_122 = tpu.memref_slice %arg3[%mul3A_2, %dma_wait3A_121] : memref<3200x50xi32, #tpu.memory_space<hbm>> -> memref<100x50xi32, #tpu.memory_space<hbm>>
      tpu.wait_dma2 semaphore(%run_scoped3A : memref<!tpu.dma_semaphore, #tpu.memory_space<semaphore_mem>>) src(%dma_wait3A_122 : memref<100x50xi32, #tpu.memory_space<hbm>>) dst(%arg7 : memref<100x50xi32, #tpu.memory_space<vmem>>)
      tpu.yield
    }) : () -> ()
    %mul3A_3 = arith.constant 100 : i32
    %mul3A_4 = arith.muli %add3A, %mul3A_3 : i32
    "tpu.region"() ({
      %run_scoped3A = tpu.sem_alloc : memref<!tpu.dma_semaphore, #tpu.memory_space<semaphore_mem>>
      %dma_start3A_115 = arith.constant 0 : i32
      %dma_start3A_116 = tpu.memref_slice %arg4[%mul3A_4, %dma_start3A_115] : memref<3200x50xi32, #tpu.memory_space<hbm>> -> memref<100x50xi32, #tpu.memory_space<hbm>>
      %dma_start3A_117 = arith.constant 0 : i32
      %dma_start3A_118 = tpu.memref_slice %arg4[%mul3A_4, %dma_start3A_117] : memref<3200x50xi32, #tpu.memory_space<hbm>> -> memref<100x50xi32, #tpu.memory_space<hbm>>
      tpu.enqueue_dma source(%dma_start3A_118 : memref<100x50xi32, #tpu.memory_space<hbm>>) target(%arg8 : memref<100x50xi32, #tpu.memory_space<vmem>>) target_semaphore(%run_scoped3A : memref<!tpu.dma_semaphore, #tpu.memory_space<semaphore_mem>>)
      %dma_wait3A_119 = arith.constant 0 : i32
      %dma_wait3A_120 = tpu.memref_slice %arg4[%mul3A_4, %dma_wait3A_119] : memref<3200x50xi32, #tpu.memory_space<hbm>> -> memref<100x50xi32, #tpu.memory_space<hbm>>
      %dma_wait3A_121 = arith.constant 0 : i32
      %dma_wait3A_122 = tpu.memref_slice %arg4[%mul3A_4, %dma_wait3A_121] : memref<3200x50xi32, #tpu.memory_space<hbm>> -> memref<100x50xi32, #tpu.memory_space<hbm>>
      tpu.wait_dma2 semaphore(%run_scoped3A : memref<!tpu.dma_semaphore, #tpu.memory_space<semaphore_mem>>) src(%dma_wait3A_122 : memref<100x50xi32, #tpu.memory_space<hbm>>) dst(%arg8 : memref<100x50xi32, #tpu.memory_space<vmem>>)
      tpu.yield
    }) : () -> ()
    %dma_start3A = arith.constant 0 : i32
    %dma_start3A_5 = arith.constant 0 : i32
    %dma_start3A_6 = arith.constant 0 : i32
    %dma_start3A_7 = tpu.memref_slice %arg7[%dma_start3A, %dma_start3A_6] : memref<100x50xi32, #tpu.memory_space<vmem>> -> memref<1x50xi32, #tpu.memory_space<vmem>>
    %dma_start3A_8 = tpu.memref_squeeze %dma_start3A_7 : memref<1x50xi32, #tpu.memory_space<vmem>> -> memref<50xi32, #tpu.memory_space<vmem>>
    %dma_start3A_9 = arith.constant 0 : i32
    %dma_start3A_10 = arith.constant 0 : i32
    %dma_start3A_11 = tpu.memref_slice %arg2[%dma_start3A_9, %dma_start3A_10] : memref<10000x128xf32, #tpu.memory_space<hbm>> -> memref<10000x128xf32, #tpu.memory_space<hbm>>
    %dma_start3A_12 = tpu.memref_slice %arg14[%dma_start3A_5] : memref<5x!tpu.dma_semaphore, #tpu.memory_space<semaphore_mem>> -> memref<1x!tpu.dma_semaphore, #tpu.memory_space<semaphore_mem>>
    %dma_start3A_13 = tpu.memref_squeeze %dma_start3A_12 : memref<1x!tpu.dma_semaphore, #tpu.memory_space<semaphore_mem>> -> memref<!tpu.dma_semaphore, #tpu.memory_space<semaphore_mem>>
    tpu.enqueue_indirect_dma source(%dma_start3A_11 : memref<10000x128xf32, #tpu.memory_space<hbm>>) target(%arg9 : memref<50x128xf32, #tpu.memory_space<vmem>>) offsets(%dma_start3A_8 : memref<50xi32, #tpu.memory_space<vmem>>) semaphore(%dma_start3A_13 : memref<!tpu.dma_semaphore, #tpu.memory_space<semaphore_mem>>)
    %dma_start3A_14 = arith.constant 1 : i32
    %dma_start3A_15 = arith.constant 1 : i32
    %dma_start3A_16 = arith.constant 0 : i32
    %dma_start3A_17 = tpu.memref_slice %arg7[%dma_start3A_14, %dma_start3A_16] : memref<100x50xi32, #tpu.memory_space<vmem>> -> memref<1x50xi32, #tpu.memory_space<vmem>>
    %dma_start3A_18 = tpu.memref_squeeze %dma_start3A_17 : memref<1x50xi32, #tpu.memory_space<vmem>> -> memref<50xi32, #tpu.memory_space<vmem>>
    %dma_start3A_19 = arith.constant 0 : i32
    %dma_start3A_20 = arith.constant 0 : i32
    %dma_start3A_21 = tpu.memref_slice %arg2[%dma_start3A_19, %dma_start3A_20] : memref<10000x128xf32, #tpu.memory_space<hbm>> -> memref<10000x128xf32, #tpu.memory_space<hbm>>
    %dma_start3A_22 = tpu.memref_slice %arg14[%dma_start3A_15] : memref<5x!tpu.dma_semaphore, #tpu.memory_space<semaphore_mem>> -> memref<1x!tpu.dma_semaphore, #tpu.memory_space<semaphore_mem>>
    %dma_start3A_23 = tpu.memref_squeeze %dma_start3A_22 : memref<1x!tpu.dma_semaphore, #tpu.memory_space<semaphore_mem>> -> memref<!tpu.dma_semaphore, #tpu.memory_space<semaphore_mem>>
    tpu.enqueue_indirect_dma source(%dma_start3A_21 : memref<10000x128xf32, #tpu.memory_space<hbm>>) target(%arg10 : memref<50x128xf32, #tpu.memory_space<vmem>>) offsets(%dma_start3A_18 : memref<50xi32, #tpu.memory_space<vmem>>) semaphore(%dma_start3A_23 : memref<!tpu.dma_semaphore, #tpu.memory_space<semaphore_mem>>)
    %dma_start3A_24 = arith.constant 2 : i32
    %dma_start3A_25 = arith.constant 2 : i32
    %dma_start3A_26 = arith.constant 0 : i32
    %dma_start3A_27 = tpu.memref_slice %arg7[%dma_start3A_24, %dma_start3A_26] : memref<100x50xi32, #tpu.memory_space<vmem>> -> memref<1x50xi32, #tpu.memory_space<vmem>>
    %dma_start3A_28 = tpu.memref_squeeze %dma_start3A_27 : memref<1x50xi32, #tpu.memory_space<vmem>> -> memref<50xi32, #tpu.memory_space<vmem>>
    %dma_start3A_29 = arith.constant 0 : i32
    %dma_start3A_30 = arith.constant 0 : i32
    %dma_start3A_31 = tpu.memref_slice %arg2[%dma_start3A_29, %dma_start3A_30] : memref<10000x128xf32, #tpu.memory_space<hbm>> -> memref<10000x128xf32, #tpu.memory_space<hbm>>
    %dma_start3A_32 = tpu.memref_slice %arg14[%dma_start3A_25] : memref<5x!tpu.dma_semaphore, #tpu.memory_space<semaphore_mem>> -> memref<1x!tpu.dma_semaphore, #tpu.memory_space<semaphore_mem>>
    %dma_start3A_33 = tpu.memref_squeeze %dma_start3A_32 : memref<1x!tpu.dma_semaphore, #tpu.memory_space<semaphore_mem>> -> memref<!tpu.dma_semaphore, #tpu.memory_space<semaphore_mem>>
    tpu.enqueue_indirect_dma source(%dma_start3A_31 : memref<10000x128xf32, #tpu.memory_space<hbm>>) target(%arg11 : memref<50x128xf32, #tpu.memory_space<vmem>>) offsets(%dma_start3A_28 : memref<50xi32, #tpu.memory_space<vmem>>) semaphore(%dma_start3A_33 : memref<!tpu.dma_semaphore, #tpu.memory_space<semaphore_mem>>)
    %dma_start3A_34 = arith.constant 3 : i32
    %dma_start3A_35 = arith.constant 3 : i32
    %dma_start3A_36 = arith.constant 0 : i32
    %dma_start3A_37 = tpu.memref_slice %arg7[%dma_start3A_34, %dma_start3A_36] : memref<100x50xi32, #tpu.memory_space<vmem>> -> memref<1x50xi32, #tpu.memory_space<vmem>>
    %dma_start3A_38 = tpu.memref_squeeze %dma_start3A_37 : memref<1x50xi32, #tpu.memory_space<vmem>> -> memref<50xi32, #tpu.memory_space<vmem>>
    %dma_start3A_39 = arith.constant 0 : i32
    %dma_start3A_40 = arith.constant 0 : i32
    %dma_start3A_41 = tpu.memref_slice %arg2[%dma_start3A_39, %dma_start3A_40] : memref<10000x128xf32, #tpu.memory_space<hbm>> -> memref<10000x128xf32, #tpu.memory_space<hbm>>
    %dma_start3A_42 = tpu.memref_slice %arg14[%dma_start3A_35] : memref<5x!tpu.dma_semaphore, #tpu.memory_space<semaphore_mem>> -> memref<1x!tpu.dma_semaphore, #tpu.memory_space<semaphore_mem>>
    %dma_start3A_43 = tpu.memref_squeeze %dma_start3A_42 : memref<1x!tpu.dma_semaphore, #tpu.memory_space<semaphore_mem>> -> memref<!tpu.dma_semaphore, #tpu.memory_space<semaphore_mem>>
    tpu.enqueue_indirect_dma source(%dma_start3A_41 : memref<10000x128xf32, #tpu.memory_space<hbm>>) target(%arg12 : memref<50x128xf32, #tpu.memory_space<vmem>>) offsets(%dma_start3A_38 : memref<50xi32, #tpu.memory_space<vmem>>) semaphore(%dma_start3A_43 : memref<!tpu.dma_semaphore, #tpu.memory_space<semaphore_mem>>)
    %dma_start3A_44 = arith.constant 4 : i32
    %dma_start3A_45 = arith.constant 4 : i32
    %dma_start3A_46 = arith.constant 0 : i32
    %dma_start3A_47 = tpu.memref_slice %arg7[%dma_start3A_44, %dma_start3A_46] : memref<100x50xi32, #tpu.memory_space<vmem>> -> memref<1x50xi32, #tpu.memory_space<vmem>>
    %dma_start3A_48 = tpu.memref_squeeze %dma_start3A_47 : memref<1x50xi32, #tpu.memory_space<vmem>> -> memref<50xi32, #tpu.memory_space<vmem>>
    %dma_start3A_49 = arith.constant 0 : i32
    %dma_start3A_50 = arith.constant 0 : i32
    %dma_start3A_51 = tpu.memref_slice %arg2[%dma_start3A_49, %dma_start3A_50] : memref<10000x128xf32, #tpu.memory_space<hbm>> -> memref<10000x128xf32, #tpu.memory_space<hbm>>
    %dma_start3A_52 = tpu.memref_slice %arg14[%dma_start3A_45] : memref<5x!tpu.dma_semaphore, #tpu.memory_space<semaphore_mem>> -> memref<1x!tpu.dma_semaphore, #tpu.memory_space<semaphore_mem>>
    %dma_start3A_53 = tpu.memref_squeeze %dma_start3A_52 : memref<1x!tpu.dma_semaphore, #tpu.memory_space<semaphore_mem>> -> memref<!tpu.dma_semaphore, #tpu.memory_space<semaphore_mem>>
    tpu.enqueue_indirect_dma source(%dma_start3A_51 : memref<10000x128xf32, #tpu.memory_space<hbm>>) target(%arg13 : memref<50x128xf32, #tpu.memory_space<vmem>>) offsets(%dma_start3A_48 : memref<50xi32, #tpu.memory_space<vmem>>) semaphore(%dma_start3A_53 : memref<!tpu.dma_semaphore, #tpu.memory_space<semaphore_mem>>)
    %mul3A_54 = arith.constant 640 : i32
    %mul3A_55 = arith.muli %arg1, %mul3A_54 : i32
    "tpu.region"() ({
      %run_scoped3A = tpu.sem_alloc : memref<!tpu.dma_semaphore, #tpu.memory_space<semaphore_mem>>
      %dma_start3A_115 = arith.constant 0 : i32
      %dma_start3A_116 = tpu.memref_slice %arg16[%mul3A_55, %dma_start3A_115] : memref<10240x128xf32, #tpu.memory_space<vmem_shared>> -> memref<640x128xf32, #tpu.memory_space<vmem_shared>>
      tpu.enqueue_dma source(%arg5 : memref<640x128xf32, #tpu.memory_space<hbm>>) target(%dma_start3A_116 : memref<640x128xf32, #tpu.memory_space<vmem_shared>>) target_semaphore(%run_scoped3A : memref<!tpu.dma_semaphore, #tpu.memory_space<semaphore_mem>>)
      %dma_wait3A_117 = arith.constant 0 : i32
      %dma_wait3A_118 = tpu.memref_slice %arg16[%mul3A_55, %dma_wait3A_117] : memref<10240x128xf32, #tpu.memory_space<vmem_shared>> -> memref<640x128xf32, #tpu.memory_space<vmem_shared>>
      tpu.wait_dma2 semaphore(%run_scoped3A : memref<!tpu.dma_semaphore, #tpu.memory_space<semaphore_mem>>) src(%arg5 : memref<640x128xf32, #tpu.memory_space<hbm>>) dst(%dma_wait3A_118 : memref<640x128xf32, #tpu.memory_space<vmem_shared>>)
      tpu.yield
    }) : () -> ()
    %barrier3A = arith.constant 0 : index
    tpu.barrier barrier_id(%barrier3A)
    %scan3A = arith.constant 0 : i32
    %scan3A_56 = arith.constant 0 : i32
    %scan3A_57 = arith.constant 20 : i32
    %scan3A_58 = arith.addi %scan3A_56, %scan3A_57 : i32
    %scan3A_59 = arith.constant 1 : i32
    scf.for %scan3A_115 = %scan3A_56 to %scan3A_58 step %scan3A_59  : i32 {
      %mul3A_116 = arith.constant 5 : i32
      %mul3A_117 = arith.muli %mul3A_116, %scan3A_115 : i32
      %add3A_118 = arith.constant 0 : i32
      %add3A_119 = arith.addi %mul3A_117, %add3A_118 : i32
      %dma_wait3A_120 = arith.constant 0 : i32
      %dma_wait3A_121 = arith.constant 0 : i32
      %dma_wait3A_122 = tpu.memref_slice %arg7[%add3A_119, %dma_wait3A_121] : memref<100x50xi32, #tpu.memory_space<vmem>> -> memref<1x50xi32, #tpu.memory_space<vmem>>
      %dma_wait3A_123 = tpu.memref_squeeze %dma_wait3A_122 : memref<1x50xi32, #tpu.memory_space<vmem>> -> memref<50xi32, #tpu.memory_space<vmem>>
      %dma_wait3A_124 = arith.constant 0 : i32
      %dma_wait3A_125 = arith.constant 0 : i32
      %dma_wait3A_126 = tpu.memref_slice %arg2[%dma_wait3A_124, %dma_wait3A_125] : memref<10000x128xf32, #tpu.memory_space<hbm>> -> memref<10000x128xf32, #tpu.memory_space<hbm>>
      %dma_wait3A_127 = tpu.memref_slice %arg14[%dma_wait3A_120] : memref<5x!tpu.dma_semaphore, #tpu.memory_space<semaphore_mem>> -> memref<1x!tpu.dma_semaphore, #tpu.memory_space<semaphore_mem>>
      %dma_wait3A_128 = tpu.memref_squeeze %dma_wait3A_127 : memref<1x!tpu.dma_semaphore, #tpu.memory_space<semaphore_mem>> -> memref<!tpu.dma_semaphore, #tpu.memory_space<semaphore_mem>>
      tpu.wait_indirect_dma semaphore(%dma_wait3A_128 : memref<!tpu.dma_semaphore, #tpu.memory_space<semaphore_mem>>) src(%dma_wait3A_126 : memref<10000x128xf32, #tpu.memory_space<hbm>>) dst(%arg9 : memref<50x128xf32, #tpu.memory_space<vmem>>)
      %dma_start3A_129 = arith.constant 0 : i32
      %dma_start3A_130 = arith.constant 0 : i32
      %dma_start3A_131 = tpu.memref_slice %arg8[%add3A_119, %dma_start3A_130] : memref<100x50xi32, #tpu.memory_space<vmem>> -> memref<1x50xi32, #tpu.memory_space<vmem>>
      %dma_start3A_132 = tpu.memref_squeeze %dma_start3A_131 : memref<1x50xi32, #tpu.memory_space<vmem>> -> memref<50xi32, #tpu.memory_space<vmem>>
      %dma_start3A_133 = arith.constant 0 : i32
      %dma_start3A_134 = arith.constant 0 : i32
      %dma_start3A_135 = tpu.memref_slice %arg16[%dma_start3A_133, %dma_start3A_134] : memref<10240x128xf32, #tpu.memory_space<vmem_shared>> -> memref<10240x128xf32, #tpu.memory_space<vmem_shared>>
      %dma_start3A_136 = tpu.memref_slice %arg15[%dma_start3A_129] : memref<5x!tpu.dma_semaphore, #tpu.memory_space<semaphore_mem>> -> memref<1x!tpu.dma_semaphore, #tpu.memory_space<semaphore_mem>>
      %dma_start3A_137 = tpu.memref_squeeze %dma_start3A_136 : memref<1x!tpu.dma_semaphore, #tpu.memory_space<semaphore_mem>> -> memref<!tpu.dma_semaphore, #tpu.memory_space<semaphore_mem>>
      tpu.enqueue_indirect_dma source(%arg9 : memref<50x128xf32, #tpu.memory_space<vmem>>) target(%dma_start3A_135 : memref<10240x128xf32, #tpu.memory_space<vmem_shared>>) offsets(%dma_start3A_132 : memref<50xi32, #tpu.memory_space<vmem>>) semaphore(%dma_start3A_137 : memref<!tpu.dma_semaphore, #tpu.memory_space<semaphore_mem>>) {add = true}
      %add3A_138 = arith.constant 5 : i32
      %add3A_139 = arith.addi %add3A_119, %add3A_138 : i32
      %lt3A = arith.constant 100 : i32
      %lt3A_140 = arith.cmpi slt, %add3A_139, %lt3A : i32
      %convert_element_type3A = arith.extui %lt3A_140 : i1 to i32
      %cond3A = arith.constant 0 : i32
      %cond3A_141 = arith.cmpi ne, %convert_element_type3A, %cond3A : i32
      scf.if %cond3A_141 {
        %dma_wait3A_258 = arith.constant 0 : i32
        %dma_wait3A_259 = arith.constant 0 : i32
        %dma_wait3A_260 = tpu.memref_slice %arg8[%add3A_119, %dma_wait3A_259] : memref<100x50xi32, #tpu.memory_space<vmem>> -> memref<1x50xi32, #tpu.memory_space<vmem>>
        %dma_wait3A_261 = tpu.memref_squeeze %dma_wait3A_260 : memref<1x50xi32, #tpu.memory_space<vmem>> -> memref<50xi32, #tpu.memory_space<vmem>>
        %dma_wait3A_262 = arith.constant 0 : i32
        %dma_wait3A_263 = arith.constant 0 : i32
        %dma_wait3A_264 = tpu.memref_slice %arg16[%dma_wait3A_262, %dma_wait3A_263] : memref<10240x128xf32, #tpu.memory_space<vmem_shared>> -> memref<10240x128xf32, #tpu.memory_space<vmem_shared>>
        %dma_wait3A_265 = tpu.memref_slice %arg15[%dma_wait3A_258] : memref<5x!tpu.dma_semaphore, #tpu.memory_space<semaphore_mem>> -> memref<1x!tpu.dma_semaphore, #tpu.memory_space<semaphore_mem>>
        %dma_wait3A_266 = tpu.memref_squeeze %dma_wait3A_265 : memref<1x!tpu.dma_semaphore, #tpu.memory_space<semaphore_mem>> -> memref<!tpu.dma_semaphore, #tpu.memory_space<semaphore_mem>>
        tpu.wait_indirect_dma semaphore(%dma_wait3A_266 : memref<!tpu.dma_semaphore, #tpu.memory_space<semaphore_mem>>) src(%arg9 : memref<50x128xf32, #tpu.memory_space<vmem>>) dst(%dma_wait3A_264 : memref<10240x128xf32, #tpu.memory_space<vmem_shared>>)
        %add3A_267 = arith.constant 5 : i32
        %add3A_268 = arith.addi %add3A_119, %add3A_267 : i32
        %dma_start3A_269 = arith.constant 0 : i32
        %dma_start3A_270 = arith.constant 0 : i32
        %dma_start3A_271 = tpu.memref_slice %arg7[%add3A_268, %dma_start3A_270] : memref<100x50xi32, #tpu.memory_space<vmem>> -> memref<1x50xi32, #tpu.memory_space<vmem>>
        %dma_start3A_272 = tpu.memref_squeeze %dma_start3A_271 : memref<1x50xi32, #tpu.memory_space<vmem>> -> memref<50xi32, #tpu.memory_space<vmem>>
        %dma_start3A_273 = arith.constant 0 : i32
        %dma_start3A_274 = arith.constant 0 : i32
        %dma_start3A_275 = tpu.memref_slice %arg2[%dma_start3A_273, %dma_start3A_274] : memref<10000x128xf32, #tpu.memory_space<hbm>> -> memref<10000x128xf32, #tpu.memory_space<hbm>>
        %dma_start3A_276 = tpu.memref_slice %arg14[%dma_start3A_269] : memref<5x!tpu.dma_semaphore, #tpu.memory_space<semaphore_mem>> -> memref<1x!tpu.dma_semaphore, #tpu.memory_space<semaphore_mem>>
        %dma_start3A_277 = tpu.memref_squeeze %dma_start3A_276 : memref<1x!tpu.dma_semaphore, #tpu.memory_space<semaphore_mem>> -> memref<!tpu.dma_semaphore, #tpu.memory_space<semaphore_mem>>
        tpu.enqueue_indirect_dma source(%dma_start3A_275 : memref<10000x128xf32, #tpu.memory_space<hbm>>) target(%arg9 : memref<50x128xf32, #tpu.memory_space<vmem>>) offsets(%dma_start3A_272 : memref<50xi32, #tpu.memory_space<vmem>>) semaphore(%dma_start3A_277 : memref<!tpu.dma_semaphore, #tpu.memory_space<semaphore_mem>>)
      } else {
      }
      %mul3A_142 = arith.constant 5 : i32
      %mul3A_143 = arith.muli %mul3A_142, %scan3A_115 : i32
      %add3A_144 = arith.constant 1 : i32
      %add3A_145 = arith.addi %mul3A_143, %add3A_144 : i32
      %dma_wait3A_146 = arith.constant 1 : i32
      %dma_wait3A_147 = arith.constant 0 : i32
      %dma_wait3A_148 = tpu.memref_slice %arg7[%add3A_145, %dma_wait3A_147] : memref<100x50xi32, #tpu.memory_space<vmem>> -> memref<1x50xi32, #tpu.memory_space<vmem>>
      %dma_wait3A_149 = tpu.memref_squeeze %dma_wait3A_148 : memref<1x50xi32, #tpu.memory_space<vmem>> -> memref<50xi32, #tpu.memory_space<vmem>>
      %dma_wait3A_150 = arith.constant 0 : i32
      %dma_wait3A_151 = arith.constant 0 : i32
      %dma_wait3A_152 = tpu.memref_slice %arg2[%dma_wait3A_150, %dma_wait3A_151] : memref<10000x128xf32, #tpu.memory_space<hbm>> -> memref<10000x128xf32, #tpu.memory_space<hbm>>
      %dma_wait3A_153 = tpu.memref_slice %arg14[%dma_wait3A_146] : memref<5x!tpu.dma_semaphore, #tpu.memory_space<semaphore_mem>> -> memref<1x!tpu.dma_semaphore, #tpu.memory_space<semaphore_mem>>
      %dma_wait3A_154 = tpu.memref_squeeze %dma_wait3A_153 : memref<1x!tpu.dma_semaphore, #tpu.memory_space<semaphore_mem>> -> memref<!tpu.dma_semaphore, #tpu.memory_space<semaphore_mem>>
      tpu.wait_indirect_dma semaphore(%dma_wait3A_154 : memref<!tpu.dma_semaphore, #tpu.memory_space<semaphore_mem>>) src(%dma_wait3A_152 : memref<10000x128xf32, #tpu.memory_space<hbm>>) dst(%arg10 : memref<50x128xf32, #tpu.memory_space<vmem>>)
      %dma_start3A_155 = arith.constant 1 : i32
      %dma_start3A_156 = arith.constant 0 : i32
      %dma_start3A_157 = tpu.memref_slice %arg8[%add3A_145, %dma_start3A_156] : memref<100x50xi32, #tpu.memory_space<vmem>> -> memref<1x50xi32, #tpu.memory_space<vmem>>
      %dma_start3A_158 = tpu.memref_squeeze %dma_start3A_157 : memref<1x50xi32, #tpu.memory_space<vmem>> -> memref<50xi32, #tpu.memory_space<vmem>>
      %dma_start3A_159 = arith.constant 0 : i32
      %dma_start3A_160 = arith.constant 0 : i32
      %dma_start3A_161 = tpu.memref_slice %arg16[%dma_start3A_159, %dma_start3A_160] : memref<10240x128xf32, #tpu.memory_space<vmem_shared>> -> memref<10240x128xf32, #tpu.memory_space<vmem_shared>>
      %dma_start3A_162 = tpu.memref_slice %arg15[%dma_start3A_155] : memref<5x!tpu.dma_semaphore, #tpu.memory_space<semaphore_mem>> -> memref<1x!tpu.dma_semaphore, #tpu.memory_space<semaphore_mem>>
      %dma_start3A_163 = tpu.memref_squeeze %dma_start3A_162 : memref<1x!tpu.dma_semaphore, #tpu.memory_space<semaphore_mem>> -> memref<!tpu.dma_semaphore, #tpu.memory_space<semaphore_mem>>
      tpu.enqueue_indirect_dma source(%arg10 : memref<50x128xf32, #tpu.memory_space<vmem>>) target(%dma_start3A_161 : memref<10240x128xf32, #tpu.memory_space<vmem_shared>>) offsets(%dma_start3A_158 : memref<50xi32, #tpu.memory_space<vmem>>) semaphore(%dma_start3A_163 : memref<!tpu.dma_semaphore, #tpu.memory_space<semaphore_mem>>) {add = true}
      %add3A_164 = arith.constant 5 : i32
      %add3A_165 = arith.addi %add3A_145, %add3A_164 : i32
      %lt3A_166 = arith.constant 100 : i32
      %lt3A_167 = arith.cmpi slt, %add3A_165, %lt3A_166 : i32
      %convert_element_type3A_168 = arith.extui %lt3A_167 : i1 to i32
      %cond3A_169 = arith.constant 0 : i32
      %cond3A_170 = arith.cmpi ne, %convert_element_type3A_168, %cond3A_169 : i32
      scf.if %cond3A_170 {
        %dma_wait3A_258 = arith.constant 1 : i32
        %dma_wait3A_259 = arith.constant 0 : i32
        %dma_wait3A_260 = tpu.memref_slice %arg8[%add3A_145, %dma_wait3A_259] : memref<100x50xi32, #tpu.memory_space<vmem>> -> memref<1x50xi32, #tpu.memory_space<vmem>>
        %dma_wait3A_261 = tpu.memref_squeeze %dma_wait3A_260 : memref<1x50xi32, #tpu.memory_space<vmem>> -> memref<50xi32, #tpu.memory_space<vmem>>
        %dma_wait3A_262 = arith.constant 0 : i32
        %dma_wait3A_263 = arith.constant 0 : i32
        %dma_wait3A_264 = tpu.memref_slice %arg16[%dma_wait3A_262, %dma_wait3A_263] : memref<10240x128xf32, #tpu.memory_space<vmem_shared>> -> memref<10240x128xf32, #tpu.memory_space<vmem_shared>>
        %dma_wait3A_265 = tpu.memref_slice %arg15[%dma_wait3A_258] : memref<5x!tpu.dma_semaphore, #tpu.memory_space<semaphore_mem>> -> memref<1x!tpu.dma_semaphore, #tpu.memory_space<semaphore_mem>>
        %dma_wait3A_266 = tpu.memref_squeeze %dma_wait3A_265 : memref<1x!tpu.dma_semaphore, #tpu.memory_space<semaphore_mem>> -> memref<!tpu.dma_semaphore, #tpu.memory_space<semaphore_mem>>
        tpu.wait_indirect_dma semaphore(%dma_wait3A_266 : memref<!tpu.dma_semaphore, #tpu.memory_space<semaphore_mem>>) src(%arg10 : memref<50x128xf32, #tpu.memory_space<vmem>>) dst(%dma_wait3A_264 : memref<10240x128xf32, #tpu.memory_space<vmem_shared>>)
        %add3A_267 = arith.constant 5 : i32
        %add3A_268 = arith.addi %add3A_145, %add3A_267 : i32
        %dma_start3A_269 = arith.constant 1 : i32
        %dma_start3A_270 = arith.constant 0 : i32
        %dma_start3A_271 = tpu.memref_slice %arg7[%add3A_268, %dma_start3A_270] : memref<100x50xi32, #tpu.memory_space<vmem>> -> memref<1x50xi32, #tpu.memory_space<vmem>>
        %dma_start3A_272 = tpu.memref_squeeze %dma_start3A_271 : memref<1x50xi32, #tpu.memory_space<vmem>> -> memref<50xi32, #tpu.memory_space<vmem>>
        %dma_start3A_273 = arith.constant 0 : i32
        %dma_start3A_274 = arith.constant 0 : i32
        %dma_start3A_275 = tpu.memref_slice %arg2[%dma_start3A_273, %dma_start3A_274] : memref<10000x128xf32, #tpu.memory_space<hbm>> -> memref<10000x128xf32, #tpu.memory_space<hbm>>
        %dma_start3A_276 = tpu.memref_slice %arg14[%dma_start3A_269] : memref<5x!tpu.dma_semaphore, #tpu.memory_space<semaphore_mem>> -> memref<1x!tpu.dma_semaphore, #tpu.memory_space<semaphore_mem>>
        %dma_start3A_277 = tpu.memref_squeeze %dma_start3A_276 : memref<1x!tpu.dma_semaphore, #tpu.memory_space<semaphore_mem>> -> memref<!tpu.dma_semaphore, #tpu.memory_space<semaphore_mem>>
        tpu.enqueue_indirect_dma source(%dma_start3A_275 : memref<10000x128xf32, #tpu.memory_space<hbm>>) target(%arg10 : memref<50x128xf32, #tpu.memory_space<vmem>>) offsets(%dma_start3A_272 : memref<50xi32, #tpu.memory_space<vmem>>) semaphore(%dma_start3A_277 : memref<!tpu.dma_semaphore, #tpu.memory_space<semaphore_mem>>)
      } else {
      }
      %mul3A_171 = arith.constant 5 : i32
      %mul3A_172 = arith.muli %mul3A_171, %scan3A_115 : i32
      %add3A_173 = arith.constant 2 : i32
      %add3A_174 = arith.addi %mul3A_172, %add3A_173 : i32
      %dma_wait3A_175 = arith.constant 2 : i32
      %dma_wait3A_176 = arith.constant 0 : i32
      %dma_wait3A_177 = tpu.memref_slice %arg7[%add3A_174, %dma_wait3A_176] : memref<100x50xi32, #tpu.memory_space<vmem>> -> memref<1x50xi32, #tpu.memory_space<vmem>>
      %dma_wait3A_178 = tpu.memref_squeeze %dma_wait3A_177 : memref<1x50xi32, #tpu.memory_space<vmem>> -> memref<50xi32, #tpu.memory_space<vmem>>
      %dma_wait3A_179 = arith.constant 0 : i32
      %dma_wait3A_180 = arith.constant 0 : i32
      %dma_wait3A_181 = tpu.memref_slice %arg2[%dma_wait3A_179, %dma_wait3A_180] : memref<10000x128xf32, #tpu.memory_space<hbm>> -> memref<10000x128xf32, #tpu.memory_space<hbm>>
      %dma_wait3A_182 = tpu.memref_slice %arg14[%dma_wait3A_175] : memref<5x!tpu.dma_semaphore, #tpu.memory_space<semaphore_mem>> -> memref<1x!tpu.dma_semaphore, #tpu.memory_space<semaphore_mem>>
      %dma_wait3A_183 = tpu.memref_squeeze %dma_wait3A_182 : memref<1x!tpu.dma_semaphore, #tpu.memory_space<semaphore_mem>> -> memref<!tpu.dma_semaphore, #tpu.memory_space<semaphore_mem>>
      tpu.wait_indirect_dma semaphore(%dma_wait3A_183 : memref<!tpu.dma_semaphore, #tpu.memory_space<semaphore_mem>>) src(%dma_wait3A_181 : memref<10000x128xf32, #tpu.memory_space<hbm>>) dst(%arg11 : memref<50x128xf32, #tpu.memory_space<vmem>>)
      %dma_start3A_184 = arith.constant 2 : i32
      %dma_start3A_185 = arith.constant 0 : i32
      %dma_start3A_186 = tpu.memref_slice %arg8[%add3A_174, %dma_start3A_185] : memref<100x50xi32, #tpu.memory_space<vmem>> -> memref<1x50xi32, #tpu.memory_space<vmem>>
      %dma_start3A_187 = tpu.memref_squeeze %dma_start3A_186 : memref<1x50xi32, #tpu.memory_space<vmem>> -> memref<50xi32, #tpu.memory_space<vmem>>
      %dma_start3A_188 = arith.constant 0 : i32
      %dma_start3A_189 = arith.constant 0 : i32
      %dma_start3A_190 = tpu.memref_slice %arg16[%dma_start3A_188, %dma_start3A_189] : memref<10240x128xf32, #tpu.memory_space<vmem_shared>> -> memref<10240x128xf32, #tpu.memory_space<vmem_shared>>
      %dma_start3A_191 = tpu.memref_slice %arg15[%dma_start3A_184] : memref<5x!tpu.dma_semaphore, #tpu.memory_space<semaphore_mem>> -> memref<1x!tpu.dma_semaphore, #tpu.memory_space<semaphore_mem>>
      %dma_start3A_192 = tpu.memref_squeeze %dma_start3A_191 : memref<1x!tpu.dma_semaphore, #tpu.memory_space<semaphore_mem>> -> memref<!tpu.dma_semaphore, #tpu.memory_space<semaphore_mem>>
      tpu.enqueue_indirect_dma source(%arg11 : memref<50x128xf32, #tpu.memory_space<vmem>>) target(%dma_start3A_190 : memref<10240x128xf32, #tpu.memory_space<vmem_shared>>) offsets(%dma_start3A_187 : memref<50xi32, #tpu.memory_space<vmem>>) semaphore(%dma_start3A_192 : memref<!tpu.dma_semaphore, #tpu.memory_space<semaphore_mem>>) {add = true}
      %add3A_193 = arith.constant 5 : i32
      %add3A_194 = arith.addi %add3A_174, %add3A_193 : i32
      %lt3A_195 = arith.constant 100 : i32
      %lt3A_196 = arith.cmpi slt, %add3A_194, %lt3A_195 : i32
      %convert_element_type3A_197 = arith.extui %lt3A_196 : i1 to i32
      %cond3A_198 = arith.constant 0 : i32
      %cond3A_199 = arith.cmpi ne, %convert_element_type3A_197, %cond3A_198 : i32
      scf.if %cond3A_199 {
        %dma_wait3A_258 = arith.constant 2 : i32
        %dma_wait3A_259 = arith.constant 0 : i32
        %dma_wait3A_260 = tpu.memref_slice %arg8[%add3A_174, %dma_wait3A_259] : memref<100x50xi32, #tpu.memory_space<vmem>> -> memref<1x50xi32, #tpu.memory_space<vmem>>
        %dma_wait3A_261 = tpu.memref_squeeze %dma_wait3A_260 : memref<1x50xi32, #tpu.memory_space<vmem>> -> memref<50xi32, #tpu.memory_space<vmem>>
        %dma_wait3A_262 = arith.constant 0 : i32
        %dma_wait3A_263 = arith.constant 0 : i32
        %dma_wait3A_264 = tpu.memref_slice %arg16[%dma_wait3A_262, %dma_wait3A_263] : memref<10240x128xf32, #tpu.memory_space<vmem_shared>> -> memref<10240x128xf32, #tpu.memory_space<vmem_shared>>
        %dma_wait3A_265 = tpu.memref_slice %arg15[%dma_wait3A_258] : memref<5x!tpu.dma_semaphore, #tpu.memory_space<semaphore_mem>> -> memref<1x!tpu.dma_semaphore, #tpu.memory_space<semaphore_mem>>
        %dma_wait3A_266 = tpu.memref_squeeze %dma_wait3A_265 : memref<1x!tpu.dma_semaphore, #tpu.memory_space<semaphore_mem>> -> memref<!tpu.dma_semaphore, #tpu.memory_space<semaphore_mem>>
        tpu.wait_indirect_dma semaphore(%dma_wait3A_266 : memref<!tpu.dma_semaphore, #tpu.memory_space<semaphore_mem>>) src(%arg11 : memref<50x128xf32, #tpu.memory_space<vmem>>) dst(%dma_wait3A_264 : memref<10240x128xf32, #tpu.memory_space<vmem_shared>>)
        %add3A_267 = arith.constant 5 : i32
        %add3A_268 = arith.addi %add3A_174, %add3A_267 : i32
        %dma_start3A_269 = arith.constant 2 : i32
        %dma_start3A_270 = arith.constant 0 : i32
        %dma_start3A_271 = tpu.memref_slice %arg7[%add3A_268, %dma_start3A_270] : memref<100x50xi32, #tpu.memory_space<vmem>> -> memref<1x50xi32, #tpu.memory_space<vmem>>
        %dma_start3A_272 = tpu.memref_squeeze %dma_start3A_271 : memref<1x50xi32, #tpu.memory_space<vmem>> -> memref<50xi32, #tpu.memory_space<vmem>>
        %dma_start3A_273 = arith.constant 0 : i32
        %dma_start3A_274 = arith.constant 0 : i32
        %dma_start3A_275 = tpu.memref_slice %arg2[%dma_start3A_273, %dma_start3A_274] : memref<10000x128xf32, #tpu.memory_space<hbm>> -> memref<10000x128xf32, #tpu.memory_space<hbm>>
        %dma_start3A_276 = tpu.memref_slice %arg14[%dma_start3A_269] : memref<5x!tpu.dma_semaphore, #tpu.memory_space<semaphore_mem>> -> memref<1x!tpu.dma_semaphore, #tpu.memory_space<semaphore_mem>>
        %dma_start3A_277 = tpu.memref_squeeze %dma_start3A_276 : memref<1x!tpu.dma_semaphore, #tpu.memory_space<semaphore_mem>> -> memref<!tpu.dma_semaphore, #tpu.memory_space<semaphore_mem>>
        tpu.enqueue_indirect_dma source(%dma_start3A_275 : memref<10000x128xf32, #tpu.memory_space<hbm>>) target(%arg11 : memref<50x128xf32, #tpu.memory_space<vmem>>) offsets(%dma_start3A_272 : memref<50xi32, #tpu.memory_space<vmem>>) semaphore(%dma_start3A_277 : memref<!tpu.dma_semaphore, #tpu.memory_space<semaphore_mem>>)
      } else {
      }
      %mul3A_200 = arith.constant 5 : i32
      %mul3A_201 = arith.muli %mul3A_200, %scan3A_115 : i32
      %add3A_202 = arith.constant 3 : i32
      %add3A_203 = arith.addi %mul3A_201, %add3A_202 : i32
      %dma_wait3A_204 = arith.constant 3 : i32
      %dma_wait3A_205 = arith.constant 0 : i32
      %dma_wait3A_206 = tpu.memref_slice %arg7[%add3A_203, %dma_wait3A_205] : memref<100x50xi32, #tpu.memory_space<vmem>> -> memref<1x50xi32, #tpu.memory_space<vmem>>
      %dma_wait3A_207 = tpu.memref_squeeze %dma_wait3A_206 : memref<1x50xi32, #tpu.memory_space<vmem>> -> memref<50xi32, #tpu.memory_space<vmem>>
      %dma_wait3A_208 = arith.constant 0 : i32
      %dma_wait3A_209 = arith.constant 0 : i32
      %dma_wait3A_210 = tpu.memref_slice %arg2[%dma_wait3A_208, %dma_wait3A_209] : memref<10000x128xf32, #tpu.memory_space<hbm>> -> memref<10000x128xf32, #tpu.memory_space<hbm>>
      %dma_wait3A_211 = tpu.memref_slice %arg14[%dma_wait3A_204] : memref<5x!tpu.dma_semaphore, #tpu.memory_space<semaphore_mem>> -> memref<1x!tpu.dma_semaphore, #tpu.memory_space<semaphore_mem>>
      %dma_wait3A_212 = tpu.memref_squeeze %dma_wait3A_211 : memref<1x!tpu.dma_semaphore, #tpu.memory_space<semaphore_mem>> -> memref<!tpu.dma_semaphore, #tpu.memory_space<semaphore_mem>>
      tpu.wait_indirect_dma semaphore(%dma_wait3A_212 : memref<!tpu.dma_semaphore, #tpu.memory_space<semaphore_mem>>) src(%dma_wait3A_210 : memref<10000x128xf32, #tpu.memory_space<hbm>>) dst(%arg12 : memref<50x128xf32, #tpu.memory_space<vmem>>)
      %dma_start3A_213 = arith.constant 3 : i32
      %dma_start3A_214 = arith.constant 0 : i32
      %dma_start3A_215 = tpu.memref_slice %arg8[%add3A_203, %dma_start3A_214] : memref<100x50xi32, #tpu.memory_space<vmem>> -> memref<1x50xi32, #tpu.memory_space<vmem>>
      %dma_start3A_216 = tpu.memref_squeeze %dma_start3A_215 : memref<1x50xi32, #tpu.memory_space<vmem>> -> memref<50xi32, #tpu.memory_space<vmem>>
      %dma_start3A_217 = arith.constant 0 : i32
      %dma_start3A_218 = arith.constant 0 : i32
      %dma_start3A_219 = tpu.memref_slice %arg16[%dma_start3A_217, %dma_start3A_218] : memref<10240x128xf32, #tpu.memory_space<vmem_shared>> -> memref<10240x128xf32, #tpu.memory_space<vmem_shared>>
      %dma_start3A_220 = tpu.memref_slice %arg15[%dma_start3A_213] : memref<5x!tpu.dma_semaphore, #tpu.memory_space<semaphore_mem>> -> memref<1x!tpu.dma_semaphore, #tpu.memory_space<semaphore_mem>>
      %dma_start3A_221 = tpu.memref_squeeze %dma_start3A_220 : memref<1x!tpu.dma_semaphore, #tpu.memory_space<semaphore_mem>> -> memref<!tpu.dma_semaphore, #tpu.memory_space<semaphore_mem>>
      tpu.enqueue_indirect_dma source(%arg12 : memref<50x128xf32, #tpu.memory_space<vmem>>) target(%dma_start3A_219 : memref<10240x128xf32, #tpu.memory_space<vmem_shared>>) offsets(%dma_start3A_216 : memref<50xi32, #tpu.memory_space<vmem>>) semaphore(%dma_start3A_221 : memref<!tpu.dma_semaphore, #tpu.memory_space<semaphore_mem>>) {add = true}
      %add3A_222 = arith.constant 5 : i32
      %add3A_223 = arith.addi %add3A_203, %add3A_222 : i32
      %lt3A_224 = arith.constant 100 : i32
      %lt3A_225 = arith.cmpi slt, %add3A_223, %lt3A_224 : i32
      %convert_element_type3A_226 = arith.extui %lt3A_225 : i1 to i32
      %cond3A_227 = arith.constant 0 : i32
      %cond3A_228 = arith.cmpi ne, %convert_element_type3A_226, %cond3A_227 : i32
      scf.if %cond3A_228 {
        %dma_wait3A_258 = arith.constant 3 : i32
        %dma_wait3A_259 = arith.constant 0 : i32
        %dma_wait3A_260 = tpu.memref_slice %arg8[%add3A_203, %dma_wait3A_259] : memref<100x50xi32, #tpu.memory_space<vmem>> -> memref<1x50xi32, #tpu.memory_space<vmem>>
        %dma_wait3A_261 = tpu.memref_squeeze %dma_wait3A_260 : memref<1x50xi32, #tpu.memory_space<vmem>> -> memref<50xi32, #tpu.memory_space<vmem>>
        %dma_wait3A_262 = arith.constant 0 : i32
        %dma_wait3A_263 = arith.constant 0 : i32
        %dma_wait3A_264 = tpu.memref_slice %arg16[%dma_wait3A_262, %dma_wait3A_263] : memref<10240x128xf32, #tpu.memory_space<vmem_shared>> -> memref<10240x128xf32, #tpu.memory_space<vmem_shared>>
        %dma_wait3A_265 = tpu.memref_slice %arg15[%dma_wait3A_258] : memref<5x!tpu.dma_semaphore, #tpu.memory_space<semaphore_mem>> -> memref<1x!tpu.dma_semaphore, #tpu.memory_space<semaphore_mem>>
        %dma_wait3A_266 = tpu.memref_squeeze %dma_wait3A_265 : memref<1x!tpu.dma_semaphore, #tpu.memory_space<semaphore_mem>> -> memref<!tpu.dma_semaphore, #tpu.memory_space<semaphore_mem>>
        tpu.wait_indirect_dma semaphore(%dma_wait3A_266 : memref<!tpu.dma_semaphore, #tpu.memory_space<semaphore_mem>>) src(%arg12 : memref<50x128xf32, #tpu.memory_space<vmem>>) dst(%dma_wait3A_264 : memref<10240x128xf32, #tpu.memory_space<vmem_shared>>)
        %add3A_267 = arith.constant 5 : i32
        %add3A_268 = arith.addi %add3A_203, %add3A_267 : i32
        %dma_start3A_269 = arith.constant 3 : i32
        %dma_start3A_270 = arith.constant 0 : i32
        %dma_start3A_271 = tpu.memref_slice %arg7[%add3A_268, %dma_start3A_270] : memref<100x50xi32, #tpu.memory_space<vmem>> -> memref<1x50xi32, #tpu.memory_space<vmem>>
        %dma_start3A_272 = tpu.memref_squeeze %dma_start3A_271 : memref<1x50xi32, #tpu.memory_space<vmem>> -> memref<50xi32, #tpu.memory_space<vmem>>
        %dma_start3A_273 = arith.constant 0 : i32
        %dma_start3A_274 = arith.constant 0 : i32
        %dma_start3A_275 = tpu.memref_slice %arg2[%dma_start3A_273, %dma_start3A_274] : memref<10000x128xf32, #tpu.memory_space<hbm>> -> memref<10000x128xf32, #tpu.memory_space<hbm>>
        %dma_start3A_276 = tpu.memref_slice %arg14[%dma_start3A_269] : memref<5x!tpu.dma_semaphore, #tpu.memory_space<semaphore_mem>> -> memref<1x!tpu.dma_semaphore, #tpu.memory_space<semaphore_mem>>
        %dma_start3A_277 = tpu.memref_squeeze %dma_start3A_276 : memref<1x!tpu.dma_semaphore, #tpu.memory_space<semaphore_mem>> -> memref<!tpu.dma_semaphore, #tpu.memory_space<semaphore_mem>>
        tpu.enqueue_indirect_dma source(%dma_start3A_275 : memref<10000x128xf32, #tpu.memory_space<hbm>>) target(%arg12 : memref<50x128xf32, #tpu.memory_space<vmem>>) offsets(%dma_start3A_272 : memref<50xi32, #tpu.memory_space<vmem>>) semaphore(%dma_start3A_277 : memref<!tpu.dma_semaphore, #tpu.memory_space<semaphore_mem>>)
      } else {
      }
      %mul3A_229 = arith.constant 5 : i32
      %mul3A_230 = arith.muli %mul3A_229, %scan3A_115 : i32
      %add3A_231 = arith.constant 4 : i32
      %add3A_232 = arith.addi %mul3A_230, %add3A_231 : i32
      %dma_wait3A_233 = arith.constant 4 : i32
      %dma_wait3A_234 = arith.constant 0 : i32
      %dma_wait3A_235 = tpu.memref_slice %arg7[%add3A_232, %dma_wait3A_234] : memref<100x50xi32, #tpu.memory_space<vmem>> -> memref<1x50xi32, #tpu.memory_space<vmem>>
      %dma_wait3A_236 = tpu.memref_squeeze %dma_wait3A_235 : memref<1x50xi32, #tpu.memory_space<vmem>> -> memref<50xi32, #tpu.memory_space<vmem>>
      %dma_wait3A_237 = arith.constant 0 : i32
      %dma_wait3A_238 = arith.constant 0 : i32
      %dma_wait3A_239 = tpu.memref_slice %arg2[%dma_wait3A_237, %dma_wait3A_238] : memref<10000x128xf32, #tpu.memory_space<hbm>> -> memref<10000x128xf32, #tpu.memory_space<hbm>>
      %dma_wait3A_240 = tpu.memref_slice %arg14[%dma_wait3A_233] : memref<5x!tpu.dma_semaphore, #tpu.memory_space<semaphore_mem>> -> memref<1x!tpu.dma_semaphore, #tpu.memory_space<semaphore_mem>>
      %dma_wait3A_241 = tpu.memref_squeeze %dma_wait3A_240 : memref<1x!tpu.dma_semaphore, #tpu.memory_space<semaphore_mem>> -> memref<!tpu.dma_semaphore, #tpu.memory_space<semaphore_mem>>
      tpu.wait_indirect_dma semaphore(%dma_wait3A_241 : memref<!tpu.dma_semaphore, #tpu.memory_space<semaphore_mem>>) src(%dma_wait3A_239 : memref<10000x128xf32, #tpu.memory_space<hbm>>) dst(%arg13 : memref<50x128xf32, #tpu.memory_space<vmem>>)
      %dma_start3A_242 = arith.constant 4 : i32
      %dma_start3A_243 = arith.constant 0 : i32
      %dma_start3A_244 = tpu.memref_slice %arg8[%add3A_232, %dma_start3A_243] : memref<100x50xi32, #tpu.memory_space<vmem>> -> memref<1x50xi32, #tpu.memory_space<vmem>>
      %dma_start3A_245 = tpu.memref_squeeze %dma_start3A_244 : memref<1x50xi32, #tpu.memory_space<vmem>> -> memref<50xi32, #tpu.memory_space<vmem>>
      %dma_start3A_246 = arith.constant 0 : i32
      %dma_start3A_247 = arith.constant 0 : i32
      %dma_start3A_248 = tpu.memref_slice %arg16[%dma_start3A_246, %dma_start3A_247] : memref<10240x128xf32, #tpu.memory_space<vmem_shared>> -> memref<10240x128xf32, #tpu.memory_space<vmem_shared>>
      %dma_start3A_249 = tpu.memref_slice %arg15[%dma_start3A_242] : memref<5x!tpu.dma_semaphore, #tpu.memory_space<semaphore_mem>> -> memref<1x!tpu.dma_semaphore, #tpu.memory_space<semaphore_mem>>
      %dma_start3A_250 = tpu.memref_squeeze %dma_start3A_249 : memref<1x!tpu.dma_semaphore, #tpu.memory_space<semaphore_mem>> -> memref<!tpu.dma_semaphore, #tpu.memory_space<semaphore_mem>>
      tpu.enqueue_indirect_dma source(%arg13 : memref<50x128xf32, #tpu.memory_space<vmem>>) target(%dma_start3A_248 : memref<10240x128xf32, #tpu.memory_space<vmem_shared>>) offsets(%dma_start3A_245 : memref<50xi32, #tpu.memory_space<vmem>>) semaphore(%dma_start3A_250 : memref<!tpu.dma_semaphore, #tpu.memory_space<semaphore_mem>>) {add = true}
      %add3A_251 = arith.constant 5 : i32
      %add3A_252 = arith.addi %add3A_232, %add3A_251 : i32
      %lt3A_253 = arith.constant 100 : i32
      %lt3A_254 = arith.cmpi slt, %add3A_252, %lt3A_253 : i32
      %convert_element_type3A_255 = arith.extui %lt3A_254 : i1 to i32
      %cond3A_256 = arith.constant 0 : i32
      %cond3A_257 = arith.cmpi ne, %convert_element_type3A_255, %cond3A_256 : i32
      scf.if %cond3A_257 {
        %dma_wait3A_258 = arith.constant 4 : i32
        %dma_wait3A_259 = arith.constant 0 : i32
        %dma_wait3A_260 = tpu.memref_slice %arg8[%add3A_232, %dma_wait3A_259] : memref<100x50xi32, #tpu.memory_space<vmem>> -> memref<1x50xi32, #tpu.memory_space<vmem>>
        %dma_wait3A_261 = tpu.memref_squeeze %dma_wait3A_260 : memref<1x50xi32, #tpu.memory_space<vmem>> -> memref<50xi32, #tpu.memory_space<vmem>>
        %dma_wait3A_262 = arith.constant 0 : i32
        %dma_wait3A_263 = arith.constant 0 : i32
        %dma_wait3A_264 = tpu.memref_slice %arg16[%dma_wait3A_262, %dma_wait3A_263] : memref<10240x128xf32, #tpu.memory_space<vmem_shared>> -> memref<10240x128xf32, #tpu.memory_space<vmem_shared>>
        %dma_wait3A_265 = tpu.memref_slice %arg15[%dma_wait3A_258] : memref<5x!tpu.dma_semaphore, #tpu.memory_space<semaphore_mem>> -> memref<1x!tpu.dma_semaphore, #tpu.memory_space<semaphore_mem>>
        %dma_wait3A_266 = tpu.memref_squeeze %dma_wait3A_265 : memref<1x!tpu.dma_semaphore, #tpu.memory_space<semaphore_mem>> -> memref<!tpu.dma_semaphore, #tpu.memory_space<semaphore_mem>>
        tpu.wait_indirect_dma semaphore(%dma_wait3A_266 : memref<!tpu.dma_semaphore, #tpu.memory_space<semaphore_mem>>) src(%arg13 : memref<50x128xf32, #tpu.memory_space<vmem>>) dst(%dma_wait3A_264 : memref<10240x128xf32, #tpu.memory_space<vmem_shared>>)
        %add3A_267 = arith.constant 5 : i32
        %add3A_268 = arith.addi %add3A_232, %add3A_267 : i32
        %dma_start3A_269 = arith.constant 4 : i32
        %dma_start3A_270 = arith.constant 0 : i32
        %dma_start3A_271 = tpu.memref_slice %arg7[%add3A_268, %dma_start3A_270] : memref<100x50xi32, #tpu.memory_space<vmem>> -> memref<1x50xi32, #tpu.memory_space<vmem>>
        %dma_start3A_272 = tpu.memref_squeeze %dma_start3A_271 : memref<1x50xi32, #tpu.memory_space<vmem>> -> memref<50xi32, #tpu.memory_space<vmem>>
        %dma_start3A_273 = arith.constant 0 : i32
        %dma_start3A_274 = arith.constant 0 : i32
        %dma_start3A_275 = tpu.memref_slice %arg2[%dma_start3A_273, %dma_start3A_274] : memref<10000x128xf32, #tpu.memory_space<hbm>> -> memref<10000x128xf32, #tpu.memory_space<hbm>>
        %dma_start3A_276 = tpu.memref_slice %arg14[%dma_start3A_269] : memref<5x!tpu.dma_semaphore, #tpu.memory_space<semaphore_mem>> -> memref<1x!tpu.dma_semaphore, #tpu.memory_space<semaphore_mem>>
        %dma_start3A_277 = tpu.memref_squeeze %dma_start3A_276 : memref<1x!tpu.dma_semaphore, #tpu.memory_space<semaphore_mem>> -> memref<!tpu.dma_semaphore, #tpu.memory_space<semaphore_mem>>
        tpu.enqueue_indirect_dma source(%dma_start3A_275 : memref<10000x128xf32, #tpu.memory_space<hbm>>) target(%arg13 : memref<50x128xf32, #tpu.memory_space<vmem>>) offsets(%dma_start3A_272 : memref<50xi32, #tpu.memory_space<vmem>>) semaphore(%dma_start3A_277 : memref<!tpu.dma_semaphore, #tpu.memory_space<semaphore_mem>>)
      } else {
      }
    }
    %scan3A_60 = arith.constant 20 : i32
    %dma_wait3A = arith.constant 95 : i32
    %dma_wait3A_61 = arith.constant 0 : i32
    %dma_wait3A_62 = arith.constant 0 : i32
    %dma_wait3A_63 = tpu.memref_slice %arg8[%dma_wait3A, %dma_wait3A_62] : memref<100x50xi32, #tpu.memory_space<vmem>> -> memref<1x50xi32, #tpu.memory_space<vmem>>
    %dma_wait3A_64 = tpu.memref_squeeze %dma_wait3A_63 : memref<1x50xi32, #tpu.memory_space<vmem>> -> memref<50xi32, #tpu.memory_space<vmem>>
    %dma_wait3A_65 = arith.constant 0 : i32
    %dma_wait3A_66 = arith.constant 0 : i32
    %dma_wait3A_67 = tpu.memref_slice %arg16[%dma_wait3A_65, %dma_wait3A_66] : memref<10240x128xf32, #tpu.memory_space<vmem_shared>> -> memref<10240x128xf32, #tpu.memory_space<vmem_shared>>
    %dma_wait3A_68 = tpu.memref_slice %arg15[%dma_wait3A_61] : memref<5x!tpu.dma_semaphore, #tpu.memory_space<semaphore_mem>> -> memref<1x!tpu.dma_semaphore, #tpu.memory_space<semaphore_mem>>
    %dma_wait3A_69 = tpu.memref_squeeze %dma_wait3A_68 : memref<1x!tpu.dma_semaphore, #tpu.memory_space<semaphore_mem>> -> memref<!tpu.dma_semaphore, #tpu.memory_space<semaphore_mem>>
    tpu.wait_indirect_dma semaphore(%dma_wait3A_69 : memref<!tpu.dma_semaphore, #tpu.memory_space<semaphore_mem>>) src(%arg9 : memref<50x128xf32, #tpu.memory_space<vmem>>) dst(%dma_wait3A_67 : memref<10240x128xf32, #tpu.memory_space<vmem_shared>>)
    %dma_wait3A_70 = arith.constant 96 : i32
    %dma_wait3A_71 = arith.constant 1 : i32
    %dma_wait3A_72 = arith.constant 0 : i32
    %dma_wait3A_73 = tpu.memref_slice %arg8[%dma_wait3A_70, %dma_wait3A_72] : memref<100x50xi32, #tpu.memory_space<vmem>> -> memref<1x50xi32, #tpu.memory_space<vmem>>
    %dma_wait3A_74 = tpu.memref_squeeze %dma_wait3A_73 : memref<1x50xi32, #tpu.memory_space<vmem>> -> memref<50xi32, #tpu.memory_space<vmem>>
    %dma_wait3A_75 = arith.constant 0 : i32
    %dma_wait3A_76 = arith.constant 0 : i32
    %dma_wait3A_77 = tpu.memref_slice %arg16[%dma_wait3A_75, %dma_wait3A_76] : memref<10240x128xf32, #tpu.memory_space<vmem_shared>> -> memref<10240x128xf32, #tpu.memory_space<vmem_shared>>
    %dma_wait3A_78 = tpu.memref_slice %arg15[%dma_wait3A_71] : memref<5x!tpu.dma_semaphore, #tpu.memory_space<semaphore_mem>> -> memref<1x!tpu.dma_semaphore, #tpu.memory_space<semaphore_mem>>
    %dma_wait3A_79 = tpu.memref_squeeze %dma_wait3A_78 : memref<1x!tpu.dma_semaphore, #tpu.memory_space<semaphore_mem>> -> memref<!tpu.dma_semaphore, #tpu.memory_space<semaphore_mem>>
    tpu.wait_indirect_dma semaphore(%dma_wait3A_79 : memref<!tpu.dma_semaphore, #tpu.memory_space<semaphore_mem>>) src(%arg10 : memref<50x128xf32, #tpu.memory_space<vmem>>) dst(%dma_wait3A_77 : memref<10240x128xf32, #tpu.memory_space<vmem_shared>>)
    %dma_wait3A_80 = arith.constant 97 : i32
    %dma_wait3A_81 = arith.constant 2 : i32
    %dma_wait3A_82 = arith.constant 0 : i32
    %dma_wait3A_83 = tpu.memref_slice %arg8[%dma_wait3A_80, %dma_wait3A_82] : memref<100x50xi32, #tpu.memory_space<vmem>> -> memref<1x50xi32, #tpu.memory_space<vmem>>
    %dma_wait3A_84 = tpu.memref_squeeze %dma_wait3A_83 : memref<1x50xi32, #tpu.memory_space<vmem>> -> memref<50xi32, #tpu.memory_space<vmem>>
    %dma_wait3A_85 = arith.constant 0 : i32
    %dma_wait3A_86 = arith.constant 0 : i32
    %dma_wait3A_87 = tpu.memref_slice %arg16[%dma_wait3A_85, %dma_wait3A_86] : memref<10240x128xf32, #tpu.memory_space<vmem_shared>> -> memref<10240x128xf32, #tpu.memory_space<vmem_shared>>
    %dma_wait3A_88 = tpu.memref_slice %arg15[%dma_wait3A_81] : memref<5x!tpu.dma_semaphore, #tpu.memory_space<semaphore_mem>> -> memref<1x!tpu.dma_semaphore, #tpu.memory_space<semaphore_mem>>
    %dma_wait3A_89 = tpu.memref_squeeze %dma_wait3A_88 : memref<1x!tpu.dma_semaphore, #tpu.memory_space<semaphore_mem>> -> memref<!tpu.dma_semaphore, #tpu.memory_space<semaphore_mem>>
    tpu.wait_indirect_dma semaphore(%dma_wait3A_89 : memref<!tpu.dma_semaphore, #tpu.memory_space<semaphore_mem>>) src(%arg11 : memref<50x128xf32, #tpu.memory_space<vmem>>) dst(%dma_wait3A_87 : memref<10240x128xf32, #tpu.memory_space<vmem_shared>>)
    %dma_wait3A_90 = arith.constant 98 : i32
    %dma_wait3A_91 = arith.constant 3 : i32
    %dma_wait3A_92 = arith.constant 0 : i32
    %dma_wait3A_93 = tpu.memref_slice %arg8[%dma_wait3A_90, %dma_wait3A_92] : memref<100x50xi32, #tpu.memory_space<vmem>> -> memref<1x50xi32, #tpu.memory_space<vmem>>
    %dma_wait3A_94 = tpu.memref_squeeze %dma_wait3A_93 : memref<1x50xi32, #tpu.memory_space<vmem>> -> memref<50xi32, #tpu.memory_space<vmem>>
    %dma_wait3A_95 = arith.constant 0 : i32
    %dma_wait3A_96 = arith.constant 0 : i32
    %dma_wait3A_97 = tpu.memref_slice %arg16[%dma_wait3A_95, %dma_wait3A_96] : memref<10240x128xf32, #tpu.memory_space<vmem_shared>> -> memref<10240x128xf32, #tpu.memory_space<vmem_shared>>
    %dma_wait3A_98 = tpu.memref_slice %arg15[%dma_wait3A_91] : memref<5x!tpu.dma_semaphore, #tpu.memory_space<semaphore_mem>> -> memref<1x!tpu.dma_semaphore, #tpu.memory_space<semaphore_mem>>
    %dma_wait3A_99 = tpu.memref_squeeze %dma_wait3A_98 : memref<1x!tpu.dma_semaphore, #tpu.memory_space<semaphore_mem>> -> memref<!tpu.dma_semaphore, #tpu.memory_space<semaphore_mem>>
    tpu.wait_indirect_dma semaphore(%dma_wait3A_99 : memref<!tpu.dma_semaphore, #tpu.memory_space<semaphore_mem>>) src(%arg12 : memref<50x128xf32, #tpu.memory_space<vmem>>) dst(%dma_wait3A_97 : memref<10240x128xf32, #tpu.memory_space<vmem_shared>>)
    %dma_wait3A_100 = arith.constant 99 : i32
    %dma_wait3A_101 = arith.constant 4 : i32
    %dma_wait3A_102 = arith.constant 0 : i32
    %dma_wait3A_103 = tpu.memref_slice %arg8[%dma_wait3A_100, %dma_wait3A_102] : memref<100x50xi32, #tpu.memory_space<vmem>> -> memref<1x50xi32, #tpu.memory_space<vmem>>
    %dma_wait3A_104 = tpu.memref_squeeze %dma_wait3A_103 : memref<1x50xi32, #tpu.memory_space<vmem>> -> memref<50xi32, #tpu.memory_space<vmem>>
    %dma_wait3A_105 = arith.constant 0 : i32
    %dma_wait3A_106 = arith.constant 0 : i32
    %dma_wait3A_107 = tpu.memref_slice %arg16[%dma_wait3A_105, %dma_wait3A_106] : memref<10240x128xf32, #tpu.memory_space<vmem_shared>> -> memref<10240x128xf32, #tpu.memory_space<vmem_shared>>
    %dma_wait3A_108 = tpu.memref_slice %arg15[%dma_wait3A_101] : memref<5x!tpu.dma_semaphore, #tpu.memory_space<semaphore_mem>> -> memref<1x!tpu.dma_semaphore, #tpu.memory_space<semaphore_mem>>
    %dma_wait3A_109 = tpu.memref_squeeze %dma_wait3A_108 : memref<1x!tpu.dma_semaphore, #tpu.memory_space<semaphore_mem>> -> memref<!tpu.dma_semaphore, #tpu.memory_space<semaphore_mem>>
    tpu.wait_indirect_dma semaphore(%dma_wait3A_109 : memref<!tpu.dma_semaphore, #tpu.memory_space<semaphore_mem>>) src(%arg13 : memref<50x128xf32, #tpu.memory_space<vmem>>) dst(%dma_wait3A_107 : memref<10240x128xf32, #tpu.memory_space<vmem_shared>>)
    %barrier3A_110 = arith.constant 0 : index
    tpu.barrier barrier_id(%barrier3A_110)
    %mul3A_111 = arith.constant 640 : i32
    %mul3A_112 = arith.muli %arg1, %mul3A_111 : i32
    %mul3A_113 = arith.constant 640 : i32
    %mul3A_114 = arith.muli %arg1, %mul3A_113 : i32
    "tpu.region"() ({
      %run_scoped3A = tpu.sem_alloc : memref<!tpu.dma_semaphore, #tpu.memory_space<semaphore_mem>>
      %dma_start3A_115 = arith.constant 0 : i32
      %dma_start3A_116 = tpu.memref_slice %arg6[%arg0, %mul3A_114, %dma_start3A_115] : memref<2x10240x128xf32, #tpu.memory_space<hbm>> -> memref<1x640x128xf32, #tpu.memory_space<hbm>>
      %dma_start3A_117 = tpu.memref_squeeze %dma_start3A_116 : memref<1x640x128xf32, #tpu.memory_space<hbm>> -> memref<640x128xf32, #tpu.memory_space<hbm>>
      %dma_start3A_118 = arith.constant 0 : i32
      %dma_start3A_119 = tpu.memref_slice %arg16[%mul3A_112, %dma_start3A_118] : memref<10240x128xf32, #tpu.memory_space<vmem_shared>> -> memref<640x128xf32, #tpu.memory_space<vmem_shared>>
      tpu.enqueue_dma source(%dma_start3A_119 : memref<640x128xf32, #tpu.memory_space<vmem_shared>>) target(%dma_start3A_117 : memref<640x128xf32, #tpu.memory_space<hbm>>) target_semaphore(%run_scoped3A : memref<!tpu.dma_semaphore, #tpu.memory_space<semaphore_mem>>)
      %dma_wait3A_120 = arith.constant 0 : i32
      %dma_wait3A_121 = tpu.memref_slice %arg6[%arg0, %mul3A_114, %dma_wait3A_120] : memref<2x10240x128xf32, #tpu.memory_space<hbm>> -> memref<1x640x128xf32, #tpu.memory_space<hbm>>
      %dma_wait3A_122 = tpu.memref_squeeze %dma_wait3A_121 : memref<1x640x128xf32, #tpu.memory_space<hbm>> -> memref<640x128xf32, #tpu.memory_space<hbm>>
      %dma_wait3A_123 = arith.constant 0 : i32
      %dma_wait3A_124 = tpu.memref_slice %arg16[%mul3A_112, %dma_wait3A_123] : memref<10240x128xf32, #tpu.memory_space<vmem_shared>> -> memref<640x128xf32, #tpu.memory_space<vmem_shared>>
      tpu.wait_dma2 semaphore(%run_scoped3A : memref<!tpu.dma_semaphore, #tpu.memory_space<semaphore_mem>>) src(%dma_wait3A_124 : memref<640x128xf32, #tpu.memory_space<vmem_shared>>) dst(%dma_wait3A_122 : memref<640x128xf32, #tpu.memory_space<hbm>>)
      tpu.yield
    }) : () -> ()
    return
  }
}

module attributes {stable_mosaic.version = 14 : i64} {
  func.func @_prep_body(%arg0: i32, %arg1: memref<2x2000x16xf32, #tpu.memory_space<vmem>>, %arg2: memref<2000x16xf32, #tpu.memory_space<vmem>>, %arg3: memref<16x128xf32, #tpu.memory_space<vmem>>, %arg4: memref<2000x1xf32, #tpu.memory_space<vmem>>, %arg5: memref<2000x128xf32, #tpu.memory_space<vmem>>) attributes {dimension_semantics = [#tpu.dimension_semantics<arbitrary>], iteration_bounds = array<i64: 5>, scalar_prefetch = 0 : i64, scratch_operands = 0 : i64, tpu.core_type = #tpu.core_type<tc>, window_params = [{transform_indices = @transform_0, window_bounds = array<i64: 2, 2000, 16>}, {transform_indices = @transform_1, window_bounds = array<i64: 2000, 16>}, {pipeline_mode = #tpu.pipeline_mode<synchronous>, transform_indices = @transform_2, window_bounds = array<i64: 16, 128>}, {transform_indices = @transform_3, window_bounds = array<i64: 2000, 1>}, {transform_indices = @transform_4, window_bounds = array<i64: 2000, 128>}]} {
    %get3A = arith.constant 0 : index
    %get3A_0 = arith.constant 0 : index
    %get3A_1 = arith.constant 0 : index
    %get3A_2 = vector.load %arg1[%get3A, %get3A_0, %get3A_1] : memref<2x2000x16xf32, #tpu.memory_space<vmem>>, vector<1x2000x1xf32>
    %get3A_3 = vector.shape_cast %get3A_2 : vector<1x2000x1xf32> to vector<2000x1xf32>
    %get3A_4 = arith.constant 1 : index
    %get3A_5 = arith.constant 0 : index
    %get3A_6 = arith.constant 0 : index
    %get3A_7 = vector.load %arg1[%get3A_4, %get3A_5, %get3A_6] : memref<2x2000x16xf32, #tpu.memory_space<vmem>>, vector<1x2000x1xf32>
    %get3A_8 = vector.shape_cast %get3A_7 : vector<1x2000x1xf32> to vector<2000x1xf32>
    %add3A = arith.addf %get3A_3, %get3A_8 : vector<2000x1xf32>
    %add3A_9 = arith.constant 1.000000e+00 : f32
    %add3A_10 = vector.broadcast %add3A_9 : f32 to vector<2000x1xf32>
    %add3A_11 = arith.addf %add3A, %add3A_10 : vector<2000x1xf32>
    %rsqrt3A = math.rsqrt %add3A_11 : vector<2000x1xf32>
    %swap3A = arith.constant 0 : index
    %swap3A_12 = arith.constant 0 : index
    %swap3A_13 = vector.load %arg4[%swap3A, %swap3A_12] : memref<2000x1xf32, #tpu.memory_space<vmem>>, vector<2000x1xf32>
    tpu.vector_store %arg4[%swap3A, %swap3A_12], %rsqrt3A {strides = array<i32>} : memref<2000x1xf32, #tpu.memory_space<vmem>>, vector<2000x1xf32>,
    %get3A_14 = arith.constant 0 : index
    %get3A_15 = arith.constant 0 : index
    %get3A_16 = vector.load %arg2[%get3A_14, %get3A_15] : memref<2000x16xf32, #tpu.memory_space<vmem>>, vector<2000x16xf32>
    %get3A_17 = arith.constant 0 : index
    %get3A_18 = arith.constant 0 : index
    %get3A_19 = vector.load %arg3[%get3A_17, %get3A_18] : memref<16x128xf32, #tpu.memory_space<vmem>>, vector<16x128xf32>
    %convert_element_type3A = arith.truncf %get3A_16 : vector<2000x16xf32> to vector<2000x16xbf16>
    %convert_element_type3A_20 = arith.truncf %get3A_19 : vector<16x128xf32> to vector<16x128xbf16>
    %dot_general3A = arith.constant dense<0.000000e+00> : vector<2000x128xf32>
    %dot_general3A_21 = tpu.matmul %convert_element_type3A, %convert_element_type3A_20, %dot_general3A {dimension_numbers = #tpu.dot_dimension_numbers<[1], [0], [0], [1], [0, 0, 1, 1], [], []>, transpose_lhs_hint = false} : vector<2000x16xbf16>, vector<16x128xbf16>, vector<2000x128xf32> -> vector<2000x128xf32>
    %mul3A = vector.broadcast %rsqrt3A : vector<2000x1xf32> to vector<2000x128xf32>
    %mul3A_22 = arith.mulf %mul3A, %dot_general3A_21 : vector<2000x128xf32>
    %swap3A_23 = arith.constant 0 : index
    %swap3A_24 = arith.constant 0 : index
    %swap3A_25 = vector.load %arg5[%swap3A_23, %swap3A_24] : memref<2000x128xf32, #tpu.memory_space<vmem>>, vector<2000x128xf32>
    tpu.vector_store %arg5[%swap3A_23, %swap3A_24], %mul3A_22 {strides = array<i32>} : memref<2000x128xf32, #tpu.memory_space<vmem>>, vector<2000x128xf32>,
    return
  }
  func.func @transform_0(%arg0: i32) -> (i32, i32, i32) {
    %c0_i32 = arith.constant 0 : i32
    %c0_i32_0 = arith.constant 0 : i32
    %c0_i32_1 = arith.constant 0 : i32
    return %c0_i32, %arg0, %c0_i32_0 : i32, i32, i32
  }
  func.func @transform_1(%arg0: i32) -> (i32, i32) {
    %c0_i32 = arith.constant 0 : i32
    %c0_i32_0 = arith.constant 0 : i32
    return %arg0, %c0_i32 : i32, i32
  }
  func.func @transform_2(%arg0: i32) -> (i32, i32) {
    %c0_i32 = arith.constant 0 : i32
    %c0_i32_0 = arith.constant 0 : i32
    %c0_i32_1 = arith.constant 0 : i32
    return %c0_i32, %c0_i32_0 : i32, i32
  }
  func.func @transform_3(%arg0: i32) -> (i32, i32) {
    %c0_i32 = arith.constant 0 : i32
    %c0_i32_0 = arith.constant 0 : i32
    return %arg0, %c0_i32 : i32, i32
  }
  func.func @transform_4(%arg0: i32) -> (i32, i32) {
    %c0_i32 = arith.constant 0 : i32
    %c0_i32_0 = arith.constant 0 : i32
    return %arg0, %c0_i32 : i32, i32
  }
}

module attributes {stable_mosaic.version = 14 : i64} {
  func.func @_mid1_body(%arg0: i32, %arg1: memref<2x2000x128xf32, #tpu.memory_space<vmem>>, %arg2: memref<2000x128xf32, #tpu.memory_space<vmem>>, %arg3: memref<2000x1xf32, #tpu.memory_space<vmem>>, %arg4: memref<1x128xf32, #tpu.memory_space<vmem>>, %arg5: memref<128x128xf32, #tpu.memory_space<vmem>>, %arg6: memref<2000x128xf32, #tpu.memory_space<vmem>>) attributes {dimension_semantics = [#tpu.dimension_semantics<arbitrary>], iteration_bounds = array<i64: 5>, scalar_prefetch = 0 : i64, scratch_operands = 0 : i64, tpu.core_type = #tpu.core_type<tc>, window_params = [{transform_indices = @transform_0, window_bounds = array<i64: 2, 2000, 128>}, {transform_indices = @transform_1, window_bounds = array<i64: 2000, 128>}, {transform_indices = @transform_2, window_bounds = array<i64: 2000, 1>}, {pipeline_mode = #tpu.pipeline_mode<synchronous>, transform_indices = @transform_3, window_bounds = array<i64: 1, 128>}, {pipeline_mode = #tpu.pipeline_mode<synchronous>, transform_indices = @transform_4, window_bounds = array<i64: 128, 128>}, {transform_indices = @transform_5, window_bounds = array<i64: 2000, 128>}]} {
    %get3A = arith.constant 0 : index
    %get3A_0 = arith.constant 0 : index
    %get3A_1 = arith.constant 0 : index
    %get3A_2 = vector.load %arg1[%get3A, %get3A_0, %get3A_1] : memref<2x2000x128xf32, #tpu.memory_space<vmem>>, vector<1x2000x128xf32>
    %get3A_3 = vector.shape_cast %get3A_2 : vector<1x2000x128xf32> to vector<2000x128xf32>
    %get3A_4 = arith.constant 1 : index
    %get3A_5 = arith.constant 0 : index
    %get3A_6 = arith.constant 0 : index
    %get3A_7 = vector.load %arg1[%get3A_4, %get3A_5, %get3A_6] : memref<2x2000x128xf32, #tpu.memory_space<vmem>>, vector<1x2000x128xf32>
    %get3A_8 = vector.shape_cast %get3A_7 : vector<1x2000x128xf32> to vector<2000x128xf32>
    %add3A = arith.addf %get3A_3, %get3A_8 : vector<2000x128xf32>
    %get3A_9 = arith.constant 0 : index
    %get3A_10 = arith.constant 0 : index
    %get3A_11 = vector.load %arg2[%get3A_9, %get3A_10] : memref<2000x128xf32, #tpu.memory_space<vmem>>, vector<2000x128xf32>
    %add3A_12 = arith.addf %add3A, %get3A_11 : vector<2000x128xf32>
    %get3A_13 = arith.constant 0 : index
    %get3A_14 = arith.constant 0 : index
    %get3A_15 = vector.load %arg3[%get3A_13, %get3A_14] : memref<2000x1xf32, #tpu.memory_space<vmem>>, vector<2000x1xf32>
    %mul3A = vector.broadcast %get3A_15 : vector<2000x1xf32> to vector<2000x128xf32>
    %mul3A_16 = arith.mulf %mul3A, %add3A_12 : vector<2000x128xf32>
    %get3A_17 = arith.constant 0 : index
    %get3A_18 = arith.constant 0 : index
    %get3A_19 = vector.load %arg4[%get3A_17, %get3A_18] : memref<1x128xf32, #tpu.memory_space<vmem>>, vector<1x128xf32>
    %add3A_20 = vector.broadcast %get3A_19 : vector<1x128xf32> to vector<2000x128xf32>
    %add3A_21 = arith.addf %mul3A_16, %add3A_20 : vector<2000x128xf32>
    %max3A = arith.constant 0.000000e+00 : f32
    %max3A_22 = vector.broadcast %max3A : f32 to vector<2000x128xf32>
    %max3A_23 = arith.maximumf %add3A_21, %max3A_22 : vector<2000x128xf32>
    %get3A_24 = arith.constant 0 : index
    %get3A_25 = arith.constant 0 : index
    %get3A_26 = vector.load %arg5[%get3A_24, %get3A_25] : memref<128x128xf32, #tpu.memory_space<vmem>>, vector<128x128xf32>
    %convert_element_type3A = arith.truncf %max3A_23 : vector<2000x128xf32> to vector<2000x128xbf16>
    %convert_element_type3A_27 = arith.truncf %get3A_26 : vector<128x128xf32> to vector<128x128xbf16>
    %dot_general3A = arith.constant dense<0.000000e+00> : vector<2000x128xf32>
    %dot_general3A_28 = tpu.matmul %convert_element_type3A, %convert_element_type3A_27, %dot_general3A {dimension_numbers = #tpu.dot_dimension_numbers<[1], [0], [0], [1], [0, 0, 1, 1], [], []>, transpose_lhs_hint = false} : vector<2000x128xbf16>, vector<128x128xbf16>, vector<2000x128xf32> -> vector<2000x128xf32>
    %mul3A_29 = vector.broadcast %get3A_15 : vector<2000x1xf32> to vector<2000x128xf32>
    %mul3A_30 = arith.mulf %mul3A_29, %dot_general3A_28 : vector<2000x128xf32>
    %swap3A = arith.constant 0 : index
    %swap3A_31 = arith.constant 0 : index
    %swap3A_32 = vector.load %arg6[%swap3A, %swap3A_31] : memref<2000x128xf32, #tpu.memory_space<vmem>>, vector<2000x128xf32>
    tpu.vector_store %arg6[%swap3A, %swap3A_31], %mul3A_30 {strides = array<i32>} : memref<2000x128xf32, #tpu.memory_space<vmem>>, vector<2000x128xf32>,
    return
  }
  func.func @transform_0(%arg0: i32) -> (i32, i32, i32) {
    %c0_i32 = arith.constant 0 : i32
    %c0_i32_0 = arith.constant 0 : i32
    %c0_i32_1 = arith.constant 0 : i32
    return %c0_i32, %arg0, %c0_i32_0 : i32, i32, i32
  }
  func.func @transform_1(%arg0: i32) -> (i32, i32) {
    %c0_i32 = arith.constant 0 : i32
    %c0_i32_0 = arith.constant 0 : i32
    return %arg0, %c0_i32 : i32, i32
  }
  func.func @transform_2(%arg0: i32) -> (i32, i32) {
    %c0_i32 = arith.constant 0 : i32
    %c0_i32_0 = arith.constant 0 : i32
    return %arg0, %c0_i32 : i32, i32
  }
  func.func @transform_3(%arg0: i32) -> (i32, i32) {
    %c0_i32 = arith.constant 0 : i32
    %c0_i32_0 = arith.constant 0 : i32
    %c0_i32_1 = arith.constant 0 : i32
    return %c0_i32, %c0_i32_0 : i32, i32
  }
  func.func @transform_4(%arg0: i32) -> (i32, i32) {
    %c0_i32 = arith.constant 0 : i32
    %c0_i32_0 = arith.constant 0 : i32
    %c0_i32_1 = arith.constant 0 : i32
    return %c0_i32, %c0_i32_0 : i32, i32
  }
  func.func @transform_5(%arg0: i32) -> (i32, i32) {
    %c0_i32 = arith.constant 0 : i32
    %c0_i32_0 = arith.constant 0 : i32
    return %arg0, %c0_i32 : i32, i32
  }
}

module attributes {stable_mosaic.version = 14 : i64} {
  func.func @_mid2_body(%arg0: i32, %arg1: memref<2x2000x128xf32, #tpu.memory_space<vmem>>, %arg2: memref<2000x128xf32, #tpu.memory_space<vmem>>, %arg3: memref<2000x1xf32, #tpu.memory_space<vmem>>, %arg4: memref<1x128xf32, #tpu.memory_space<vmem>>, %arg5: memref<128x64xf32, #tpu.memory_space<vmem>>, %arg6: memref<2000x64xf32, #tpu.memory_space<vmem>>) attributes {dimension_semantics = [#tpu.dimension_semantics<arbitrary>], iteration_bounds = array<i64: 5>, scalar_prefetch = 0 : i64, scratch_operands = 0 : i64, tpu.core_type = #tpu.core_type<tc>, window_params = [{transform_indices = @transform_0, window_bounds = array<i64: 2, 2000, 128>}, {transform_indices = @transform_1, window_bounds = array<i64: 2000, 128>}, {transform_indices = @transform_2, window_bounds = array<i64: 2000, 1>}, {pipeline_mode = #tpu.pipeline_mode<synchronous>, transform_indices = @transform_3, window_bounds = array<i64: 1, 128>}, {pipeline_mode = #tpu.pipeline_mode<synchronous>, transform_indices = @transform_4, window_bounds = array<i64: 128, 64>}, {transform_indices = @transform_5, window_bounds = array<i64: 2000, 64>}]} {
    %get3A = arith.constant 0 : index
    %get3A_0 = arith.constant 0 : index
    %get3A_1 = arith.constant 0 : index
    %get3A_2 = vector.load %arg1[%get3A, %get3A_0, %get3A_1] : memref<2x2000x128xf32, #tpu.memory_space<vmem>>, vector<1x2000x128xf32>
    %get3A_3 = vector.shape_cast %get3A_2 : vector<1x2000x128xf32> to vector<2000x128xf32>
    %get3A_4 = arith.constant 1 : index
    %get3A_5 = arith.constant 0 : index
    %get3A_6 = arith.constant 0 : index
    %get3A_7 = vector.load %arg1[%get3A_4, %get3A_5, %get3A_6] : memref<2x2000x128xf32, #tpu.memory_space<vmem>>, vector<1x2000x128xf32>
    %get3A_8 = vector.shape_cast %get3A_7 : vector<1x2000x128xf32> to vector<2000x128xf32>
    %add3A = arith.addf %get3A_3, %get3A_8 : vector<2000x128xf32>
    %get3A_9 = arith.constant 0 : index
    %get3A_10 = arith.constant 0 : index
    %get3A_11 = vector.load %arg2[%get3A_9, %get3A_10] : memref<2000x128xf32, #tpu.memory_space<vmem>>, vector<2000x128xf32>
    %add3A_12 = arith.addf %add3A, %get3A_11 : vector<2000x128xf32>
    %get3A_13 = arith.constant 0 : index
    %get3A_14 = arith.constant 0 : index
    %get3A_15 = vector.load %arg3[%get3A_13, %get3A_14] : memref<2000x1xf32, #tpu.memory_space<vmem>>, vector<2000x1xf32>
    %mul3A = vector.broadcast %get3A_15 : vector<2000x1xf32> to vector<2000x128xf32>
    %mul3A_16 = arith.mulf %mul3A, %add3A_12 : vector<2000x128xf32>
    %get3A_17 = arith.constant 0 : index
    %get3A_18 = arith.constant 0 : index
    %get3A_19 = vector.load %arg4[%get3A_17, %get3A_18] : memref<1x128xf32, #tpu.memory_space<vmem>>, vector<1x128xf32>
    %add3A_20 = vector.broadcast %get3A_19 : vector<1x128xf32> to vector<2000x128xf32>
    %add3A_21 = arith.addf %mul3A_16, %add3A_20 : vector<2000x128xf32>
    %max3A = arith.constant 0.000000e+00 : f32
    %max3A_22 = vector.broadcast %max3A : f32 to vector<2000x128xf32>
    %max3A_23 = arith.maximumf %add3A_21, %max3A_22 : vector<2000x128xf32>
    %get3A_24 = arith.constant 0 : index
    %get3A_25 = arith.constant 0 : index
    %get3A_26 = vector.load %arg5[%get3A_24, %get3A_25] : memref<128x64xf32, #tpu.memory_space<vmem>>, vector<128x64xf32>
    %convert_element_type3A = arith.truncf %max3A_23 : vector<2000x128xf32> to vector<2000x128xbf16>
    %convert_element_type3A_27 = arith.truncf %get3A_26 : vector<128x64xf32> to vector<128x64xbf16>
    %dot_general3A = arith.constant dense<0.000000e+00> : vector<2000x64xf32>
    %dot_general3A_28 = tpu.matmul %convert_element_type3A, %convert_element_type3A_27, %dot_general3A {dimension_numbers = #tpu.dot_dimension_numbers<[1], [0], [0], [1], [0, 0, 1, 1], [], []>, transpose_lhs_hint = false} : vector<2000x128xbf16>, vector<128x64xbf16>, vector<2000x64xf32> -> vector<2000x64xf32>
    %mul3A_29 = vector.broadcast %get3A_15 : vector<2000x1xf32> to vector<2000x64xf32>
    %mul3A_30 = arith.mulf %mul3A_29, %dot_general3A_28 : vector<2000x64xf32>
    %swap3A = arith.constant 0 : index
    %swap3A_31 = arith.constant 0 : index
    %swap3A_32 = vector.load %arg6[%swap3A, %swap3A_31] : memref<2000x64xf32, #tpu.memory_space<vmem>>, vector<2000x64xf32>
    tpu.vector_store %arg6[%swap3A, %swap3A_31], %mul3A_30 {strides = array<i32>} : memref<2000x64xf32, #tpu.memory_space<vmem>>, vector<2000x64xf32>,
    return
  }
  func.func @transform_0(%arg0: i32) -> (i32, i32, i32) {
    %c0_i32 = arith.constant 0 : i32
    %c0_i32_0 = arith.constant 0 : i32
    %c0_i32_1 = arith.constant 0 : i32
    return %c0_i32, %arg0, %c0_i32_0 : i32, i32, i32
  }
  func.func @transform_1(%arg0: i32) -> (i32, i32) {
    %c0_i32 = arith.constant 0 : i32
    %c0_i32_0 = arith.constant 0 : i32
    return %arg0, %c0_i32 : i32, i32
  }
  func.func @transform_2(%arg0: i32) -> (i32, i32) {
    %c0_i32 = arith.constant 0 : i32
    %c0_i32_0 = arith.constant 0 : i32
    return %arg0, %c0_i32 : i32, i32
  }
  func.func @transform_3(%arg0: i32) -> (i32, i32) {
    %c0_i32 = arith.constant 0 : i32
    %c0_i32_0 = arith.constant 0 : i32
    %c0_i32_1 = arith.constant 0 : i32
    return %c0_i32, %c0_i32_0 : i32, i32
  }
  func.func @transform_4(%arg0: i32) -> (i32, i32) {
    %c0_i32 = arith.constant 0 : i32
    %c0_i32_0 = arith.constant 0 : i32
    %c0_i32_1 = arith.constant 0 : i32
    return %c0_i32, %c0_i32_0 : i32, i32
  }
  func.func @transform_5(%arg0: i32) -> (i32, i32) {
    %c0_i32 = arith.constant 0 : i32
    %c0_i32_0 = arith.constant 0 : i32
    return %arg0, %c0_i32 : i32, i32
  }
}

module attributes {stable_mosaic.version = 14 : i64} {
  func.func @_pool_body(%arg0: i32, %arg1: memref<2x2000x64xf32, #tpu.memory_space<vmem>>, %arg2: memref<2000x64xf32, #tpu.memory_space<vmem>>, %arg3: memref<2000x1xf32, #tpu.memory_space<vmem>>, %arg4: memref<1x64xf32, #tpu.memory_space<vmem>>, %arg5: memref<64x1xf32, #tpu.memory_space<vmem>>, %arg6: memref<1x1xf32, #tpu.memory_space<vmem>>, %arg7: memref<2000x1xi32, #tpu.memory_space<vmem>>, %arg8: memref<2000x1xf32, #tpu.memory_space<vmem>>, %arg9: memref<64x64xf32, #tpu.memory_space<vmem>>, %arg10: memref<64x1xf32, #tpu.memory_space<vmem>>, %arg11: memref<64x1xf32, #tpu.memory_space<vmem>>) attributes {dimension_semantics = [#tpu.dimension_semantics<arbitrary>], iteration_bounds = array<i64: 5>, scalar_prefetch = 0 : i64, scratch_operands = 0 : i64, tpu.core_type = #tpu.core_type<tc>, window_params = [{transform_indices = @transform_0, window_bounds = array<i64: 2, 2000, 64>}, {transform_indices = @transform_1, window_bounds = array<i64: 2000, 64>}, {transform_indices = @transform_2, window_bounds = array<i64: 2000, 1>}, {pipeline_mode = #tpu.pipeline_mode<synchronous>, transform_indices = @transform_3, window_bounds = array<i64: 1, 64>}, {pipeline_mode = #tpu.pipeline_mode<synchronous>, transform_indices = @transform_4, window_bounds = array<i64: 64, 1>}, {pipeline_mode = #tpu.pipeline_mode<synchronous>, transform_indices = @transform_5, window_bounds = array<i64: 1, 1>}, {transform_indices = @transform_6, window_bounds = array<i64: 2000, 1>}, {transform_indices = @transform_7, window_bounds = array<i64: 2000, 1>}, {pipeline_mode = #tpu.pipeline_mode<synchronous>, transform_indices = @transform_8, window_bounds = array<i64: 64, 64>}, {pipeline_mode = #tpu.pipeline_mode<synchronous>, transform_indices = @transform_9, window_bounds = array<i64: 64, 1>}, {pipeline_mode = #tpu.pipeline_mode<synchronous>, transform_indices = @transform_10, window_bounds = array<i64: 64, 1>}]} {
    %get3A = arith.constant 0 : index
    %get3A_0 = arith.constant 0 : index
    %get3A_1 = arith.constant 0 : index
    %get3A_2 = vector.load %arg1[%get3A, %get3A_0, %get3A_1] : memref<2x2000x64xf32, #tpu.memory_space<vmem>>, vector<1x2000x64xf32>
    %get3A_3 = vector.shape_cast %get3A_2 : vector<1x2000x64xf32> to vector<2000x64xf32>
    %get3A_4 = arith.constant 1 : index
    %get3A_5 = arith.constant 0 : index
    %get3A_6 = arith.constant 0 : index
    %get3A_7 = vector.load %arg1[%get3A_4, %get3A_5, %get3A_6] : memref<2x2000x64xf32, #tpu.memory_space<vmem>>, vector<1x2000x64xf32>
    %get3A_8 = vector.shape_cast %get3A_7 : vector<1x2000x64xf32> to vector<2000x64xf32>
    %add3A = arith.addf %get3A_3, %get3A_8 : vector<2000x64xf32>
    %get3A_9 = arith.constant 0 : index
    %get3A_10 = arith.constant 0 : index
    %get3A_11 = vector.load %arg2[%get3A_9, %get3A_10] : memref<2000x64xf32, #tpu.memory_space<vmem>>, vector<2000x64xf32>
    %add3A_12 = arith.addf %add3A, %get3A_11 : vector<2000x64xf32>
    %get3A_13 = arith.constant 0 : index
    %get3A_14 = arith.constant 0 : index
    %get3A_15 = vector.load %arg3[%get3A_13, %get3A_14] : memref<2000x1xf32, #tpu.memory_space<vmem>>, vector<2000x1xf32>
    %mul3A = vector.broadcast %get3A_15 : vector<2000x1xf32> to vector<2000x64xf32>
    %mul3A_16 = arith.mulf %mul3A, %add3A_12 : vector<2000x64xf32>
    %get3A_17 = arith.constant 0 : index
    %get3A_18 = arith.constant 0 : index
    %get3A_19 = vector.load %arg4[%get3A_17, %get3A_18] : memref<1x64xf32, #tpu.memory_space<vmem>>, vector<1x64xf32>
    %add3A_20 = vector.broadcast %get3A_19 : vector<1x64xf32> to vector<2000x64xf32>
    %add3A_21 = arith.addf %mul3A_16, %add3A_20 : vector<2000x64xf32>
    %max3A = arith.constant 0.000000e+00 : f32
    %max3A_22 = vector.broadcast %max3A : f32 to vector<2000x64xf32>
    %max3A_23 = arith.maximumf %add3A_21, %max3A_22 : vector<2000x64xf32>
    %iota3A = tpu.iota {dimensions = array<i32: 1>} : vector<2000x64xi32>
    %get3A_24 = arith.constant 0 : index
    %get3A_25 = arith.constant 0 : index
    %get3A_26 = vector.load %arg7[%get3A_24, %get3A_25] : memref<2000x1xi32, #tpu.memory_space<vmem>>, vector<2000x1xi32>
    %eq3A = vector.broadcast %get3A_26 : vector<2000x1xi32> to vector<2000x64xi32>
    %eq3A_27 = arith.cmpi eq, %eq3A, %iota3A : vector<2000x64xi32>
    %convert_element_type3A = arith.extui %eq3A_27 : vector<2000x64xi1> to vector<2000x64xi32>
    %convert_element_type3A_28 = arith.sitofp %convert_element_type3A : vector<2000x64xi32> to vector<2000x64xf32>
    %dot_general3A = arith.constant dense<0.000000e+00> : vector<64x64xf32>
    %dot_general3A_29 = tpu.matmul %convert_element_type3A_28, %max3A_23, %dot_general3A {dimension_numbers = #tpu.dot_dimension_numbers<[0], [0], [1], [1], [0, 1, 1, 1], [], []>, precision = #tpu.contract_precision<fp32>, transpose_lhs_hint = false} : vector<2000x64xf32>, vector<2000x64xf32>, vector<64x64xf32> -> vector<64x64xf32>
    %get3A_30 = arith.constant 0 : index
    %get3A_31 = arith.constant 0 : index
    %get3A_32 = vector.load %arg8[%get3A_30, %get3A_31] : memref<2000x1xf32, #tpu.memory_space<vmem>>, vector<2000x1xf32>
    %dot_general3A_33 = arith.constant dense<0.000000e+00> : vector<64x1xf32>
    %dot_general3A_34 = tpu.matmul %convert_element_type3A_28, %get3A_32, %dot_general3A_33 {dimension_numbers = #tpu.dot_dimension_numbers<[0], [0], [1], [1], [0, 1, 1, 1], [], []>, precision = #tpu.contract_precision<fp32>, transpose_lhs_hint = false} : vector<2000x64xf32>, vector<2000x1xf32>, vector<64x1xf32> -> vector<64x1xf32>
    %eq3A_35 = arith.constant 0 : i32
    %eq3A_36 = arith.cmpi eq, %arg0, %eq3A_35 : i32
    %convert_element_type3A_37 = arith.extui %eq3A_36 : i1 to i32
    %cond3A = arith.constant 0 : i32
    %cond3A_38 = arith.cmpi ne, %convert_element_type3A_37, %cond3A : i32
    scf.if %cond3A_38 {
      %swap3A = arith.constant 0 : index
      %swap3A_48 = arith.constant 0 : index
      %swap3A_49 = vector.load %arg9[%swap3A, %swap3A_48] : memref<64x64xf32, #tpu.memory_space<vmem>>, vector<64x64xf32>
      tpu.vector_store %arg9[%swap3A, %swap3A_48], %dot_general3A_29 {strides = array<i32>} : memref<64x64xf32, #tpu.memory_space<vmem>>, vector<64x64xf32>,
      %swap3A_50 = arith.constant 0 : index
      %swap3A_51 = arith.constant 0 : index
      %swap3A_52 = vector.load %arg10[%swap3A_50, %swap3A_51] : memref<64x1xf32, #tpu.memory_space<vmem>>, vector<64x1xf32>
      tpu.vector_store %arg10[%swap3A_50, %swap3A_51], %dot_general3A_34 {strides = array<i32>} : memref<64x1xf32, #tpu.memory_space<vmem>>, vector<64x1xf32>,
    } else {
    }
    %gt3A = arith.constant 0 : i32
    %gt3A_39 = arith.cmpi sgt, %arg0, %gt3A : i32
    %convert_element_type3A_40 = arith.extui %gt3A_39 : i1 to i32
    %cond3A_41 = arith.constant 0 : i32
    %cond3A_42 = arith.cmpi ne, %convert_element_type3A_40, %cond3A_41 : i32
    scf.if %cond3A_42 {
      %get3A_48 = arith.constant 0 : index
      %get3A_49 = arith.constant 0 : index
      %get3A_50 = vector.load %arg9[%get3A_48, %get3A_49] : memref<64x64xf32, #tpu.memory_space<vmem>>, vector<64x64xf32>
      %add3A_51 = arith.addf %get3A_50, %dot_general3A_29 : vector<64x64xf32>
      %swap3A = arith.constant 0 : index
      %swap3A_52 = arith.constant 0 : index
      %swap3A_53 = vector.load %arg9[%swap3A, %swap3A_52] : memref<64x64xf32, #tpu.memory_space<vmem>>, vector<64x64xf32>
      tpu.vector_store %arg9[%swap3A, %swap3A_52], %add3A_51 {strides = array<i32>} : memref<64x64xf32, #tpu.memory_space<vmem>>, vector<64x64xf32>,
      %get3A_54 = arith.constant 0 : index
      %get3A_55 = arith.constant 0 : index
      %get3A_56 = vector.load %arg10[%get3A_54, %get3A_55] : memref<64x1xf32, #tpu.memory_space<vmem>>, vector<64x1xf32>
      %add3A_57 = arith.addf %get3A_56, %dot_general3A_34 : vector<64x1xf32>
      %swap3A_58 = arith.constant 0 : index
      %swap3A_59 = arith.constant 0 : index
      %swap3A_60 = vector.load %arg10[%swap3A_58, %swap3A_59] : memref<64x1xf32, #tpu.memory_space<vmem>>, vector<64x1xf32>
      tpu.vector_store %arg10[%swap3A_58, %swap3A_59], %add3A_57 {strides = array<i32>} : memref<64x1xf32, #tpu.memory_space<vmem>>, vector<64x1xf32>,
    } else {
    }
    %eq3A_43 = arith.constant 4 : i32
    %eq3A_44 = arith.cmpi eq, %arg0, %eq3A_43 : i32
    %convert_element_type3A_45 = arith.extui %eq3A_44 : i1 to i32
    %cond3A_46 = arith.constant 0 : i32
    %cond3A_47 = arith.cmpi ne, %convert_element_type3A_45, %cond3A_46 : i32
    scf.if %cond3A_47 {
      %get3A_48 = arith.constant 0 : index
      %get3A_49 = arith.constant 0 : index
      %get3A_50 = vector.load %arg9[%get3A_48, %get3A_49] : memref<64x64xf32, #tpu.memory_space<vmem>>, vector<64x64xf32>
      %get3A_51 = arith.constant 0 : index
      %get3A_52 = arith.constant 0 : index
      %get3A_53 = vector.load %arg10[%get3A_51, %get3A_52] : memref<64x1xf32, #tpu.memory_space<vmem>>, vector<64x1xf32>
      %max3A_54 = arith.constant 1.000000e+00 : f32
      %max3A_55 = vector.broadcast %max3A_54 : f32 to vector<64x1xf32>
      %max3A_56 = arith.maximumf %get3A_53, %max3A_55 : vector<64x1xf32>
      %div3A = vector.broadcast %max3A_56 : vector<64x1xf32> to vector<64x64xf32>
      %div3A_57 = arith.divf %get3A_50, %div3A : vector<64x64xf32>
      %get3A_58 = arith.constant 0 : index
      %get3A_59 = arith.constant 0 : index
      %get3A_60 = vector.load %arg5[%get3A_58, %get3A_59] : memref<64x1xf32, #tpu.memory_space<vmem>>, vector<64x1xf32>
      %convert_element_type3A_61 = arith.truncf %div3A_57 : vector<64x64xf32> to vector<64x64xbf16>
      %convert_element_type3A_62 = arith.truncf %get3A_60 : vector<64x1xf32> to vector<64x1xbf16>
      %dot_general3A_63 = arith.constant dense<0.000000e+00> : vector<64x1xf32>
      %dot_general3A_64 = tpu.matmul %convert_element_type3A_61, %convert_element_type3A_62, %dot_general3A_63 {dimension_numbers = #tpu.dot_dimension_numbers<[1], [0], [0], [1], [0, 0, 1, 1], [], []>, transpose_lhs_hint = false} : vector<64x64xbf16>, vector<64x1xbf16>, vector<64x1xf32> -> vector<64x1xf32>
      %get3A_65 = arith.constant 0 : index
      %get3A_66 = arith.constant 0 : index
      %get3A_67 = vector.load %arg6[%get3A_65, %get3A_66] : memref<1x1xf32, #tpu.memory_space<vmem>>, vector<1x1xf32>
      %add3A_68 = vector.broadcast %get3A_67 : vector<1x1xf32> to vector<64x1xf32>
      %add3A_69 = arith.addf %dot_general3A_64, %add3A_68 : vector<64x1xf32>
      %swap3A = arith.constant 0 : index
      %swap3A_70 = arith.constant 0 : index
      %swap3A_71 = vector.load %arg11[%swap3A, %swap3A_70] : memref<64x1xf32, #tpu.memory_space<vmem>>, vector<64x1xf32>
      tpu.vector_store %arg11[%swap3A, %swap3A_70], %add3A_69 {strides = array<i32>} : memref<64x1xf32, #tpu.memory_space<vmem>>, vector<64x1xf32>,
    } else {
    }
    return
  }
  func.func @transform_0(%arg0: i32) -> (i32, i32, i32) {
    %c0_i32 = arith.constant 0 : i32
    %c0_i32_0 = arith.constant 0 : i32
    %c0_i32_1 = arith.constant 0 : i32
    return %c0_i32, %arg0, %c0_i32_0 : i32, i32, i32
  }
  func.func @transform_1(%arg0: i32) -> (i32, i32) {
    %c0_i32 = arith.constant 0 : i32
    %c0_i32_0 = arith.constant 0 : i32
    return %arg0, %c0_i32 : i32, i32
  }
  func.func @transform_2(%arg0: i32) -> (i32, i32) {
    %c0_i32 = arith.constant 0 : i32
    %c0_i32_0 = arith.constant 0 : i32
    return %arg0, %c0_i32 : i32, i32
  }
  func.func @transform_3(%arg0: i32) -> (i32, i32) {
    %c0_i32 = arith.constant 0 : i32
    %c0_i32_0 = arith.constant 0 : i32
    %c0_i32_1 = arith.constant 0 : i32
    return %c0_i32, %c0_i32_0 : i32, i32
  }
  func.func @transform_4(%arg0: i32) -> (i32, i32) {
    %c0_i32 = arith.constant 0 : i32
    %c0_i32_0 = arith.constant 0 : i32
    %c0_i32_1 = arith.constant 0 : i32
    return %c0_i32, %c0_i32_0 : i32, i32
  }
  func.func @transform_5(%arg0: i32) -> (i32, i32) {
    %c0_i32 = arith.constant 0 : i32
    %c0_i32_0 = arith.constant 0 : i32
    %c0_i32_1 = arith.constant 0 : i32
    return %c0_i32, %c0_i32_0 : i32, i32
  }
  func.func @transform_6(%arg0: i32) -> (i32, i32) {
    %c0_i32 = arith.constant 0 : i32
    %c0_i32_0 = arith.constant 0 : i32
    return %arg0, %c0_i32 : i32, i32
  }
  func.func @transform_7(%arg0: i32) -> (i32, i32) {
    %c0_i32 = arith.constant 0 : i32
    %c0_i32_0 = arith.constant 0 : i32
    return %arg0, %c0_i32 : i32, i32
  }
  func.func @transform_8(%arg0: i32) -> (i32, i32) {
    %c0_i32 = arith.constant 0 : i32
    %c0_i32_0 = arith.constant 0 : i32
    %c0_i32_1 = arith.constant 0 : i32
    return %c0_i32, %c0_i32_0 : i32, i32
  }
  func.func @transform_9(%arg0: i32) -> (i32, i32) {
    %c0_i32 = arith.constant 0 : i32
    %c0_i32_0 = arith.constant 0 : i32
    %c0_i32_1 = arith.constant 0 : i32
    return %c0_i32, %c0_i32_0 : i32, i32
  }
  func.func @transform_10(%arg0: i32) -> (i32, i32) {
    %c0_i32 = arith.constant 0 : i32
    %c0_i32_0 = arith.constant 0 : i32
    %c0_i32_1 = arith.constant 0 : i32
    return %c0_i32, %c0_i32_0 : i32, i32
  }
}

</mosaic_0001>

<sc_bundles>
// kernel: kernel.10.cloned.1.call-start
scs
__scs_entry_jumppad:
0x0: {  	(pc) =	sbr.rel $0x88, $3  }
0x1: {  	(tag) =	ssettag $0x0;
	lr =	simm.s32 $0x1  }
0x2: {  	[smem:$0x3F96] =	sst lr;
	_ =	strace $0xD0000000  }
0x3: {  	_ = 	snop  }
0x4: {  	_ = 	snop  }
0x5: {  	_ = 	snop  }
0x6: {  	_ = 	snop  }
0x7: {  	_ = 	snop  }
__scs_overlays_trampoline_lowered:
0x8: {  	[smem:$0x3FA5] =	sst s0  }
0x9: {  	[smem:$0x3FA6] =	sst s1  }
0xa: {  	[smem:$0x3FA7] =	sst s2  }
0xb: {  	[smem:$0x3FA8] =	sst s3  }
0xc: {  	[smem:$0x3FA9] =	sst s4  }
0xd: {  	[smem:$0x3FAA] =	sst s5  }
0xe: {  	[smem:$0x3FAB] =	sst s6  }
0xf: {  	[smem:$0x3FAC] =	sst s7  }
0x10: {  	[smem:$0x3FAD] =	sst s8  }
0x11: {  	[smem:$0x3FAE] =	sst s9;
	s0 =	simm.s32 @!p0 $0x0  }
0x12: {  	s1 =	sld [smem:$0x3F94];
	s0 =	simm.s32 @p0 $0x1  }
0x13: {  	[smem:$0x3FAF] =	sst s0;
	s0 =	simm.s32 @!p1 $0x0  }
0x14: {  	s2 =	sld [smem:$0x3F93];
	s0 =	simm.s32 @p1 $0x1  }
0x15: {  	[smem:$0x3FB0] =	sst s0;
	s0 =	simm.s32 @!p2 $0x0  }
0x16: {  	s3 =	sld [smem:$0x3FDB];
	s0 =	simm.s32 @p2 $0x1  }
0x17: {  	s4 =	simm.s32 $0x1BF5;
	[smem:$0x3FB2] =	sst s0  }
0x18: {  	s0 =	sld [smem:$0x3F95];
	_ =	swait.ge [sflag:s4], $0x0  }
0x19: {  	s7 =	sld [smem:$0x3F96]  }
0x1a: {  	s8 =	sadd.s32 $0xFFFFE003, lr  }
0x1b: {  	s9 =	sadd.s32 $0xFFFFFEF7, lr;
	s5 =	simm.s32 $0xFFFFFFFF;
	p2 =	slt.u32 s8, $0xFFFFF086  }
0x1c: {  	p1 =	slt.u32 s9, $0xF7A;
	s5 =	simm.s32 @!p2 $0x0  }
0x1d: {  	s5 =	simm.s32 @p1 $0x1;
	p0 =	seq.s32 s7, s2  }
0x1e: {  	s7 =	smul.u32 @!p0 $0xF7A, s2;
	p2 =	seq.s32 @!p0 s5, $0x0  }
0x1f: {  	s9 =	smul.u32 $0xF7A, s1;
	s8 =	simm.s32 @!p0 $0x1BF5;
	p2 =	por !p2, p0  }
0x20: {  	[sflag:s8] =	ssyncset.s32 @!p0 $0xFFFFF086;
	s6 =	sadd.s32 @!p0 s3, s7;
	s7 =	simm.s32 @!p0 $0x108  }
0x21: {  	s3 =	sadd.s32 s3, s9;
	s6 =	sadd.s32 @!p0 $0x88, s6;
	s7 =	simm.s32 @p2 $0x1082  }
0x22: {  	[simem:s7], [sflag:s8] =	dma.local @!p0 [hbm:s6], $0xF7A  }
0x23: {  	s9 =	sor.u32 $0xD0000000, s2;
	s6 =	simm.s32 $0x108;
	_ =	swait.ge @!p0 [sflag:s8], $0x0  }
0x24: {  	s3 =	sadd.s32 $0x88, s3;
	s6 =	simm.s32 @!p1 $0x1082;
	[sflag:s4] =	ssyncset.s32 $0xFFFFF086  }
0x25: {  	[simem:s6], [sflag:s4] =	dma.local [hbm:s3], $0xF7A  }
0x26: {  	[smem:$0x3F96] =	sst s1;
	(tag) =	ssettag s2;
	_ =	strace s9  }
0x27: {  	s1 =	sld [smem:$0x3FA6]  }
0x28: {  	s2 =	sld [smem:$0x3FA7]  }
0x29: {  	s4 =	sld [smem:$0x3FA9]  }
0x2a: {  	p0 =	seq.s32 s5, $0x0;
	s5 =	sld [smem:$0x3FAA]  }
0x2b: {  	s6 =	sld [smem:$0x3FAB]  }
0x2c: {  	s7 =	sld [smem:$0x3FAC]  }
0x2d: {  	s3 =	simm.s32 $0x108;
	s8 =	sld [smem:$0x3FAD]  }
0x2e: {  	s3 =	simm.s32 @!p0 $0x1082;
	s9 =	sld [smem:$0x3FAE]  }
0x2f: {  	lr =	sadd.s32 s0, s3;
	s0 =	sld [smem:$0x3FA5]  }
0x30: {  	s3 =	sld [smem:$0x3FA8]  }
0x31: {  	[smem:$0x3FB1] =	sst s10  }
0x32: {  	s10 =	sld [smem:$0x3FAF];
	_ =	sdelay $0x3  }
0x33: {  	p0 =	seq.s32 s10, $0x1;
	s10 =	sld [smem:$0x3FB1];
	_ =	sdelay $0x3  }
0x34: {  	[smem:$0x3FB1] =	sst s10  }
0x35: {  	s10 =	sld [smem:$0x3FB0];
	_ =	sdelay $0x3  }
0x36: {  	p1 =	seq.s32 s10, $0x1;
	s10 =	sld [smem:$0x3FB1];
	_ =	sdelay $0x3  }
0x37: {  	[smem:$0x3FB1] =	sst s10  }
0x38: {  	s10 =	sld [smem:$0x3FB2]  }
0x39: {  	_ = 	snop;
	(pc) =	sbr.ind lr, $3  }
0x3a: {  	_ = 	snop  }
0x3b: {  	_ = 	snop  }
0x3c: {  	p2 =	seq.s32 s10, $0x1;
	s10 =	sld [smem:$0x3FB1]  }
0x3d: {  	_ =	shalt  }
0x3e: {  	_ =	shalt  }
0x3f: {  	_ =	shalt  }
0x40: {  	_ =	shalt  }
0x41: {  	_ =	shalt  }
0x42: {  	_ =	shalt  }
0x43: {  	_ =	shalt  }
0x44: {  	_ =	shalt  }
0x45: {  	_ =	shalt  }
0x46: {  	_ =	shalt  }
0x47: {  	_ =	shalt  }
0x48: {  	_ =	shalt  }
0x49: {  	_ =	shalt  }
0x4a: {  	_ =	shalt  }
0x4b: {  	_ =	shalt  }
0x4c: {  	_ =	shalt  }
0x4d: {  	_ =	shalt  }
0x4e: {  	_ =	shalt  }
0x4f: {  	_ =	shalt  }
0x50: {  	_ =	shalt  }
0x51: {  	_ =	shalt  }
0x52: {  	_ =	shalt  }
0x53: {  	_ =	shalt  }
0x54: {  	_ =	shalt  }
0x55: {  	_ =	shalt  }
0x56: {  	_ =	shalt  }
0x57: {  	_ =	shalt  }
0x58: {  	_ =	shalt  }
0x59: {  	_ =	shalt  }
0x5a: {  	_ =	shalt  }
0x5b: {  	_ =	shalt  }
0x5c: {  	_ =	shalt  }
0x5d: {  	_ =	shalt  }
0x5e: {  	_ =	shalt  }
0x5f: {  	_ =	shalt  }
0x60: {  	_ =	shalt  }
0x61: {  	_ =	shalt  }
0x62: {  	_ =	shalt  }
0x63: {  	_ =	shalt  }
0x64: {  	_ =	shalt  }
0x65: {  	_ =	shalt  }
0x66: {  	_ =	shalt  }
0x67: {  	_ =	shalt  }
0x68: {  	_ =	shalt  }
0x69: {  	_ =	shalt  }
0x6a: {  	_ =	shalt  }
0x6b: {  	_ =	shalt  }
0x6c: {  	_ =	shalt  }
0x6d: {  	_ =	shalt  }
0x6e: {  	_ =	shalt  }
0x6f: {  	_ =	shalt  }
0x70: {  	_ =	shalt  }
0x71: {  	_ =	shalt  }
0x72: {  	_ =	shalt  }
0x73: {  	_ =	shalt  }
0x74: {  	_ =	shalt  }
0x75: {  	_ =	shalt  }
0x76: {  	_ =	shalt  }
0x77: {  	_ =	shalt  }
0x78: {  	_ =	shalt  }
0x79: {  	_ =	shalt  }
0x7a: {  	_ =	shalt  }
0x7b: {  	_ =	shalt  }
0x7c: {  	_ =	shalt  }
0x7d: {  	_ =	shalt  }
0x7e: {  	_ =	shalt  }
0x7f: {  	_ =	shalt  }
0x80: {  	_ =	shalt  }
0x81: {  	_ =	shalt  }
0x82: {  	_ =	shalt  }
0x83: {  	_ =	shalt  }
0x84: {  	_ =	shalt  }
0x85: {  	_ =	shalt  }
0x86: {  	_ =	shalt  }
0x87: {  	_ =	shalt  }
.Lfunc_end0:
.L_simem_size_0:
called_computation_lowered:
.L_overlay_start_0:
0x88: {  	s2 =	sld [smem:$0x3FD9]  }
0x89: {  	s3 =	sld [smem:$0x3FFE];
	_ =	sdelay $0x1  }
0x8a: {  	s1 =	srdreg.scid  }
0x8b: {  	s0 =	sand.u32 $0x1, s1  }
0x8c: {  	s16 =	sshll.u32 s0, $0xA;
	s2 =	sadd.s32 s3, s2  }
0x8d: {  	s2 =	sadd.s32 s2, s16  }
0x8e: {  	[smem:$0x3FBD] =	sst s2  }
0x8f: {  	_ = 	snop  }
0x90: {  	(tm) =	ssettm $0x1  }
0x91: {  	s17 =	sld [smem:$0x3FFB];
	_ =	sdelay $0x3  }
0x92: {  	_ =	strace s17  }
0x93: {  	s2 =	sld [smem:$0x3FFC];
	_ =	sdelay $0x3  }
0x94: {  	_ =	strace s2  }
0x95: {  	s2 =	sld [smem:$0x3FFD];
	_ =	sdelay $0x3  }
0x96: {  	_ =	strace s2  }
0x97: {  	_ =	strace $0x8FFFFFFF  }
0x98: {  	s18 =	sld [smem:$0x3FDB];
	_ =	sdelay $0x1  }
0x99: {  	s19 =	simm.s32 $_scs_section_size  }
0x9a: {  	s4 =	simm.s32 $_size__tile_overlayer_lowered;
	s5 =	simm.s32 $_tile_overlayer_lowered  }
0x9b: {  	s22 =	simm.s32 $0x1BFF;
	s21 =	sshll.u32 s5, $0x1;
	s2 =	sadd.s32 s19, s18  }
0x9c: {  	s6 =	simm.s32 $0x0;
	s20 =	sshll.u32 s4, $0x1;
	s4 =	sadd.s32 s21, s2  }
0x9d: {  	[timem:s6], [sflag:s22] =	dma.local [hbm:s4], s20  }
0x9e: {  	_ =	swait.ge [sflag:s22], s20  }
0x9f: {  	s3 =	ssub.s32 $0x0, s20;
	[sflag:s22] =	ssyncset.done $0x0  }
0xa0: {  	[sflag:s22] =	ssyncadd.s32 s3;
	_ =	sdelay $0x1  }
0xa1: {  	s23 =	simm.s32 $0x1B8B  }
0xa2: {  	_ =	swait.ge [sflag:s23], $0x1  }
0xa3: {  	[sflag:s23] =	ssyncset.done $0x0  }
0xa4: {  	s25 =	simm.s32 $0x1B8E;
	s24 =	sld [smem:$0x3FFE];
	[sflag:s23] =	ssyncadd.s32 $0xFFFFFFFF  }
0xa5: {  	s26 =	simm.s32 $execute0_lowered;
	[smem:$0x3FD2] =	sst s25  }
0xa6: {  	s4 =	sshll.u32 s26, $0x1;
	_ =	strace $0x80000046;
	[dreg:$0x1] =	wrdreg $0xFFFFFFFF  }
0xa7: {  	s28 =	simm.s32 $_size_execute0_lowered;
	s2 =	sadd.s32 s2, s4;
	[dreg:$0x0] =	wrdreg $0x0  }
0xa8: {  	s4 =	sshll.u32 s28, $0x1;
	[dreg:$0x2] =	wrdreg s2  }
0xa9: {  	[dreg:$0x3] =	wrdreg s4  }
0xaa: {  	[dreg:$0x4] =	wrdreg $0xC0  }
0xab: {  	_ =	task [dreg:s6], $0x5FFFF  }
0xac: {  	[dreg:$0x1] =	wrdreg $0xFFFFFFFF  }
0xad: {  	[dreg:$0x0] =	wrdreg $0x60  }
0xae: {  	[dreg:$0x2] =	wrdreg s24  }
0xaf: {  	[dreg:$0x3] =	wrdreg $0x1BD00  }
0xb0: {  	[dreg:$0x4] =	wrdreg $0x9  }
0xb1: {  	_ =	task.clear_ibuf [dreg:s6], $0x5FFFF;
	_ =	strace $0x90000046  }
0xb2: {  	s29 =	simm.s32 $0x9;
	_ =	strace $0x80000048  }
0xb3: {  	_ =	swait.ge [sflag:s29], $0x1  }
0xb4: {  	[sflag:s29] =	ssyncadd.s32 $0xFFFFFFFF  }
0xb5: {  	_ =	strace $0x90000048  }
0xb6: {  	_ =	sfence  }
0xb7: {  	s30 =	sld [smem:$0x0];
	_ =	sdelay $0x2  }
0xb8: {  	s31 =	sshll.u32 s1, $0xD;
	s1 =	sshrl.u32 s1, $0x2  }
0xb9: {  	s3 =	sand.u32 $0x4000, s31;
	s1 =	sadd.s32 s1, s30  }
0xba: {  	s0 =	sor.u32 s3, s0;
	s1 =	sshll.u32 s1, $0x11  }
0xbb: {  	s0 =	sor.u32 s1, s0  }
0xbc: {  	s0 =	sadd.s32 $0x8F2B, s0  }
0xbd: {  	[sflag:s0] =	ssyncadd.remote.s32 $0x1  }
0xbe: {  	_ =	sfence.sel $0xFFFF  }
0xbf: {  	[dreg:$0x0] =	wrdreg $0xFFFFFFFF;
	(pc) =	sbr.abs _section_cstart, $3  }
0xc0: {  	[dreg:$0x1] =	wrdreg $0xFFFFFFFF  }
0xc1: {  	_ =	task.clear_ibuf [dreg:s6], $0x2FFFF;
	_ =	strace $0x9FFFFFFF  }
0xc2: {  	(tm) =	ssettm $0x7FFFFFFF  }
0xc3: {  	_ =	shalt  }
tec
execute0_lowered:
.L_overlay_start_1:
0x0: {  	(tag) =	ssettag $0x1  }
0x1: {  	s0 =	srdreg.scid;
	s6 =	rddreg [dreg:$0x0]  }
0x2: {  	s9 =	stileid.u32;
	s2 =	rddreg [dreg:$0x1];
	s3 =	simm.s32 $0x0  }
0x3: {  	s11 =	simm.s32 $0x2;
	s12 =	simm.s32 $0x1400;
	s13 =	simm.s32 $0x7D  }
0x4: {  	s18 =	simm.s32 $0xC00;
	s19 =	simm.s32 $0xC80;
	s20 =	simm.s32 $0xD00  }
0x5: {  	s21 =	simm.s32 $0xD80;
	s22 =	simm.s32 $0xE00;
	s23 =	simm.s32 $0xE80  }
0x6: {  	s24 =	simm.s32 $0xF00;
	s25 =	simm.s32 $0xF80;
	s28 =	simm.s32 $0x1080  }
0x7: {  	s29 =	simm.s32 $0x1100;
	s30 =	simm.s32 $0x1180;
	s31 =	simm.s32 $0x1200  }
0x8: {  	s14 =	simm.s32 $0x1380;
	s15 =	simm.s32 $0x1;
	s16 =	simm.s32 $0x0  }
0x9: {  	s0 =	sand.u32 $0x1, s0;
	s1 =	sshll.u32 s9, $0x1;
	s7 =	smul.u32 $0x2800, s9  }
0xa: {  	[smem:$0x7FF] =	sst s3;
	s4 =	sadd.s32 $0x7C00, s6;
	s9 =	sshll.u32 s9, $0x6  }
0xb: {  	s1 =	sor.u32 s0, s1;
	s5 =	smul.u32 $0x28000, s0;
	s0 =	ssub.s32 $0x2, s0  }
0xc: {  	_ =	strace $0x80000047;
	s1 =	smul.u32 $0x280, s1;
	s26 =	sshrl.u32 s0, $0x1  }
0xd: {  	s10 =	sadd.s32 s7, s2;
	s8 =	sadd.s32 s7, s5;
	s5 =	sadd.s32 $0x7600, s6  }
0xe: {  	s0 =	ssub.s32 s0, s26;
	s10 =	sshrl.u32 s10, $0x3;
	s8 =	sshrl.u32 s8, $0x3  }
0xf: {  	s26 =	simm.s32 $0x1000;
	s1 =	sadd.s32 s1, s6;
	s8 =	sadd.s32 s8, s6  }
0x10: {  	s6 =	sor.u32 $0x1C02, s9;
	s7 =	sadd.s32 $0x2600, s1;
	s9 =	smax.u32 s0, $0x1  }
0x11: {  	s1 =	simm.s32 $0x1280;
	s0 =	simm.s32 $0x1300;
	s8 =	sadd.s32 $0x7E00, s8  }
.LBB2_1:
0x12: {  	[spmem:s10], [sflag:s6] =	dma.local [hbm:s5], $0x500  }
0x13: {  	_ =	swait.ge [sflag:s11], $0x500  }
0x14: {  	[sflag:s11] =	ssyncset.done $0x0  }
0x15: {  	[sflag:s11] =	ssyncadd.s32 $0xFFFFFB00  }
0x16: {  	[tilespmem:s3], [sflag:$0x2] =	stream.linear.gather [hbm4b:s7+s3], $0x1400, $0x38;
	[tilespmem:$0x43D0] =	vst v63  }
0x17: {  	_ =	swait.ge [sflag:s11], $0x1400  }
0x18: {  	[sflag:s11] =	ssyncset.done $0x0  }
0x19: {  	[sflag:s11] =	ssyncadd.s32 $0xFFFFEC00  }
0x1a: {  	[tilespmem:s12], [sflag:$0x2] =	stream.linear.gather [hbm4b:s4+s3], $0x7D0, $0x38;
	[tilespmem:$0x43D0] =	vst v63  }
0x1b: {  	_ =	swait.ge [sflag:s11], $0x7D0  }
0x1c: {  	[sflag:s11] =	ssyncset.done $0x0  }
0x1d: {  	[sflag:s11] =	ssyncadd.s32 $0xFFFFF830  }
0x1e: {  	[bflag:$0x0] =	sbarrier.arrive $0xFFFF  }
0x1f: {  	[spmem:s2] =	stream.indirect.scatter.add.f32 [tilespmem:s12], [sflag:$0x1], $0x10, s3, s13, $0xb8;
	[tilespmem:$0x43D0] =	vst v63  }
0x20: {  	s17 =	simm.s32 $0x80  }
0x21: {  	[spmem:s2] =	stream.indirect.scatter.add.f32 [tilespmem:s12], [sflag:$0x1], $0x10, s17, s13, $0xb8;
	[tilespmem:$0x43D0] =	vst v63  }
0x22: {  	s17 =	simm.s32 $0x100  }
0x23: {  	[spmem:s2] =	stream.indirect.scatter.add.f32 [tilespmem:s12], [sflag:$0x1], $0x10, s17, s13, $0xb8;
	[tilespmem:$0x43D0] =	vst v63  }
0x24: {  	s17 =	simm.s32 $0x180  }
0x25: {  	[spmem:s2] =	stream.indirect.scatter.add.f32 [tilespmem:s12], [sflag:$0x1], $0x10, s17, s13, $0xb8;
	[tilespmem:$0x43D0] =	vst v63  }
0x26: {  	s17 =	simm.s32 $0x200  }
0x27: {  	[spmem:s2] =	stream.indirect.scatter.add.f32 [tilespmem:s12], [sflag:$0x1], $0x10, s17, s13, $0xb8;
	[tilespmem:$0x43D0] =	vst v63  }
0x28: {  	s17 =	simm.s32 $0x280  }
0x29: {  	[spmem:s2] =	stream.indirect.scatter.add.f32 [tilespmem:s12], [sflag:$0x1], $0x10, s17, s13, $0xb8;
	[tilespmem:$0x43D0] =	vst v63  }
0x2a: {  	s17 =	simm.s32 $0x300  }
0x2b: {  	[spmem:s2] =	stream.indirect.scatter.add.f32 [tilespmem:s12], [sflag:$0x1], $0x10, s17, s13, $0xb8;
	[tilespmem:$0x43D0] =	vst v63  }
0x2c: {  	s17 =	simm.s32 $0x380  }
0x2d: {  	[spmem:s2] =	stream.indirect.scatter.add.f32 [tilespmem:s12], [sflag:$0x1], $0x10, s17, s13, $0xb8;
	[tilespmem:$0x43D0] =	vst v63  }
0x2e: {  	s17 =	simm.s32 $0x400  }
0x2f: {  	[spmem:s2] =	stream.indirect.scatter.add.f32 [tilespmem:s12], [sflag:$0x1], $0x10, s17, s13, $0xb8;
	[tilespmem:$0x43D0] =	vst v63  }
0x30: {  	s17 =	simm.s32 $0x480  }
0x31: {  	[spmem:s2] =	stream.indirect.scatter.add.f32 [tilespmem:s12], [sflag:$0x1], $0x10, s17, s13, $0xb8;
	[tilespmem:$0x43D0] =	vst v63  }
0x32: {  	s17 =	simm.s32 $0x500  }
0x33: {  	[spmem:s2] =	stream.indirect.scatter.add.f32 [tilespmem:s12], [sflag:$0x1], $0x10, s17, s13, $0xb8;
	[tilespmem:$0x43D0] =	vst v63  }
0x34: {  	s17 =	simm.s32 $0x580  }
0x35: {  	[spmem:s2] =	stream.indirect.scatter.add.f32 [tilespmem:s12], [sflag:$0x1], $0x10, s17, s13, $0xb8;
	[tilespmem:$0x43D0] =	vst v63  }
0x36: {  	s17 =	simm.s32 $0x600  }
0x37: {  	[spmem:s2] =	stream.indirect.scatter.add.f32 [tilespmem:s12], [sflag:$0x1], $0x10, s17, s13, $0xb8;
	[tilespmem:$0x43D0] =	vst v63  }
0x38: {  	s17 =	simm.s32 $0x680  }
0x39: {  	[spmem:s2] =	stream.indirect.scatter.add.f32 [tilespmem:s12], [sflag:$0x1], $0x10, s17, s13, $0xb8;
	[tilespmem:$0x43D0] =	vst v63  }
0x3a: {  	s17 =	simm.s32 $0x700  }
0x3b: {  	[spmem:s2] =	stream.indirect.scatter.add.f32 [tilespmem:s12], [sflag:$0x1], $0x10, s17, s13, $0xb8;
	[tilespmem:$0x43D0] =	vst v63  }
0x3c: {  	s17 =	simm.s32 $0x780  }
0x3d: {  	[spmem:s2] =	stream.indirect.scatter.add.f32 [tilespmem:s12], [sflag:$0x1], $0x10, s17, s13, $0xb8;
	[tilespmem:$0x43D0] =	vst v63  }
0x3e: {  	s17 =	simm.s32 $0x800  }
0x3f: {  	[spmem:s2] =	stream.indirect.scatter.add.f32 [tilespmem:s12], [sflag:$0x1], $0x10, s17, s13, $0xb8;
	[tilespmem:$0x43D0] =	vst v63  }
0x40: {  	s17 =	simm.s32 $0x880  }
0x41: {  	[spmem:s2] =	stream.indirect.scatter.add.f32 [tilespmem:s12], [sflag:$0x1], $0x10, s17, s13, $0xb8;
	[tilespmem:$0x43D0] =	vst v63  }
0x42: {  	s17 =	simm.s32 $0x900  }
0x43: {  	[spmem:s2] =	stream.indirect.scatter.add.f32 [tilespmem:s12], [sflag:$0x1], $0x10, s17, s13, $0xb8;
	[tilespmem:$0x43D0] =	vst v63  }
0x44: {  	s17 =	simm.s32 $0x980  }
0x45: {  	[spmem:s2] =	stream.indirect.scatter.add.f32 [tilespmem:s12], [sflag:$0x1], $0x10, s17, s13, $0xb8;
	[tilespmem:$0x43D0] =	vst v63  }
0x46: {  	s17 =	simm.s32 $0xA00  }
0x47: {  	[spmem:s2] =	stream.indirect.scatter.add.f32 [tilespmem:s12], [sflag:$0x1], $0x10, s17, s13, $0xb8;
	[tilespmem:$0x43D0] =	vst v63  }
0x48: {  	s17 =	simm.s32 $0xA80  }
0x49: {  	[spmem:s2] =	stream.indirect.scatter.add.f32 [tilespmem:s12], [sflag:$0x1], $0x10, s17, s13, $0xb8;
	[tilespmem:$0x43D0] =	vst v63  }
0x4a: {  	s17 =	simm.s32 $0xB00  }
0x4b: {  	[spmem:s2] =	stream.indirect.scatter.add.f32 [tilespmem:s12], [sflag:$0x1], $0x10, s17, s13, $0xb8;
	[tilespmem:$0x43D0] =	vst v63  }
0x4c: {  	s17 =	simm.s32 $0xB80  }
0x4d: {  	[spmem:s2] =	stream.indirect.scatter.add.f32 [tilespmem:s12], [sflag:$0x1], $0x10, s17, s13, $0xb8;
	[tilespmem:$0x43D0] =	vst v63  }
0x4e: {  	_ = 	snop  }
0x4f: {  	[spmem:s2] =	stream.indirect.scatter.add.f32 [tilespmem:s12], [sflag:$0x1], $0x10, s18, s13, $0xb8;
	[tilespmem:$0x43D0] =	vst v63  }
0x50: {  	_ = 	snop  }
0x51: {  	[spmem:s2] =	stream.indirect.scatter.add.f32 [tilespmem:s12], [sflag:$0x1], $0x10, s19, s13, $0xb8;
	[tilespmem:$0x43D0] =	vst v63  }
0x52: {  	_ = 	snop  }
0x53: {  	[spmem:s2] =	stream.indirect.scatter.add.f32 [tilespmem:s12], [sflag:$0x1], $0x10, s20, s13, $0xb8;
	[tilespmem:$0x43D0] =	vst v63  }
0x54: {  	_ = 	snop  }
0x55: {  	[spmem:s2] =	stream.indirect.scatter.add.f32 [tilespmem:s12], [sflag:$0x1], $0x10, s21, s13, $0xb8;
	[tilespmem:$0x43D0] =	vst v63  }
0x56: {  	_ = 	snop  }
0x57: {  	[spmem:s2] =	stream.indirect.scatter.add.f32 [tilespmem:s12], [sflag:$0x1], $0x10, s22, s13, $0xb8;
	[tilespmem:$0x43D0] =	vst v63  }
0x58: {  	_ = 	snop  }
0x59: {  	[spmem:s2] =	stream.indirect.scatter.add.f32 [tilespmem:s12], [sflag:$0x1], $0x10, s23, s13, $0xb8;
	[tilespmem:$0x43D0] =	vst v63  }
0x5a: {  	_ = 	snop  }
0x5b: {  	[spmem:s2] =	stream.indirect.scatter.add.f32 [tilespmem:s12], [sflag:$0x1], $0x10, s24, s13, $0xb8;
	[tilespmem:$0x43D0] =	vst v63  }
0x5c: {  	_ = 	snop  }
0x5d: {  	[spmem:s2] =	stream.indirect.scatter.add.f32 [tilespmem:s12], [sflag:$0x1], $0x10, s25, s13, $0xb8;
	[tilespmem:$0x43D0] =	vst v63  }
0x5e: {  	_ = 	snop  }
0x5f: {  	[spmem:s2] =	stream.indirect.scatter.add.f32 [tilespmem:s12], [sflag:$0x1], $0x10, s26, s13, $0xb8;
	[tilespmem:$0x43D0] =	vst v63  }
0x60: {  	_ = 	snop  }
0x61: {  	[spmem:s2] =	stream.indirect.scatter.add.f32 [tilespmem:s12], [sflag:$0x1], $0x10, s28, s13, $0xb8;
	[tilespmem:$0x43D0] =	vst v63  }
0x62: {  	_ = 	snop  }
0x63: {  	[spmem:s2] =	stream.indirect.scatter.add.f32 [tilespmem:s12], [sflag:$0x1], $0x10, s29, s13, $0xb8;
	[tilespmem:$0x43D0] =	vst v63  }
0x64: {  	_ = 	snop  }
0x65: {  	[spmem:s2] =	stream.indirect.scatter.add.f32 [tilespmem:s12], [sflag:$0x1], $0x10, s30, s13, $0xb8;
	[tilespmem:$0x43D0] =	vst v63  }
0x66: {  	_ = 	snop  }
0x67: {  	[spmem:s2] =	stream.indirect.scatter.add.f32 [tilespmem:s12], [sflag:$0x1], $0x10, s31, s13, $0xb8;
	[tilespmem:$0x43D0] =	vst v63  }
0x68: {  	_ = 	snop  }
0x69: {  	[spmem:s2] =	stream.indirect.scatter.add.f32 [tilespmem:s12], [sflag:$0x1], $0x10, s1, s13, $0xb8;
	[tilespmem:$0x43D0] =	vst v63  }
0x6a: {  	_ = 	snop  }
0x6b: {  	[spmem:s2] =	stream.indirect.scatter.add.f32 [tilespmem:s12], [sflag:$0x1], $0x10, s0, s13, $0xb8;
	[tilespmem:$0x43D0] =	vst v63  }
0x6c: {  	_ = 	snop  }
0x6d: {  	[spmem:s2] =	stream.indirect.scatter.add.f32 [tilespmem:s12], [sflag:$0x1], $0x10, s14, s13, $0xb8;
	[tilespmem:$0x43D0] =	vst v63  }
0x6e: {  	_ =	swait.ge [sflag:s15], $0x7D0  }
0x6f: {  	s17 =	simm.s32 $0x27;
	[sflag:s15] =	ssyncset.done $0x0  }
.LBB2_2:
0x70: {  	p0 =	sne.s32 s17, $0x1;
	s17 =	sadd.s32 $0xFFFFFFFF, s17;
	[sflag:s15] =	ssyncadd.s32 $0xFFFFF830  }
.Ltmp0:
0x71: {  	(pc) =	sbr.rel @p0 .LBB2_2-.Ltmp0, $3  }
0x72: {  	_ =	sdelay $0x1  }
0x73: {  	_ =	swait.ge [sflag:s15], $0x7D0  }
0x74: {  	[sflag:s15] =	ssyncset.done $0x0  }
0x75: {  	s16 =	sadd.s32 $0x1, s16  }
0x76: {  	[sflag:s15] =	ssyncadd.s32 $0xFFFFF830;
	p0 =	sne.s32 s16, s9  }
.Ltmp1:
0x77: {  	[bflag:$0x0] =	sbarrier.arrive $0xFFFF;
	(pc) =	sbr.rel @p0 .LBB2_1-.Ltmp1, $4  }
0x78: {  	[hbm:s8], [sflag:s6] =	dma.local [spmem:s10], $0x500  }
0x79: {  	_ =	swait.ge [sflag:s11], $0x500  }
0x7a: {  	[sflag:s11] =	ssyncset.done $0x0  }
0x7b: {  	[sflag:s11] =	ssyncadd.s32 $0xFFFFFB00  }
0x7c: {  	_ =	sfence.sel $0x180000  }
0x7d: {  	[bflag:$0x0] =	sbarrier.arrive $0xFFFF  }
0x7e: {  	_ =	strace $0x90000047  }
0x7f: {  	s0 =	stileid.u32;
	[bflag:$0x2] =	sbarrier.arrive $0xFFFF  }
0x80: {  	p0 =	sne.s32 s0, $0x0;
	s0 =	rddreg [dreg:$0x2]  }
0x81: {  	s0 =	sadd.s32 @!p0 $0x100000, s0  }
0x82: {  	[sflag:s0] =	ssyncadd.tile.s32 @!p0 $0x1;
	_ =	shalt  }
.Lfunc_end2:
_tile_overlayer_lowered:
.L_overlay_start_2:
0x83: {  	(tag) =	ssettag $0x2  }
0x84: {  	s0 =	rddreg [dreg:$0x0];
	s2 =	stileid.u32  }
0x85: {  	s1 =	rddreg [dreg:$0x1];
	p0 =	sne.s32 s2, $0x0  }
0x86: {  	s3 =	rddreg [dreg:$0x2];
	[bflag:$0x3] =	sbarrier.arrive $0xFFFF;
	s2 =	simm.s32 @!p0 $0x1C02  }
0x87: {  	[timem:s3], [sflag:s2] =	dma.local @!p0 [hbm:s0], s1  }
0x88: {  	s0 =	simm.s32 @!p0 $0x2  }
0x89: {  	_ =	swait.ge @!p0 [sflag:s0], s1  }
0x8a: {  	s1 =	ssub.s32 @!p0 $0x0, s1;
	[sflag:s0] =	ssyncset.done @!p0 $0x0  }
0x8b: {  	[sflag:s0] =	ssyncadd.s32 @!p0 s1  }
0x8c: {  	[bflag:$0x3] =	sbarrier.arrive $0xFFFF  }
0x8d: {  	_ =	shalt  }

// kernel: kernel.13.cloned.1.call-start
scs
__scs_entry_jumppad:
0x0: {  	(pc) =	sbr.rel $0x88, $3  }
0x1: {  	(tag) =	ssettag $0x0;
	lr =	simm.s32 $0x1  }
0x2: {  	[smem:$0x3F96] =	sst lr;
	_ =	strace $0xD0000000  }
0x3: {  	_ = 	snop  }
0x4: {  	_ = 	snop  }
0x5: {  	_ = 	snop  }
0x6: {  	_ = 	snop  }
0x7: {  	_ = 	snop  }
__scs_overlays_trampoline_lowered:
0x8: {  	[smem:$0x3FA5] =	sst s0  }
0x9: {  	[smem:$0x3FA6] =	sst s1  }
0xa: {  	[smem:$0x3FA7] =	sst s2  }
0xb: {  	[smem:$0x3FA8] =	sst s3  }
0xc: {  	[smem:$0x3FA9] =	sst s4  }
0xd: {  	[smem:$0x3FAA] =	sst s5  }
0xe: {  	[smem:$0x3FAB] =	sst s6  }
0xf: {  	[smem:$0x3FAC] =	sst s7  }
0x10: {  	[smem:$0x3FAD] =	sst s8  }
0x11: {  	[smem:$0x3FAE] =	sst s9;
	s0 =	simm.s32 @!p0 $0x0  }
0x12: {  	s1 =	sld [smem:$0x3F94];
	s0 =	simm.s32 @p0 $0x1  }
0x13: {  	[smem:$0x3FAF] =	sst s0;
	s0 =	simm.s32 @!p1 $0x0  }
0x14: {  	s2 =	sld [smem:$0x3F93];
	s0 =	simm.s32 @p1 $0x1  }
0x15: {  	[smem:$0x3FB0] =	sst s0;
	s0 =	simm.s32 @!p2 $0x0  }
0x16: {  	s3 =	sld [smem:$0x3FDB];
	s0 =	simm.s32 @p2 $0x1  }
0x17: {  	s4 =	simm.s32 $0x1BF5;
	[smem:$0x3FB2] =	sst s0  }
0x18: {  	s0 =	sld [smem:$0x3F95];
	_ =	swait.ge [sflag:s4], $0x0  }
0x19: {  	s7 =	sld [smem:$0x3F96]  }
0x1a: {  	s8 =	sadd.s32 $0xFFFFE003, lr  }
0x1b: {  	s9 =	sadd.s32 $0xFFFFFEF7, lr;
	s5 =	simm.s32 $0xFFFFFFFF;
	p2 =	slt.u32 s8, $0xFFFFF086  }
0x1c: {  	p1 =	slt.u32 s9, $0xF7A;
	s5 =	simm.s32 @!p2 $0x0  }
0x1d: {  	s5 =	simm.s32 @p1 $0x1;
	p0 =	seq.s32 s7, s2  }
0x1e: {  	s7 =	smul.u32 @!p0 $0xF7A, s2;
	p2 =	seq.s32 @!p0 s5, $0x0  }
0x1f: {  	s9 =	smul.u32 $0xF7A, s1;
	s8 =	simm.s32 @!p0 $0x1BF5;
	p2 =	por !p2, p0  }
0x20: {  	[sflag:s8] =	ssyncset.s32 @!p0 $0xFFFFF086;
	s6 =	sadd.s32 @!p0 s3, s7;
	s7 =	simm.s32 @!p0 $0x108  }
0x21: {  	s3 =	sadd.s32 s3, s9;
	s6 =	sadd.s32 @!p0 $0x88, s6;
	s7 =	simm.s32 @p2 $0x1082  }
0x22: {  	[simem:s7], [sflag:s8] =	dma.local @!p0 [hbm:s6], $0xF7A  }
0x23: {  	s9 =	sor.u32 $0xD0000000, s2;
	s6 =	simm.s32 $0x108;
	_ =	swait.ge @!p0 [sflag:s8], $0x0  }
0x24: {  	s3 =	sadd.s32 $0x88, s3;
	s6 =	simm.s32 @!p1 $0x1082;
	[sflag:s4] =	ssyncset.s32 $0xFFFFF086  }
0x25: {  	[simem:s6], [sflag:s4] =	dma.local [hbm:s3], $0xF7A  }
0x26: {  	[smem:$0x3F96] =	sst s1;
	(tag) =	ssettag s2;
	_ =	strace s9  }
0x27: {  	s1 =	sld [smem:$0x3FA6]  }
0x28: {  	s2 =	sld [smem:$0x3FA7]  }
0x29: {  	s4 =	sld [smem:$0x3FA9]  }
0x2a: {  	p0 =	seq.s32 s5, $0x0;
	s5 =	sld [smem:$0x3FAA]  }
0x2b: {  	s6 =	sld [smem:$0x3FAB]  }
0x2c: {  	s7 =	sld [smem:$0x3FAC]  }
0x2d: {  	s3 =	simm.s32 $0x108;
	s8 =	sld [smem:$0x3FAD]  }
0x2e: {  	s3 =	simm.s32 @!p0 $0x1082;
	s9 =	sld [smem:$0x3FAE]  }
0x2f: {  	lr =	sadd.s32 s0, s3;
	s0 =	sld [smem:$0x3FA5]  }
0x30: {  	s3 =	sld [smem:$0x3FA8]  }
0x31: {  	[smem:$0x3FB1] =	sst s10  }
0x32: {  	s10 =	sld [smem:$0x3FAF];
	_ =	sdelay $0x3  }
0x33: {  	p0 =	seq.s32 s10, $0x1;
	s10 =	sld [smem:$0x3FB1];
	_ =	sdelay $0x3  }
0x34: {  	[smem:$0x3FB1] =	sst s10  }
0x35: {  	s10 =	sld [smem:$0x3FB0];
	_ =	sdelay $0x3  }
0x36: {  	p1 =	seq.s32 s10, $0x1;
	s10 =	sld [smem:$0x3FB1];
	_ =	sdelay $0x3  }
0x37: {  	[smem:$0x3FB1] =	sst s10  }
0x38: {  	s10 =	sld [smem:$0x3FB2]  }
0x39: {  	_ = 	snop;
	(pc) =	sbr.ind lr, $3  }
0x3a: {  	_ = 	snop  }
0x3b: {  	_ = 	snop  }
0x3c: {  	p2 =	seq.s32 s10, $0x1;
	s10 =	sld [smem:$0x3FB1]  }
0x3d: {  	_ =	shalt  }
0x3e: {  	_ =	shalt  }
0x3f: {  	_ =	shalt  }
0x40: {  	_ =	shalt  }
0x41: {  	_ =	shalt  }
0x42: {  	_ =	shalt  }
0x43: {  	_ =	shalt  }
0x44: {  	_ =	shalt  }
0x45: {  	_ =	shalt  }
0x46: {  	_ =	shalt  }
0x47: {  	_ =	shalt  }
0x48: {  	_ =	shalt  }
0x49: {  	_ =	shalt  }
0x4a: {  	_ =	shalt  }
0x4b: {  	_ =	shalt  }
0x4c: {  	_ =	shalt  }
0x4d: {  	_ =	shalt  }
0x4e: {  	_ =	shalt  }
0x4f: {  	_ =	shalt  }
0x50: {  	_ =	shalt  }
0x51: {  	_ =	shalt  }
0x52: {  	_ =	shalt  }
0x53: {  	_ =	shalt  }
0x54: {  	_ =	shalt  }
0x55: {  	_ =	shalt  }
0x56: {  	_ =	shalt  }
0x57: {  	_ =	shalt  }
0x58: {  	_ =	shalt  }
0x59: {  	_ =	shalt  }
0x5a: {  	_ =	shalt  }
0x5b: {  	_ =	shalt  }
0x5c: {  	_ =	shalt  }
0x5d: {  	_ =	shalt  }
0x5e: {  	_ =	shalt  }
0x5f: {  	_ =	shalt  }
0x60: {  	_ =	shalt  }
0x61: {  	_ =	shalt  }
0x62: {  	_ =	shalt  }
0x63: {  	_ =	shalt  }
0x64: {  	_ =	shalt  }
0x65: {  	_ =	shalt  }
0x66: {  	_ =	shalt  }
0x67: {  	_ =	shalt  }
0x68: {  	_ =	shalt  }
0x69: {  	_ =	shalt  }
0x6a: {  	_ =	shalt  }
0x6b: {  	_ =	shalt  }
0x6c: {  	_ =	shalt  }
0x6d: {  	_ =	shalt  }
0x6e: {  	_ =	shalt  }
0x6f: {  	_ =	shalt  }
0x70: {  	_ =	shalt  }
0x71: {  	_ =	shalt  }
0x72: {  	_ =	shalt  }
0x73: {  	_ =	shalt  }
0x74: {  	_ =	shalt  }
0x75: {  	_ =	shalt  }
0x76: {  	_ =	shalt  }
0x77: {  	_ =	shalt  }
0x78: {  	_ =	shalt  }
0x79: {  	_ =	shalt  }
0x7a: {  	_ =	shalt  }
0x7b: {  	_ =	shalt  }
0x7c: {  	_ =	shalt  }
0x7d: {  	_ =	shalt  }
0x7e: {  	_ =	shalt  }
0x7f: {  	_ =	shalt  }
0x80: {  	_ =	shalt  }
0x81: {  	_ =	shalt  }
0x82: {  	_ =	shalt  }
0x83: {  	_ =	shalt  }
0x84: {  	_ =	shalt  }
0x85: {  	_ =	shalt  }
0x86: {  	_ =	shalt  }
0x87: {  	_ =	shalt  }
.Lfunc_end0:
.L_simem_size_0:
called_computation.1_lowered:
.L_overlay_start_0:
0x88: {  	s2 =	sld [smem:$0x3FD9]  }
0x89: {  	s3 =	sld [smem:$0x3FFE];
	_ =	sdelay $0x1  }
0x8a: {  	s1 =	srdreg.scid  }
0x8b: {  	s0 =	sand.u32 $0x1, s1  }
0x8c: {  	s16 =	sshll.u32 s0, $0xA;
	s2 =	sadd.s32 s3, s2  }
0x8d: {  	s2 =	sadd.s32 s2, s16  }
0x8e: {  	[smem:$0x3FBD] =	sst s2  }
0x8f: {  	_ = 	snop  }
0x90: {  	(tm) =	ssettm $0x1  }
0x91: {  	s17 =	sld [smem:$0x3FFB];
	_ =	sdelay $0x3  }
0x92: {  	_ =	strace s17  }
0x93: {  	s2 =	sld [smem:$0x3FFC];
	_ =	sdelay $0x3  }
0x94: {  	_ =	strace s2  }
0x95: {  	s2 =	sld [smem:$0x3FFD];
	_ =	sdelay $0x3  }
0x96: {  	_ =	strace s2  }
0x97: {  	_ =	strace $0x8FFFFFFF  }
0x98: {  	s18 =	sld [smem:$0x3FDB];
	_ =	sdelay $0x1  }
0x99: {  	s19 =	simm.s32 $_scs_section_size  }
0x9a: {  	s4 =	simm.s32 $_size__tile_overlayer_lowered;
	s5 =	simm.s32 $_tile_overlayer_lowered  }
0x9b: {  	s22 =	simm.s32 $0x1BFF;
	s21 =	sshll.u32 s5, $0x1;
	s2 =	sadd.s32 s19, s18  }
0x9c: {  	s6 =	simm.s32 $0x0;
	s20 =	sshll.u32 s4, $0x1;
	s4 =	sadd.s32 s21, s2  }
0x9d: {  	[timem:s6], [sflag:s22] =	dma.local [hbm:s4], s20  }
0x9e: {  	_ =	swait.ge [sflag:s22], s20  }
0x9f: {  	s3 =	ssub.s32 $0x0, s20;
	[sflag:s22] =	ssyncset.done $0x0  }
0xa0: {  	[sflag:s22] =	ssyncadd.s32 s3;
	_ =	sdelay $0x1  }
0xa1: {  	s23 =	simm.s32 $0x1B8B  }
0xa2: {  	_ =	swait.ge [sflag:s23], $0x1  }
0xa3: {  	[sflag:s23] =	ssyncset.done $0x0  }
0xa4: {  	s25 =	simm.s32 $0x1B8E;
	s24 =	sld [smem:$0x3FFE];
	[sflag:s23] =	ssyncadd.s32 $0xFFFFFFFF  }
0xa5: {  	s26 =	simm.s32 $execute0_lowered;
	[smem:$0x3FD2] =	sst s25  }
0xa6: {  	s4 =	sshll.u32 s26, $0x1;
	_ =	strace $0x80000049;
	[dreg:$0x1] =	wrdreg $0xFFFFFFFF  }
0xa7: {  	s28 =	simm.s32 $_size_execute0_lowered;
	s2 =	sadd.s32 s2, s4;
	[dreg:$0x0] =	wrdreg $0x0  }
0xa8: {  	s4 =	sshll.u32 s28, $0x1;
	[dreg:$0x2] =	wrdreg s2  }
0xa9: {  	[dreg:$0x3] =	wrdreg s4  }
0xaa: {  	[dreg:$0x4] =	wrdreg $0xC0  }
0xab: {  	_ =	task [dreg:s6], $0x5FFFF  }
0xac: {  	[dreg:$0x1] =	wrdreg $0xFFFFFFFF  }
0xad: {  	[dreg:$0x0] =	wrdreg $0x60  }
0xae: {  	[dreg:$0x2] =	wrdreg s24  }
0xaf: {  	[dreg:$0x3] =	wrdreg $0xA8C00  }
0xb0: {  	[dreg:$0x4] =	wrdreg $0x9  }
0xb1: {  	_ =	task.clear_ibuf [dreg:s6], $0x5FFFF;
	_ =	strace $0x90000049  }
0xb2: {  	s29 =	simm.s32 $0x9;
	_ =	strace $0x8000004B  }
0xb3: {  	_ =	swait.ge [sflag:s29], $0x1  }
0xb4: {  	[sflag:s29] =	ssyncadd.s32 $0xFFFFFFFF  }
0xb5: {  	_ =	strace $0x9000004B  }
0xb6: {  	_ =	sfence  }
0xb7: {  	s30 =	sld [smem:$0x0];
	_ =	sdelay $0x2  }
0xb8: {  	s31 =	sshll.u32 s1, $0xD;
	s1 =	sshrl.u32 s1, $0x2  }
0xb9: {  	s3 =	sand.u32 $0x4000, s31;
	s1 =	sadd.s32 s1, s30  }
0xba: {  	s0 =	sor.u32 s3, s0;
	s1 =	sshll.u32 s1, $0x11  }
0xbb: {  	s0 =	sor.u32 s1, s0  }
0xbc: {  	s0 =	sadd.s32 $0x8F2B, s0  }
0xbd: {  	[sflag:s0] =	ssyncadd.remote.s32 $0x1  }
0xbe: {  	_ =	sfence.sel $0xFFFF  }
0xbf: {  	[dreg:$0x0] =	wrdreg $0xFFFFFFFF;
	(pc) =	sbr.abs _section_cstart, $3  }
0xc0: {  	[dreg:$0x1] =	wrdreg $0xFFFFFFFF  }
0xc1: {  	_ =	task.clear_ibuf [dreg:s6], $0x2FFFF;
	_ =	strace $0x9FFFFFFF  }
0xc2: {  	(tm) =	ssettm $0x7FFFFFFF  }
0xc3: {  	_ =	shalt  }
tec
execute0_lowered:
.L_overlay_start_1:
0x0: {  	(tag) =	ssettag $0x1  }
0x1: {  	s0 =	rddreg [dreg:$0x0]  }
0x2: {  	s2 =	rddreg [dreg:$0x1];
	s3 =	simm.s32 $0x0  }
0x3: {  	s1 =	srdreg.scid;
	s14 =	stileid.u32;
	s10 =	simm.s32 $0xB  }
0x4: {  	s12 =	simm.s32 $0x32;
	s13 =	simm.s32 $0x2BC0;
	s15 =	simm.s32 $0x44C0  }
0x5: {  	s17 =	simm.s32 $0x5DC0;
	s19 =	simm.s32 $0x76C0;
	s21 =	simm.s32 $0x8FC0  }
0x6: {  	s24 =	simm.s32 $0x1;
	s28 =	simm.s32 $0x7;
	s29 =	simm.s32 $0x3  }
0x7: {  	s30 =	simm.s32 $0x8;
	s31 =	simm.s32 $0x4;
	s16 =	simm.s32 $0x0  }
0x8: {  	s1 =	sand.u32 $0x1, s1;
	s4 =	sshll.u32 s14, $0x1;
	s8 =	smul.u32 $0x14000, s14  }
0x9: {  	[smem:$0x7FF] =	sst s3;
	s26 =	sshll.u32 s14, $0x6;
	s4 =	sor.u32 s1, s4  }
0xa: {  	s5 =	smul.u32 $0x140000, s1;
	_ =	strace $0x8000004A;
	s1 =	ssub.s32 $0x2, s1  }
0xb: {  	s22 =	sor.u32 $0x1C0B, s26;
	s26 =	simm.s32 $0x2;
	s6 =	smul.u32 $0x2BC, s4  }
0xc: {  	s4 =	sadd.s32 $0x1CE00, s0;
	s9 =	sshrl.u32 s1, $0x1;
	s11 =	sadd.s32 s8, s2  }
0xd: {  	s5 =	sadd.s32 s8, s5;
	s1 =	ssub.s32 s1, s9;
	s23 =	sshrl.u32 s11, $0x3  }
0xe: {  	s11 =	simm.s32 $0xA;
	s7 =	sadd.s32 s6, s0;
	s25 =	sshrl.u32 s5, $0x3  }
0xf: {  	s5 =	sadd.s32 $0x7600, s0;
	s9 =	smax.u32 s1, $0x1;
	s1 =	simm.s32 $0x5  }
0x10: {  	s0 =	sadd.s32 s25, s0;
	s6 =	sadd.s32 $0x17600, s7;
	s7 =	sadd.s32 $0x11E00, s7  }
0x11: {  	s25 =	simm.s32 $0x6;
	s8 =	sadd.s32 $0x44000, s0;
	s0 =	simm.s32 $0x9  }
.LBB2_1:
0x12: {  	[tilespmem:s3], [sflag:$0xB] =	stream.linear.gather [hbm4b:s6+s3], $0x15E0, $0x38;
	[tilespmem:$0x1E8C0] =	vst v63  }
0x13: {  	_ =	swait.ge [sflag:s10], $0x15E0  }
0x14: {  	[sflag:s10] =	ssyncset.done $0x0  }
0x15: {  	s14 =	simm.s32 $0x15E0;
	[sflag:s10] =	ssyncadd.s32 $0xFFFFEA20  }
0x16: {  	[tilespmem:s14], [sflag:$0xB] =	stream.linear.gather [hbm4b:s7+s3], $0x15E0, $0x38;
	[tilespmem:$0x1E8C0] =	vst v63  }
0x17: {  	_ =	swait.ge [sflag:s10], $0x15E0  }
0x18: {  	[sflag:s10] =	ssyncset.done $0x0  }
0x19: {  	[sflag:s10] =	ssyncadd.s32 $0xFFFFEA20  }
0x1a: {  	[tilespmem:s13], [sflag:$0x1] =	stream.indirect.gather [hbm4b:s4+s12], $0x80, s3, s12, $0xb8;
	[tilespmem:$0x1E8C0] =	vst v63  }
0x1b: {  	s18 =	simm.s32 $0x38  }
0x1c: {  	[tilespmem:s15], [sflag:$0x2] =	stream.indirect.gather [hbm4b:s4+s12], $0x80, s18, s12, $0xb8;
	[tilespmem:$0x1E8C0] =	vst v63  }
0x1d: {  	s20 =	simm.s32 $0x70  }
0x1e: {  	[tilespmem:s17], [sflag:$0x3] =	stream.indirect.gather [hbm4b:s4+s12], $0x80, s20, s12, $0xb8;
	[tilespmem:$0x1E8C0] =	vst v63  }
0x1f: {  	s18 =	simm.s32 $0xA8  }
0x20: {  	[tilespmem:s19], [sflag:$0x4] =	stream.indirect.gather [hbm4b:s4+s12], $0x80, s18, s12, $0xb8;
	[tilespmem:$0x1E8C0] =	vst v63  }
0x21: {  	s20 =	simm.s32 $0xE0  }
0x22: {  	[tilespmem:s21], [sflag:$0x5] =	stream.indirect.gather [hbm4b:s4+s12], $0x80, s20, s12, $0xb8;
	[tilespmem:$0x1E8C0] =	vst v63  }
0x23: {  	[spmem:s23], [sflag:s22] =	dma.local [hbm:s5], $0x2800  }
0x24: {  	_ =	swait.ge [sflag:s10], $0x2800  }
0x25: {  	[sflag:s10] =	ssyncset.done $0x0  }
0x26: {  	[sflag:s10] =	ssyncadd.s32 $0xFFFFD800  }
0x27: {  	[bflag:$0x0] =	sbarrier.arrive $0xFFFF  }
0x28: {  	_ =	swait.ge [sflag:s24], $0x1900  }
0x29: {  	[sflag:s24] =	ssyncset.done $0x0  }
0x2a: {  	s18 =	simm.s32 $0x15E0;
	[sflag:s24] =	ssyncadd.s32 $0xFFFFE700  }
0x2b: {  	[spmem:s2] =	stream.indirect.scatter.add.f32 [tilespmem:s13], [sflag:$0x6], $0x80, s18, s12, $0xb8;
	[tilespmem:$0x1E8C0] =	vst v63  }
0x2c: {  	_ =	swait.ge [sflag:s25], $0x1900  }
0x2d: {  	[sflag:s25] =	ssyncset.done $0x0  }
0x2e: {  	s14 =	simm.s32 $0x118;
	[sflag:s25] =	ssyncadd.s32 $0xFFFFE700  }
0x2f: {  	[tilespmem:s13], [sflag:$0x1] =	stream.indirect.gather [hbm4b:s4+s12], $0x80, s14, s12, $0xb8;
	[tilespmem:$0x1E8C0] =	vst v63  }
0x30: {  	_ =	swait.ge [sflag:s26], $0x1900  }
0x31: {  	[sflag:s26] =	ssyncset.done $0x0  }
0x32: {  	s20 =	simm.s32 $0x1618;
	[sflag:s26] =	ssyncadd.s32 $0xFFFFE700  }
0x33: {  	[spmem:s2] =	stream.indirect.scatter.add.f32 [tilespmem:s15], [sflag:$0x7], $0x80, s20, s12, $0xb8;
	[tilespmem:$0x1E8C0] =	vst v63  }
0x34: {  	_ =	swait.ge [sflag:s28], $0x1900  }
0x35: {  	[sflag:s28] =	ssyncset.done $0x0  }
0x36: {  	s14 =	simm.s32 $0x150;
	[sflag:s28] =	ssyncadd.s32 $0xFFFFE700  }
0x37: {  	[tilespmem:s15], [sflag:$0x2] =	stream.indirect.gather [hbm4b:s4+s12], $0x80, s14, s12, $0xb8;
	[tilespmem:$0x1E8C0] =	vst v63  }
0x38: {  	_ =	swait.ge [sflag:s29], $0x1900  }
0x39: {  	[sflag:s29] =	ssyncset.done $0x0  }
0x3a: {  	s20 =	simm.s32 $0x1650;
	[sflag:s29] =	ssyncadd.s32 $0xFFFFE700  }
0x3b: {  	[spmem:s2] =	stream.indirect.scatter.add.f32 [tilespmem:s17], [sflag:$0x8], $0x80, s20, s12, $0xb8;
	[tilespmem:$0x1E8C0] =	vst v63  }
0x3c: {  	_ =	swait.ge [sflag:s30], $0x1900  }
0x3d: {  	[sflag:s30] =	ssyncset.done $0x0  }
0x3e: {  	s14 =	simm.s32 $0x188;
	[sflag:s30] =	ssyncadd.s32 $0xFFFFE700  }
0x3f: {  	[tilespmem:s17], [sflag:$0x3] =	stream.indirect.gather [hbm4b:s4+s12], $0x80, s14, s12, $0xb8;
	[tilespmem:$0x1E8C0] =	vst v63  }
0x40: {  	_ =	swait.ge [sflag:s31], $0x1900  }
0x41: {  	[sflag:s31] =	ssyncset.done $0x0  }
0x42: {  	s20 =	simm.s32 $0x1688;
	[sflag:s31] =	ssyncadd.s32 $0xFFFFE700  }
0x43: {  	[spmem:s2] =	stream.indirect.scatter.add.f32 [tilespmem:s19], [sflag:$0x9], $0x80, s20, s12, $0xb8;
	[tilespmem:$0x1E8C0] =	vst v63  }
0x44: {  	_ =	swait.ge [sflag:s0], $0x1900  }
0x45: {  	[sflag:s0] =	ssyncset.done $0x0  }
0x46: {  	s14 =	simm.s32 $0x1C0;
	[sflag:s0] =	ssyncadd.s32 $0xFFFFE700  }
0x47: {  	[tilespmem:s19], [sflag:$0x4] =	stream.indirect.gather [hbm4b:s4+s12], $0x80, s14, s12, $0xb8;
	[tilespmem:$0x1E8C0] =	vst v63  }
0x48: {  	_ =	swait.ge [sflag:s1], $0x1900  }
0x49: {  	[sflag:s1] =	ssyncset.done $0x0  }
0x4a: {  	s20 =	simm.s32 $0x16C0;
	[sflag:s1] =	ssyncadd.s32 $0xFFFFE700  }
0x4b: {  	[spmem:s2] =	stream.indirect.scatter.add.f32 [tilespmem:s21], [sflag:$0xA], $0x80, s20, s12, $0xb8;
	[tilespmem:$0x1E8C0] =	vst v63  }
0x4c: {  	_ =	swait.ge [sflag:s11], $0x1900  }
0x4d: {  	[sflag:s11] =	ssyncset.done $0x0  }
0x4e: {  	s18 =	simm.s32 $0x460;
	s20 =	simm.s32 $0x1F8;
	[sflag:s11] =	ssyncadd.s32 $0xFFFFE700  }
.LBB2_2:
0x4f: {  	[tilespmem:s21], [sflag:$0x5] =	stream.indirect.gather [hbm4b:s4+s12], $0x80, s20, s12, $0xb8;
	[tilespmem:$0x1E8C0] =	vst v63  }
0x50: {  	s20 =	smov.u32 s18  }
0x51: {  	p0 =	sne.s32 s18, $0x4EC0;
	s18 =	sadd.s32 $0x460, s18;
	_ =	swait.ge [sflag:s24], $0x1900  }
0x52: {  	s20 =	sshra.s32 s20, $0x2;
	[sflag:s24] =	ssyncset.done $0x0  }
0x53: {  	s14 =	sadd.s32 $0x15E0, s20;
	[sflag:s24] =	ssyncadd.s32 $0xFFFFE700  }
0x54: {  	[spmem:s2] =	stream.indirect.scatter.add.f32 [tilespmem:s13], [sflag:$0x6], $0x80, s14, s12, $0xb8;
	[tilespmem:$0x1E8C0] =	vst v63  }
0x55: {  	_ =	swait.ge [sflag:s25], $0x1900  }
0x56: {  	[sflag:s25] =	ssyncset.done $0x0  }
0x57: {  	s14 =	sadd.s32 $0x118, s20;
	[sflag:s25] =	ssyncadd.s32 $0xFFFFE700  }
0x58: {  	[tilespmem:s13], [sflag:$0x1] =	stream.indirect.gather [hbm4b:s4+s12], $0x80, s14, s12, $0xb8;
	[tilespmem:$0x1E8C0] =	vst v63  }
0x59: {  	_ =	swait.ge [sflag:s26], $0x1900  }
0x5a: {  	[sflag:s26] =	ssyncset.done $0x0  }
0x5b: {  	s14 =	sadd.s32 $0x1618, s20;
	[sflag:s26] =	ssyncadd.s32 $0xFFFFE700  }
0x5c: {  	[spmem:s2] =	stream.indirect.scatter.add.f32 [tilespmem:s15], [sflag:$0x7], $0x80, s14, s12, $0xb8;
	[tilespmem:$0x1E8C0] =	vst v63  }
0x5d: {  	_ =	swait.ge [sflag:s28], $0x1900  }
0x5e: {  	[sflag:s28] =	ssyncset.done $0x0  }
0x5f: {  	s14 =	sadd.s32 $0x150, s20;
	[sflag:s28] =	ssyncadd.s32 $0xFFFFE700  }
0x60: {  	[tilespmem:s15], [sflag:$0x2] =	stream.indirect.gather [hbm4b:s4+s12], $0x80, s14, s12, $0xb8;
	[tilespmem:$0x1E8C0] =	vst v63  }
0x61: {  	_ =	swait.ge [sflag:s29], $0x1900  }
0x62: {  	[sflag:s29] =	ssyncset.done $0x0  }
0x63: {  	s14 =	sadd.s32 $0x1650, s20;
	[sflag:s29] =	ssyncadd.s32 $0xFFFFE700  }
0x64: {  	[spmem:s2] =	stream.indirect.scatter.add.f32 [tilespmem:s17], [sflag:$0x8], $0x80, s14, s12, $0xb8;
	[tilespmem:$0x1E8C0] =	vst v63  }
0x65: {  	_ =	swait.ge [sflag:s30], $0x1900  }
0x66: {  	[sflag:s30] =	ssyncset.done $0x0  }
0x67: {  	s14 =	sadd.s32 $0x188, s20;
	[sflag:s30] =	ssyncadd.s32 $0xFFFFE700  }
0x68: {  	[tilespmem:s17], [sflag:$0x3] =	stream.indirect.gather [hbm4b:s4+s12], $0x80, s14, s12, $0xb8;
	[tilespmem:$0x1E8C0] =	vst v63  }
0x69: {  	_ =	swait.ge [sflag:s31], $0x1900  }
0x6a: {  	[sflag:s31] =	ssyncset.done $0x0  }
0x6b: {  	s14 =	sadd.s32 $0x1688, s20;
	[sflag:s31] =	ssyncadd.s32 $0xFFFFE700  }
0x6c: {  	[spmem:s2] =	stream.indirect.scatter.add.f32 [tilespmem:s19], [sflag:$0x9], $0x80, s14, s12, $0xb8;
	[tilespmem:$0x1E8C0] =	vst v63  }
0x6d: {  	_ =	swait.ge [sflag:s0], $0x1900  }
0x6e: {  	[sflag:s0] =	ssyncset.done $0x0  }
0x6f: {  	s14 =	sadd.s32 $0x1C0, s20;
	[sflag:s0] =	ssyncadd.s32 $0xFFFFE700  }
0x70: {  	[tilespmem:s19], [sflag:$0x4] =	stream.indirect.gather [hbm4b:s4+s12], $0x80, s14, s12, $0xb8;
	[tilespmem:$0x1E8C0] =	vst v63  }
0x71: {  	_ =	swait.ge [sflag:s1], $0x1900  }
0x72: {  	[sflag:s1] =	ssyncset.done $0x0  }
.Ltmp0:
0x73: {  	s14 =	sadd.s32 $0x16C0, s20;
	[sflag:s1] =	ssyncadd.s32 $0xFFFFE700;
	(pc) =	sbr.rel @p0 .LBB2_2-.Ltmp0, $4  }
0x74: {  	[spmem:s2] =	stream.indirect.scatter.add.f32 [tilespmem:s21], [sflag:$0xA], $0x80, s14, s12, $0xb8;
	[tilespmem:$0x1E8C0] =	vst v63  }
0x75: {  	_ =	swait.ge [sflag:s11], $0x1900  }
0x76: {  	[sflag:s11] =	ssyncset.done $0x0  }
0x77: {  	s20 =	sadd.s32 $0x1F8, s20;
	[sflag:s11] =	ssyncadd.s32 $0xFFFFE700  }
0x78: {  	[tilespmem:s21], [sflag:$0x5] =	stream.indirect.gather [hbm4b:s4+s12], $0x80, s20, s12, $0xb8;
	[tilespmem:$0x1E8C0] =	vst v63  }
0x79: {  	_ =	swait.ge [sflag:s24], $0x1900  }
0x7a: {  	[sflag:s24] =	ssyncset.done $0x0  }
0x7b: {  	s14 =	simm.s32 $0x2AA8;
	[sflag:s24] =	ssyncadd.s32 $0xFFFFE700  }
0x7c: {  	[spmem:s2] =	stream.indirect.scatter.add.f32 [tilespmem:s13], [sflag:$0x6], $0x80, s14, s12, $0xb8;
	[tilespmem:$0x1E8C0] =	vst v63  }
0x7d: {  	_ =	swait.ge [sflag:s26], $0x1900  }
0x7e: {  	[sflag:s26] =	ssyncset.done $0x0  }
0x7f: {  	s18 =	simm.s32 $0x2AE0;
	[sflag:s26] =	ssyncadd.s32 $0xFFFFE700  }
0x80: {  	[spmem:s2] =	stream.indirect.scatter.add.f32 [tilespmem:s15], [sflag:$0x7], $0x80, s18, s12, $0xb8;
	[tilespmem:$0x1E8C0] =	vst v63  }
0x81: {  	_ =	swait.ge [sflag:s29], $0x1900  }
0x82: {  	[sflag:s29] =	ssyncset.done $0x0  }
0x83: {  	s20 =	simm.s32 $0x2B18;
	[sflag:s29] =	ssyncadd.s32 $0xFFFFE700  }
0x84: {  	[spmem:s2] =	stream.indirect.scatter.add.f32 [tilespmem:s17], [sflag:$0x8], $0x80, s20, s12, $0xb8;
	[tilespmem:$0x1E8C0] =	vst v63  }
0x85: {  	_ =	swait.ge [sflag:s31], $0x1900  }
0x86: {  	[sflag:s31] =	ssyncset.done $0x0  }
0x87: {  	s18 =	simm.s32 $0x2B50;
	[sflag:s31] =	ssyncadd.s32 $0xFFFFE700  }
0x88: {  	[spmem:s2] =	stream.indirect.scatter.add.f32 [tilespmem:s19], [sflag:$0x9], $0x80, s18, s12, $0xb8;
	[tilespmem:$0x1E8C0] =	vst v63  }
0x89: {  	_ =	swait.ge [sflag:s1], $0x1900  }
0x8a: {  	[sflag:s1] =	ssyncset.done $0x0  }
0x8b: {  	s20 =	simm.s32 $0x2B88;
	[sflag:s1] =	ssyncadd.s32 $0xFFFFE700  }
0x8c: {  	[spmem:s2] =	stream.indirect.scatter.add.f32 [tilespmem:s21], [sflag:$0xA], $0x80, s20, s12, $0xb8;
	[tilespmem:$0x1E8C0] =	vst v63  }
0x8d: {  	_ =	swait.ge [sflag:s25], $0x1900  }
0x8e: {  	[sflag:s25] =	ssyncset.done $0x0  }
0x8f: {  	[sflag:s25] =	ssyncadd.s32 $0xFFFFE700  }
0x90: {  	_ =	swait.ge [sflag:s28], $0x1900  }
0x91: {  	[sflag:s28] =	ssyncset.done $0x0  }
0x92: {  	[sflag:s28] =	ssyncadd.s32 $0xFFFFE700  }
0x93: {  	_ =	swait.ge [sflag:s30], $0x1900  }
0x94: {  	[sflag:s30] =	ssyncset.done $0x0  }
0x95: {  	[sflag:s30] =	ssyncadd.s32 $0xFFFFE700  }
0x96: {  	_ =	swait.ge [sflag:s0], $0x1900  }
0x97: {  	[sflag:s0] =	ssyncset.done $0x0  }
0x98: {  	[sflag:s0] =	ssyncadd.s32 $0xFFFFE700  }
0x99: {  	_ =	swait.ge [sflag:s11], $0x1900  }
0x9a: {  	s16 =	sadd.s32 $0x1, s16;
	[sflag:s11] =	ssyncset.done $0x0  }
0x9b: {  	p0 =	sne.s32 s16, s9;
	[sflag:s11] =	ssyncadd.s32 $0xFFFFE700  }
.Ltmp1:
0x9c: {  	[bflag:$0x0] =	sbarrier.arrive $0xFFFF;
	(pc) =	sbr.rel @p0 .LBB2_1-.Ltmp1, $4  }
0x9d: {  	[hbm:s8], [sflag:s22] =	dma.local [spmem:s23], $0x2800  }
0x9e: {  	_ =	swait.ge [sflag:s10], $0x2800  }
0x9f: {  	[sflag:s10] =	ssyncset.done $0x0  }
0xa0: {  	[sflag:s10] =	ssyncadd.s32 $0xFFFFD800  }
0xa1: {  	_ =	sfence.sel $0x180000  }
0xa2: {  	[bflag:$0x0] =	sbarrier.arrive $0xFFFF  }
0xa3: {  	_ =	strace $0x9000004A  }
0xa4: {  	s0 =	stileid.u32;
	[bflag:$0x2] =	sbarrier.arrive $0xFFFF  }
0xa5: {  	p0 =	sne.s32 s0, $0x0;
	s0 =	rddreg [dreg:$0x2]  }
0xa6: {  	s0 =	sadd.s32 @!p0 $0x100000, s0  }
0xa7: {  	[sflag:s0] =	ssyncadd.tile.s32 @!p0 $0x1;
	_ =	shalt  }
.Lfunc_end2:
_tile_overlayer_lowered:
.L_overlay_start_2:
0xa8: {  	(tag) =	ssettag $0x2  }
0xa9: {  	s0 =	rddreg [dreg:$0x0];
	s2 =	stileid.u32  }
0xaa: {  	s1 =	rddreg [dreg:$0x1];
	p0 =	sne.s32 s2, $0x0  }
0xab: {  	s3 =	rddreg [dreg:$0x2];
	[bflag:$0x3] =	sbarrier.arrive $0xFFFF;
	s2 =	simm.s32 @!p0 $0x1C0B  }
0xac: {  	[timem:s3], [sflag:s2] =	dma.local @!p0 [hbm:s0], s1  }
0xad: {  	s0 =	simm.s32 @!p0 $0xB  }
0xae: {  	_ =	swait.ge @!p0 [sflag:s0], s1  }
0xaf: {  	s1 =	ssub.s32 @!p0 $0x0, s1;
	[sflag:s0] =	ssyncset.done @!p0 $0x0  }
0xb0: {  	[sflag:s0] =	ssyncadd.s32 @!p0 s1  }
0xb1: {  	[bflag:$0x3] =	sbarrier.arrive $0xFFFF  }
0xb2: {  	_ =	shalt  }

// kernel: kernel.16.cloned.1.call-start
scs
__scs_entry_jumppad:
0x0: {  	(pc) =	sbr.rel $0x88, $3  }
0x1: {  	(tag) =	ssettag $0x0;
	lr =	simm.s32 $0x1  }
0x2: {  	[smem:$0x3F96] =	sst lr;
	_ =	strace $0xD0000000  }
0x3: {  	_ = 	snop  }
0x4: {  	_ = 	snop  }
0x5: {  	_ = 	snop  }
0x6: {  	_ = 	snop  }
0x7: {  	_ = 	snop  }
__scs_overlays_trampoline_lowered:
0x8: {  	[smem:$0x3FA5] =	sst s0  }
0x9: {  	[smem:$0x3FA6] =	sst s1  }
0xa: {  	[smem:$0x3FA7] =	sst s2  }
0xb: {  	[smem:$0x3FA8] =	sst s3  }
0xc: {  	[smem:$0x3FA9] =	sst s4  }
0xd: {  	[smem:$0x3FAA] =	sst s5  }
0xe: {  	[smem:$0x3FAB] =	sst s6  }
0xf: {  	[smem:$0x3FAC] =	sst s7  }
0x10: {  	[smem:$0x3FAD] =	sst s8  }
0x11: {  	[smem:$0x3FAE] =	sst s9;
	s0 =	simm.s32 @!p0 $0x0  }
0x12: {  	s1 =	sld [smem:$0x3F94];
	s0 =	simm.s32 @p0 $0x1  }
0x13: {  	[smem:$0x3FAF] =	sst s0;
	s0 =	simm.s32 @!p1 $0x0  }
0x14: {  	s2 =	sld [smem:$0x3F93];
	s0 =	simm.s32 @p1 $0x1  }
0x15: {  	[smem:$0x3FB0] =	sst s0;
	s0 =	simm.s32 @!p2 $0x0  }
0x16: {  	s3 =	sld [smem:$0x3FDB];
	s0 =	simm.s32 @p2 $0x1  }
0x17: {  	s4 =	simm.s32 $0x1BF5;
	[smem:$0x3FB2] =	sst s0  }
0x18: {  	s0 =	sld [smem:$0x3F95];
	_ =	swait.ge [sflag:s4], $0x0  }
0x19: {  	s7 =	sld [smem:$0x3F96]  }
0x1a: {  	s8 =	sadd.s32 $0xFFFFE003, lr  }
0x1b: {  	s9 =	sadd.s32 $0xFFFFFEF7, lr;
	s5 =	simm.s32 $0xFFFFFFFF;
	p2 =	slt.u32 s8, $0xFFFFF086  }
0x1c: {  	p1 =	slt.u32 s9, $0xF7A;
	s5 =	simm.s32 @!p2 $0x0  }
0x1d: {  	s5 =	simm.s32 @p1 $0x1;
	p0 =	seq.s32 s7, s2  }
0x1e: {  	s7 =	smul.u32 @!p0 $0xF7A, s2;
	p2 =	seq.s32 @!p0 s5, $0x0  }
0x1f: {  	s9 =	smul.u32 $0xF7A, s1;
	s8 =	simm.s32 @!p0 $0x1BF5;
	p2 =	por !p2, p0  }
0x20: {  	[sflag:s8] =	ssyncset.s32 @!p0 $0xFFFFF086;
	s6 =	sadd.s32 @!p0 s3, s7;
	s7 =	simm.s32 @!p0 $0x108  }
0x21: {  	s3 =	sadd.s32 s3, s9;
	s6 =	sadd.s32 @!p0 $0x88, s6;
	s7 =	simm.s32 @p2 $0x1082  }
0x22: {  	[simem:s7], [sflag:s8] =	dma.local @!p0 [hbm:s6], $0xF7A  }
0x23: {  	s9 =	sor.u32 $0xD0000000, s2;
	s6 =	simm.s32 $0x108;
	_ =	swait.ge @!p0 [sflag:s8], $0x0  }
0x24: {  	s3 =	sadd.s32 $0x88, s3;
	s6 =	simm.s32 @!p1 $0x1082;
	[sflag:s4] =	ssyncset.s32 $0xFFFFF086  }
0x25: {  	[simem:s6], [sflag:s4] =	dma.local [hbm:s3], $0xF7A  }
0x26: {  	[smem:$0x3F96] =	sst s1;
	(tag) =	ssettag s2;
	_ =	strace s9  }
0x27: {  	s1 =	sld [smem:$0x3FA6]  }
0x28: {  	s2 =	sld [smem:$0x3FA7]  }
0x29: {  	s4 =	sld [smem:$0x3FA9]  }
0x2a: {  	p0 =	seq.s32 s5, $0x0;
	s5 =	sld [smem:$0x3FAA]  }
0x2b: {  	s6 =	sld [smem:$0x3FAB]  }
0x2c: {  	s7 =	sld [smem:$0x3FAC]  }
0x2d: {  	s3 =	simm.s32 $0x108;
	s8 =	sld [smem:$0x3FAD]  }
0x2e: {  	s3 =	simm.s32 @!p0 $0x1082;
	s9 =	sld [smem:$0x3FAE]  }
0x2f: {  	lr =	sadd.s32 s0, s3;
	s0 =	sld [smem:$0x3FA5]  }
0x30: {  	s3 =	sld [smem:$0x3FA8]  }
0x31: {  	[smem:$0x3FB1] =	sst s10  }
0x32: {  	s10 =	sld [smem:$0x3FAF];
	_ =	sdelay $0x3  }
0x33: {  	p0 =	seq.s32 s10, $0x1;
	s10 =	sld [smem:$0x3FB1];
	_ =	sdelay $0x3  }
0x34: {  	[smem:$0x3FB1] =	sst s10  }
0x35: {  	s10 =	sld [smem:$0x3FB0];
	_ =	sdelay $0x3  }
0x36: {  	p1 =	seq.s32 s10, $0x1;
	s10 =	sld [smem:$0x3FB1];
	_ =	sdelay $0x3  }
0x37: {  	[smem:$0x3FB1] =	sst s10  }
0x38: {  	s10 =	sld [smem:$0x3FB2]  }
0x39: {  	_ = 	snop;
	(pc) =	sbr.ind lr, $3  }
0x3a: {  	_ = 	snop  }
0x3b: {  	_ = 	snop  }
0x3c: {  	p2 =	seq.s32 s10, $0x1;
	s10 =	sld [smem:$0x3FB1]  }
0x3d: {  	_ =	shalt  }
0x3e: {  	_ =	shalt  }
0x3f: {  	_ =	shalt  }
0x40: {  	_ =	shalt  }
0x41: {  	_ =	shalt  }
0x42: {  	_ =	shalt  }
0x43: {  	_ =	shalt  }
0x44: {  	_ =	shalt  }
0x45: {  	_ =	shalt  }
0x46: {  	_ =	shalt  }
0x47: {  	_ =	shalt  }
0x48: {  	_ =	shalt  }
0x49: {  	_ =	shalt  }
0x4a: {  	_ =	shalt  }
0x4b: {  	_ =	shalt  }
0x4c: {  	_ =	shalt  }
0x4d: {  	_ =	shalt  }
0x4e: {  	_ =	shalt  }
0x4f: {  	_ =	shalt  }
0x50: {  	_ =	shalt  }
0x51: {  	_ =	shalt  }
0x52: {  	_ =	shalt  }
0x53: {  	_ =	shalt  }
0x54: {  	_ =	shalt  }
0x55: {  	_ =	shalt  }
0x56: {  	_ =	shalt  }
0x57: {  	_ =	shalt  }
0x58: {  	_ =	shalt  }
0x59: {  	_ =	shalt  }
0x5a: {  	_ =	shalt  }
0x5b: {  	_ =	shalt  }
0x5c: {  	_ =	shalt  }
0x5d: {  	_ =	shalt  }
0x5e: {  	_ =	shalt  }
0x5f: {  	_ =	shalt  }
0x60: {  	_ =	shalt  }
0x61: {  	_ =	shalt  }
0x62: {  	_ =	shalt  }
0x63: {  	_ =	shalt  }
0x64: {  	_ =	shalt  }
0x65: {  	_ =	shalt  }
0x66: {  	_ =	shalt  }
0x67: {  	_ =	shalt  }
0x68: {  	_ =	shalt  }
0x69: {  	_ =	shalt  }
0x6a: {  	_ =	shalt  }
0x6b: {  	_ =	shalt  }
0x6c: {  	_ =	shalt  }
0x6d: {  	_ =	shalt  }
0x6e: {  	_ =	shalt  }
0x6f: {  	_ =	shalt  }
0x70: {  	_ =	shalt  }
0x71: {  	_ =	shalt  }
0x72: {  	_ =	shalt  }
0x73: {  	_ =	shalt  }
0x74: {  	_ =	shalt  }
0x75: {  	_ =	shalt  }
0x76: {  	_ =	shalt  }
0x77: {  	_ =	shalt  }
0x78: {  	_ =	shalt  }
0x79: {  	_ =	shalt  }
0x7a: {  	_ =	shalt  }
0x7b: {  	_ =	shalt  }
0x7c: {  	_ =	shalt  }
0x7d: {  	_ =	shalt  }
0x7e: {  	_ =	shalt  }
0x7f: {  	_ =	shalt  }
0x80: {  	_ =	shalt  }
0x81: {  	_ =	shalt  }
0x82: {  	_ =	shalt  }
0x83: {  	_ =	shalt  }
0x84: {  	_ =	shalt  }
0x85: {  	_ =	shalt  }
0x86: {  	_ =	shalt  }
0x87: {  	_ =	shalt  }
.Lfunc_end0:
.L_simem_size_0:
called_computation.2_lowered:
.L_overlay_start_0:
0x88: {  	s2 =	sld [smem:$0x3FD9]  }
0x89: {  	s3 =	sld [smem:$0x3FFE];
	_ =	sdelay $0x1  }
0x8a: {  	s1 =	srdreg.scid  }
0x8b: {  	s0 =	sand.u32 $0x1, s1  }
0x8c: {  	s16 =	sshll.u32 s0, $0xA;
	s2 =	sadd.s32 s3, s2  }
0x8d: {  	s2 =	sadd.s32 s2, s16  }
0x8e: {  	[smem:$0x3FBD] =	sst s2  }
0x8f: {  	_ = 	snop  }
0x90: {  	(tm) =	ssettm $0x1  }
0x91: {  	s17 =	sld [smem:$0x3FFB];
	_ =	sdelay $0x3  }
0x92: {  	_ =	strace s17  }
0x93: {  	s2 =	sld [smem:$0x3FFC];
	_ =	sdelay $0x3  }
0x94: {  	_ =	strace s2  }
0x95: {  	s2 =	sld [smem:$0x3FFD];
	_ =	sdelay $0x3  }
0x96: {  	_ =	strace s2  }
0x97: {  	_ =	strace $0x8FFFFFFF  }
0x98: {  	s18 =	sld [smem:$0x3FDB];
	_ =	sdelay $0x1  }
0x99: {  	s19 =	simm.s32 $_scs_section_size  }
0x9a: {  	s4 =	simm.s32 $_size__tile_overlayer_lowered;
	s5 =	simm.s32 $_tile_overlayer_lowered  }
0x9b: {  	s22 =	simm.s32 $0x1BFF;
	s21 =	sshll.u32 s5, $0x1;
	s2 =	sadd.s32 s19, s18  }
0x9c: {  	s6 =	simm.s32 $0x0;
	s20 =	sshll.u32 s4, $0x1;
	s4 =	sadd.s32 s21, s2  }
0x9d: {  	[timem:s6], [sflag:s22] =	dma.local [hbm:s4], s20  }
0x9e: {  	_ =	swait.ge [sflag:s22], s20  }
0x9f: {  	s3 =	ssub.s32 $0x0, s20;
	[sflag:s22] =	ssyncset.done $0x0  }
0xa0: {  	[sflag:s22] =	ssyncadd.s32 s3;
	_ =	sdelay $0x1  }
0xa1: {  	s23 =	simm.s32 $0x1B8B  }
0xa2: {  	_ =	swait.ge [sflag:s23], $0x1  }
0xa3: {  	[sflag:s23] =	ssyncset.done $0x0  }
0xa4: {  	s25 =	simm.s32 $0x1B8E;
	s24 =	sld [smem:$0x3FFE];
	[sflag:s23] =	ssyncadd.s32 $0xFFFFFFFF  }
0xa5: {  	s26 =	simm.s32 $execute0_lowered;
	[smem:$0x3FD2] =	sst s25  }
0xa6: {  	s4 =	sshll.u32 s26, $0x1;
	_ =	strace $0x8000004C;
	[dreg:$0x1] =	wrdreg $0xFFFFFFFF  }
0xa7: {  	s28 =	simm.s32 $_size_execute0_lowered;
	s2 =	sadd.s32 s2, s4;
	[dreg:$0x0] =	wrdreg $0x0  }
0xa8: {  	s4 =	sshll.u32 s28, $0x1;
	[dreg:$0x2] =	wrdreg s2  }
0xa9: {  	[dreg:$0x3] =	wrdreg s4  }
0xaa: {  	[dreg:$0x4] =	wrdreg $0xC0  }
0xab: {  	_ =	task [dreg:s6], $0x5FFFF  }
0xac: {  	[dreg:$0x1] =	wrdreg $0xFFFFFFFF  }
0xad: {  	[dreg:$0x0] =	wrdreg $0x60  }
0xae: {  	[dreg:$0x2] =	wrdreg s24  }
0xaf: {  	[dreg:$0x3] =	wrdreg $0xA8C00  }
0xb0: {  	[dreg:$0x4] =	wrdreg $0x9  }
0xb1: {  	_ =	task.clear_ibuf [dreg:s6], $0x5FFFF;
	_ =	strace $0x9000004C  }
0xb2: {  	s29 =	simm.s32 $0x9;
	_ =	strace $0x8000004E  }
0xb3: {  	_ =	swait.ge [sflag:s29], $0x1  }
0xb4: {  	[sflag:s29] =	ssyncadd.s32 $0xFFFFFFFF  }
0xb5: {  	_ =	strace $0x9000004E  }
0xb6: {  	_ =	sfence  }
0xb7: {  	s30 =	sld [smem:$0x0];
	_ =	sdelay $0x2  }
0xb8: {  	s31 =	sshll.u32 s1, $0xD;
	s1 =	sshrl.u32 s1, $0x2  }
0xb9: {  	s3 =	sand.u32 $0x4000, s31;
	s1 =	sadd.s32 s1, s30  }
0xba: {  	s0 =	sor.u32 s3, s0;
	s1 =	sshll.u32 s1, $0x11  }
0xbb: {  	s0 =	sor.u32 s1, s0  }
0xbc: {  	s0 =	sadd.s32 $0x8F2B, s0  }
0xbd: {  	[sflag:s0] =	ssyncadd.remote.s32 $0x1  }
0xbe: {  	_ =	sfence.sel $0xFFFF  }
0xbf: {  	[dreg:$0x0] =	wrdreg $0xFFFFFFFF;
	(pc) =	sbr.abs _section_cstart, $3  }
0xc0: {  	[dreg:$0x1] =	wrdreg $0xFFFFFFFF  }
0xc1: {  	_ =	task.clear_ibuf [dreg:s6], $0x2FFFF;
	_ =	strace $0x9FFFFFFF  }
0xc2: {  	(tm) =	ssettm $0x7FFFFFFF  }
0xc3: {  	_ =	shalt  }
tec
execute0_lowered:
.L_overlay_start_1:
0x0: {  	(tag) =	ssettag $0x1  }
0x1: {  	s0 =	rddreg [dreg:$0x0]  }
0x2: {  	s2 =	rddreg [dreg:$0x1];
	s3 =	simm.s32 $0x0  }
0x3: {  	s1 =	srdreg.scid;
	s14 =	stileid.u32;
	s10 =	simm.s32 $0xB  }
0x4: {  	s12 =	simm.s32 $0x32;
	s13 =	simm.s32 $0x2BC0;
	s15 =	simm.s32 $0x44C0  }
0x5: {  	s17 =	simm.s32 $0x5DC0;
	s19 =	simm.s32 $0x76C0;
	s21 =	simm.s32 $0x8FC0  }
0x6: {  	s24 =	simm.s32 $0x1;
	s28 =	simm.s32 $0x7;
	s29 =	simm.s32 $0x3  }
0x7: {  	s30 =	simm.s32 $0x8;
	s31 =	simm.s32 $0x4;
	s16 =	simm.s32 $0x0  }
0x8: {  	s1 =	sand.u32 $0x1, s1;
	s4 =	sshll.u32 s14, $0x1;
	s8 =	smul.u32 $0x14000, s14  }
0x9: {  	[smem:$0x7FF] =	sst s3;
	s26 =	sshll.u32 s14, $0x6;
	s4 =	sor.u32 s1, s4  }
0xa: {  	s5 =	smul.u32 $0x140000, s1;
	_ =	strace $0x8000004D;
	s1 =	ssub.s32 $0x2, s1  }
0xb: {  	s22 =	sor.u32 $0x1C0B, s26;
	s26 =	simm.s32 $0x2;
	s6 =	smul.u32 $0x2BC, s4  }
0xc: {  	s4 =	sadd.s32 $0x1CE00, s0;
	s9 =	sshrl.u32 s1, $0x1;
	s11 =	sadd.s32 s8, s2  }
0xd: {  	s5 =	sadd.s32 s8, s5;
	s1 =	ssub.s32 s1, s9;
	s23 =	sshrl.u32 s11, $0x3  }
0xe: {  	s11 =	simm.s32 $0xA;
	s7 =	sadd.s32 s6, s0;
	s25 =	sshrl.u32 s5, $0x3  }
0xf: {  	s5 =	sadd.s32 $0x7600, s0;
	s9 =	smax.u32 s1, $0x1;
	s1 =	simm.s32 $0x5  }
0x10: {  	s0 =	sadd.s32 s25, s0;
	s6 =	sadd.s32 $0x17600, s7;
	s7 =	sadd.s32 $0x11E00, s7  }
0x11: {  	s25 =	simm.s32 $0x6;
	s8 =	sadd.s32 $0x44000, s0;
	s0 =	simm.s32 $0x9  }
.LBB2_1:
0x12: {  	[tilespmem:s3], [sflag:$0xB] =	stream.linear.gather [hbm4b:s6+s3], $0x15E0, $0x38;
	[tilespmem:$0x1E8C0] =	vst v63  }
0x13: {  	_ =	swait.ge [sflag:s10], $0x15E0  }
0x14: {  	[sflag:s10] =	ssyncset.done $0x0  }
0x15: {  	s14 =	simm.s32 $0x15E0;
	[sflag:s10] =	ssyncadd.s32 $0xFFFFEA20  }
0x16: {  	[tilespmem:s14], [sflag:$0xB] =	stream.linear.gather [hbm4b:s7+s3], $0x15E0, $0x38;
	[tilespmem:$0x1E8C0] =	vst v63  }
0x17: {  	_ =	swait.ge [sflag:s10], $0x15E0  }
0x18: {  	[sflag:s10] =	ssyncset.done $0x0  }
0x19: {  	[sflag:s10] =	ssyncadd.s32 $0xFFFFEA20  }
0x1a: {  	[tilespmem:s13], [sflag:$0x1] =	stream.indirect.gather [hbm4b:s4+s12], $0x80, s3, s12, $0xb8;
	[tilespmem:$0x1E8C0] =	vst v63  }
0x1b: {  	s18 =	simm.s32 $0x38  }
0x1c: {  	[tilespmem:s15], [sflag:$0x2] =	stream.indirect.gather [hbm4b:s4+s12], $0x80, s18, s12, $0xb8;
	[tilespmem:$0x1E8C0] =	vst v63  }
0x1d: {  	s20 =	simm.s32 $0x70  }
0x1e: {  	[tilespmem:s17], [sflag:$0x3] =	stream.indirect.gather [hbm4b:s4+s12], $0x80, s20, s12, $0xb8;
	[tilespmem:$0x1E8C0] =	vst v63  }
0x1f: {  	s18 =	simm.s32 $0xA8  }
0x20: {  	[tilespmem:s19], [sflag:$0x4] =	stream.indirect.gather [hbm4b:s4+s12], $0x80, s18, s12, $0xb8;
	[tilespmem:$0x1E8C0] =	vst v63  }
0x21: {  	s20 =	simm.s32 $0xE0  }
0x22: {  	[tilespmem:s21], [sflag:$0x5] =	stream.indirect.gather [hbm4b:s4+s12], $0x80, s20, s12, $0xb8;
	[tilespmem:$0x1E8C0] =	vst v63  }
0x23: {  	[spmem:s23], [sflag:s22] =	dma.local [hbm:s5], $0x2800  }
0x24: {  	_ =	swait.ge [sflag:s10], $0x2800  }
0x25: {  	[sflag:s10] =	ssyncset.done $0x0  }
0x26: {  	[sflag:s10] =	ssyncadd.s32 $0xFFFFD800  }
0x27: {  	[bflag:$0x0] =	sbarrier.arrive $0xFFFF  }
0x28: {  	_ =	swait.ge [sflag:s24], $0x1900  }
0x29: {  	[sflag:s24] =	ssyncset.done $0x0  }
0x2a: {  	s18 =	simm.s32 $0x15E0;
	[sflag:s24] =	ssyncadd.s32 $0xFFFFE700  }
0x2b: {  	[spmem:s2] =	stream.indirect.scatter.add.f32 [tilespmem:s13], [sflag:$0x6], $0x80, s18, s12, $0xb8;
	[tilespmem:$0x1E8C0] =	vst v63  }
0x2c: {  	_ =	swait.ge [sflag:s25], $0x1900  }
0x2d: {  	[sflag:s25] =	ssyncset.done $0x0  }
0x2e: {  	s14 =	simm.s32 $0x118;
	[sflag:s25] =	ssyncadd.s32 $0xFFFFE700  }
0x2f: {  	[tilespmem:s13], [sflag:$0x1] =	stream.indirect.gather [hbm4b:s4+s12], $0x80, s14, s12, $0xb8;
	[tilespmem:$0x1E8C0] =	vst v63  }
0x30: {  	_ =	swait.ge [sflag:s26], $0x1900  }
0x31: {  	[sflag:s26] =	ssyncset.done $0x0  }
0x32: {  	s20 =	simm.s32 $0x1618;
	[sflag:s26] =	ssyncadd.s32 $0xFFFFE700  }
0x33: {  	[spmem:s2] =	stream.indirect.scatter.add.f32 [tilespmem:s15], [sflag:$0x7], $0x80, s20, s12, $0xb8;
	[tilespmem:$0x1E8C0] =	vst v63  }
0x34: {  	_ =	swait.ge [sflag:s28], $0x1900  }
0x35: {  	[sflag:s28] =	ssyncset.done $0x0  }
0x36: {  	s14 =	simm.s32 $0x150;
	[sflag:s28] =	ssyncadd.s32 $0xFFFFE700  }
0x37: {  	[tilespmem:s15], [sflag:$0x2] =	stream.indirect.gather [hbm4b:s4+s12], $0x80, s14, s12, $0xb8;
	[tilespmem:$0x1E8C0] =	vst v63  }
0x38: {  	_ =	swait.ge [sflag:s29], $0x1900  }
0x39: {  	[sflag:s29] =	ssyncset.done $0x0  }
0x3a: {  	s20 =	simm.s32 $0x1650;
	[sflag:s29] =	ssyncadd.s32 $0xFFFFE700  }
0x3b: {  	[spmem:s2] =	stream.indirect.scatter.add.f32 [tilespmem:s17], [sflag:$0x8], $0x80, s20, s12, $0xb8;
	[tilespmem:$0x1E8C0] =	vst v63  }
0x3c: {  	_ =	swait.ge [sflag:s30], $0x1900  }
0x3d: {  	[sflag:s30] =	ssyncset.done $0x0  }
0x3e: {  	s14 =	simm.s32 $0x188;
	[sflag:s30] =	ssyncadd.s32 $0xFFFFE700  }
0x3f: {  	[tilespmem:s17], [sflag:$0x3] =	stream.indirect.gather [hbm4b:s4+s12], $0x80, s14, s12, $0xb8;
	[tilespmem:$0x1E8C0] =	vst v63  }
0x40: {  	_ =	swait.ge [sflag:s31], $0x1900  }
0x41: {  	[sflag:s31] =	ssyncset.done $0x0  }
0x42: {  	s20 =	simm.s32 $0x1688;
	[sflag:s31] =	ssyncadd.s32 $0xFFFFE700  }
0x43: {  	[spmem:s2] =	stream.indirect.scatter.add.f32 [tilespmem:s19], [sflag:$0x9], $0x80, s20, s12, $0xb8;
	[tilespmem:$0x1E8C0] =	vst v63  }
0x44: {  	_ =	swait.ge [sflag:s0], $0x1900  }
0x45: {  	[sflag:s0] =	ssyncset.done $0x0  }
0x46: {  	s14 =	simm.s32 $0x1C0;
	[sflag:s0] =	ssyncadd.s32 $0xFFFFE700  }
0x47: {  	[tilespmem:s19], [sflag:$0x4] =	stream.indirect.gather [hbm4b:s4+s12], $0x80, s14, s12, $0xb8;
	[tilespmem:$0x1E8C0] =	vst v63  }
0x48: {  	_ =	swait.ge [sflag:s1], $0x1900  }
0x49: {  	[sflag:s1] =	ssyncset.done $0x0  }
0x4a: {  	s20 =	simm.s32 $0x16C0;
	[sflag:s1] =	ssyncadd.s32 $0xFFFFE700  }
0x4b: {  	[spmem:s2] =	stream.indirect.scatter.add.f32 [tilespmem:s21], [sflag:$0xA], $0x80, s20, s12, $0xb8;
	[tilespmem:$0x1E8C0] =	vst v63  }
0x4c: {  	_ =	swait.ge [sflag:s11], $0x1900  }
0x4d: {  	[sflag:s11] =	ssyncset.done $0x0  }
0x4e: {  	s18 =	simm.s32 $0x460;
	s20 =	simm.s32 $0x1F8;
	[sflag:s11] =	ssyncadd.s32 $0xFFFFE700  }
.LBB2_2:
0x4f: {  	[tilespmem:s21], [sflag:$0x5] =	stream.indirect.gather [hbm4b:s4+s12], $0x80, s20, s12, $0xb8;
	[tilespmem:$0x1E8C0] =	vst v63  }
0x50: {  	s20 =	smov.u32 s18  }
0x51: {  	p0 =	sne.s32 s18, $0x4EC0;
	s18 =	sadd.s32 $0x460, s18;
	_ =	swait.ge [sflag:s24], $0x1900  }
0x52: {  	s20 =	sshra.s32 s20, $0x2;
	[sflag:s24] =	ssyncset.done $0x0  }
0x53: {  	s14 =	sadd.s32 $0x15E0, s20;
	[sflag:s24] =	ssyncadd.s32 $0xFFFFE700  }
0x54: {  	[spmem:s2] =	stream.indirect.scatter.add.f32 [tilespmem:s13], [sflag:$0x6], $0x80, s14, s12, $0xb8;
	[tilespmem:$0x1E8C0] =	vst v63  }
0x55: {  	_ =	swait.ge [sflag:s25], $0x1900  }
0x56: {  	[sflag:s25] =	ssyncset.done $0x0  }
0x57: {  	s14 =	sadd.s32 $0x118, s20;
	[sflag:s25] =	ssyncadd.s32 $0xFFFFE700  }
0x58: {  	[tilespmem:s13], [sflag:$0x1] =	stream.indirect.gather [hbm4b:s4+s12], $0x80, s14, s12, $0xb8;
	[tilespmem:$0x1E8C0] =	vst v63  }
0x59: {  	_ =	swait.ge [sflag:s26], $0x1900  }
0x5a: {  	[sflag:s26] =	ssyncset.done $0x0  }
0x5b: {  	s14 =	sadd.s32 $0x1618, s20;
	[sflag:s26] =	ssyncadd.s32 $0xFFFFE700  }
0x5c: {  	[spmem:s2] =	stream.indirect.scatter.add.f32 [tilespmem:s15], [sflag:$0x7], $0x80, s14, s12, $0xb8;
	[tilespmem:$0x1E8C0] =	vst v63  }
0x5d: {  	_ =	swait.ge [sflag:s28], $0x1900  }
0x5e: {  	[sflag:s28] =	ssyncset.done $0x0  }
0x5f: {  	s14 =	sadd.s32 $0x150, s20;
	[sflag:s28] =	ssyncadd.s32 $0xFFFFE700  }
0x60: {  	[tilespmem:s15], [sflag:$0x2] =	stream.indirect.gather [hbm4b:s4+s12], $0x80, s14, s12, $0xb8;
	[tilespmem:$0x1E8C0] =	vst v63  }
0x61: {  	_ =	swait.ge [sflag:s29], $0x1900  }
0x62: {  	[sflag:s29] =	ssyncset.done $0x0  }
0x63: {  	s14 =	sadd.s32 $0x1650, s20;
	[sflag:s29] =	ssyncadd.s32 $0xFFFFE700  }
0x64: {  	[spmem:s2] =	stream.indirect.scatter.add.f32 [tilespmem:s17], [sflag:$0x8], $0x80, s14, s12, $0xb8;
	[tilespmem:$0x1E8C0] =	vst v63  }
0x65: {  	_ =	swait.ge [sflag:s30], $0x1900  }
0x66: {  	[sflag:s30] =	ssyncset.done $0x0  }
0x67: {  	s14 =	sadd.s32 $0x188, s20;
	[sflag:s30] =	ssyncadd.s32 $0xFFFFE700  }
0x68: {  	[tilespmem:s17], [sflag:$0x3] =	stream.indirect.gather [hbm4b:s4+s12], $0x80, s14, s12, $0xb8;
	[tilespmem:$0x1E8C0] =	vst v63  }
0x69: {  	_ =	swait.ge [sflag:s31], $0x1900  }
0x6a: {  	[sflag:s31] =	ssyncset.done $0x0  }
0x6b: {  	s14 =	sadd.s32 $0x1688, s20;
	[sflag:s31] =	ssyncadd.s32 $0xFFFFE700  }
0x6c: {  	[spmem:s2] =	stream.indirect.scatter.add.f32 [tilespmem:s19], [sflag:$0x9], $0x80, s14, s12, $0xb8;
	[tilespmem:$0x1E8C0] =	vst v63  }
0x6d: {  	_ =	swait.ge [sflag:s0], $0x1900  }
0x6e: {  	[sflag:s0] =	ssyncset.done $0x0  }
0x6f: {  	s14 =	sadd.s32 $0x1C0, s20;
	[sflag:s0] =	ssyncadd.s32 $0xFFFFE700  }
0x70: {  	[tilespmem:s19], [sflag:$0x4] =	stream.indirect.gather [hbm4b:s4+s12], $0x80, s14, s12, $0xb8;
	[tilespmem:$0x1E8C0] =	vst v63  }
0x71: {  	_ =	swait.ge [sflag:s1], $0x1900  }
0x72: {  	[sflag:s1] =	ssyncset.done $0x0  }
.Ltmp0:
0x73: {  	s14 =	sadd.s32 $0x16C0, s20;
	[sflag:s1] =	ssyncadd.s32 $0xFFFFE700;
	(pc) =	sbr.rel @p0 .LBB2_2-.Ltmp0, $4  }
0x74: {  	[spmem:s2] =	stream.indirect.scatter.add.f32 [tilespmem:s21], [sflag:$0xA], $0x80, s14, s12, $0xb8;
	[tilespmem:$0x1E8C0] =	vst v63  }
0x75: {  	_ =	swait.ge [sflag:s11], $0x1900  }
0x76: {  	[sflag:s11] =	ssyncset.done $0x0  }
0x77: {  	s20 =	sadd.s32 $0x1F8, s20;
	[sflag:s11] =	ssyncadd.s32 $0xFFFFE700  }
0x78: {  	[tilespmem:s21], [sflag:$0x5] =	stream.indirect.gather [hbm4b:s4+s12], $0x80, s20, s12, $0xb8;
	[tilespmem:$0x1E8C0] =	vst v63  }
0x79: {  	_ =	swait.ge [sflag:s24], $0x1900  }
0x7a: {  	[sflag:s24] =	ssyncset.done $0x0  }
0x7b: {  	s14 =	simm.s32 $0x2AA8;
	[sflag:s24] =	ssyncadd.s32 $0xFFFFE700  }
0x7c: {  	[spmem:s2] =	stream.indirect.scatter.add.f32 [tilespmem:s13], [sflag:$0x6], $0x80, s14, s12, $0xb8;
	[tilespmem:$0x1E8C0] =	vst v63  }
0x7d: {  	_ =	swait.ge [sflag:s26], $0x1900  }
0x7e: {  	[sflag:s26] =	ssyncset.done $0x0  }
0x7f: {  	s18 =	simm.s32 $0x2AE0;
	[sflag:s26] =	ssyncadd.s32 $0xFFFFE700  }
0x80: {  	[spmem:s2] =	stream.indirect.scatter.add.f32 [tilespmem:s15], [sflag:$0x7], $0x80, s18, s12, $0xb8;
	[tilespmem:$0x1E8C0] =	vst v63  }
0x81: {  	_ =	swait.ge [sflag:s29], $0x1900  }
0x82: {  	[sflag:s29] =	ssyncset.done $0x0  }
0x83: {  	s20 =	simm.s32 $0x2B18;
	[sflag:s29] =	ssyncadd.s32 $0xFFFFE700  }
0x84: {  	[spmem:s2] =	stream.indirect.scatter.add.f32 [tilespmem:s17], [sflag:$0x8], $0x80, s20, s12, $0xb8;
	[tilespmem:$0x1E8C0] =	vst v63  }
0x85: {  	_ =	swait.ge [sflag:s31], $0x1900  }
0x86: {  	[sflag:s31] =	ssyncset.done $0x0  }
0x87: {  	s18 =	simm.s32 $0x2B50;
	[sflag:s31] =	ssyncadd.s32 $0xFFFFE700  }
0x88: {  	[spmem:s2] =	stream.indirect.scatter.add.f32 [tilespmem:s19], [sflag:$0x9], $0x80, s18, s12, $0xb8;
	[tilespmem:$0x1E8C0] =	vst v63  }
0x89: {  	_ =	swait.ge [sflag:s1], $0x1900  }
0x8a: {  	[sflag:s1] =	ssyncset.done $0x0  }
0x8b: {  	s20 =	simm.s32 $0x2B88;
	[sflag:s1] =	ssyncadd.s32 $0xFFFFE700  }
0x8c: {  	[spmem:s2] =	stream.indirect.scatter.add.f32 [tilespmem:s21], [sflag:$0xA], $0x80, s20, s12, $0xb8;
	[tilespmem:$0x1E8C0] =	vst v63  }
0x8d: {  	_ =	swait.ge [sflag:s25], $0x1900  }
0x8e: {  	[sflag:s25] =	ssyncset.done $0x0  }
0x8f: {  	[sflag:s25] =	ssyncadd.s32 $0xFFFFE700  }
0x90: {  	_ =	swait.ge [sflag:s28], $0x1900  }
0x91: {  	[sflag:s28] =	ssyncset.done $0x0  }
0x92: {  	[sflag:s28] =	ssyncadd.s32 $0xFFFFE700  }
0x93: {  	_ =	swait.ge [sflag:s30], $0x1900  }
0x94: {  	[sflag:s30] =	ssyncset.done $0x0  }
0x95: {  	[sflag:s30] =	ssyncadd.s32 $0xFFFFE700  }
0x96: {  	_ =	swait.ge [sflag:s0], $0x1900  }
0x97: {  	[sflag:s0] =	ssyncset.done $0x0  }
0x98: {  	[sflag:s0] =	ssyncadd.s32 $0xFFFFE700  }
0x99: {  	_ =	swait.ge [sflag:s11], $0x1900  }
0x9a: {  	s16 =	sadd.s32 $0x1, s16;
	[sflag:s11] =	ssyncset.done $0x0  }
0x9b: {  	p0 =	sne.s32 s16, s9;
	[sflag:s11] =	ssyncadd.s32 $0xFFFFE700  }
.Ltmp1:
0x9c: {  	[bflag:$0x0] =	sbarrier.arrive $0xFFFF;
	(pc) =	sbr.rel @p0 .LBB2_1-.Ltmp1, $4  }
0x9d: {  	[hbm:s8], [sflag:s22] =	dma.local [spmem:s23], $0x2800  }
0x9e: {  	_ =	swait.ge [sflag:s10], $0x2800  }
0x9f: {  	[sflag:s10] =	ssyncset.done $0x0  }
0xa0: {  	[sflag:s10] =	ssyncadd.s32 $0xFFFFD800  }
0xa1: {  	_ =	sfence.sel $0x180000  }
0xa2: {  	[bflag:$0x0] =	sbarrier.arrive $0xFFFF  }
0xa3: {  	_ =	strace $0x9000004D  }
0xa4: {  	s0 =	stileid.u32;
	[bflag:$0x2] =	sbarrier.arrive $0xFFFF  }
0xa5: {  	p0 =	sne.s32 s0, $0x0;
	s0 =	rddreg [dreg:$0x2]  }
0xa6: {  	s0 =	sadd.s32 @!p0 $0x100000, s0  }
0xa7: {  	[sflag:s0] =	ssyncadd.tile.s32 @!p0 $0x1;
	_ =	shalt  }
.Lfunc_end2:
_tile_overlayer_lowered:
.L_overlay_start_2:
0xa8: {  	(tag) =	ssettag $0x2  }
0xa9: {  	s0 =	rddreg [dreg:$0x0];
	s2 =	stileid.u32  }
0xaa: {  	s1 =	rddreg [dreg:$0x1];
	p0 =	sne.s32 s2, $0x0  }
0xab: {  	s3 =	rddreg [dreg:$0x2];
	[bflag:$0x3] =	sbarrier.arrive $0xFFFF;
	s2 =	simm.s32 @!p0 $0x1C0B  }
0xac: {  	[timem:s3], [sflag:s2] =	dma.local @!p0 [hbm:s0], s1  }
0xad: {  	s0 =	simm.s32 @!p0 $0xB  }
0xae: {  	_ =	swait.ge @!p0 [sflag:s0], s1  }
0xaf: {  	s1 =	ssub.s32 @!p0 $0x0, s1;
	[sflag:s0] =	ssyncset.done @!p0 $0x0  }
0xb0: {  	[sflag:s0] =	ssyncadd.s32 @!p0 s1  }
0xb1: {  	[bflag:$0x3] =	sbarrier.arrive $0xFFFF  }
0xb2: {  	_ =	shalt  }

// kernel: kernel.19.cloned.1.call-start
scs
__scs_entry_jumppad:
0x0: {  	(pc) =	sbr.rel $0x88, $3  }
0x1: {  	(tag) =	ssettag $0x0;
	lr =	simm.s32 $0x1  }
0x2: {  	[smem:$0x3F96] =	sst lr;
	_ =	strace $0xD0000000  }
0x3: {  	_ = 	snop  }
0x4: {  	_ = 	snop  }
0x5: {  	_ = 	snop  }
0x6: {  	_ = 	snop  }
0x7: {  	_ = 	snop  }
__scs_overlays_trampoline_lowered:
0x8: {  	[smem:$0x3FA5] =	sst s0  }
0x9: {  	[smem:$0x3FA6] =	sst s1  }
0xa: {  	[smem:$0x3FA7] =	sst s2  }
0xb: {  	[smem:$0x3FA8] =	sst s3  }
0xc: {  	[smem:$0x3FA9] =	sst s4  }
0xd: {  	[smem:$0x3FAA] =	sst s5  }
0xe: {  	[smem:$0x3FAB] =	sst s6  }
0xf: {  	[smem:$0x3FAC] =	sst s7  }
0x10: {  	[smem:$0x3FAD] =	sst s8  }
0x11: {  	[smem:$0x3FAE] =	sst s9;
	s0 =	simm.s32 @!p0 $0x0  }
0x12: {  	s1 =	sld [smem:$0x3F94];
	s0 =	simm.s32 @p0 $0x1  }
0x13: {  	[smem:$0x3FAF] =	sst s0;
	s0 =	simm.s32 @!p1 $0x0  }
0x14: {  	s2 =	sld [smem:$0x3F93];
	s0 =	simm.s32 @p1 $0x1  }
0x15: {  	[smem:$0x3FB0] =	sst s0;
	s0 =	simm.s32 @!p2 $0x0  }
0x16: {  	s3 =	sld [smem:$0x3FDB];
	s0 =	simm.s32 @p2 $0x1  }
0x17: {  	s4 =	simm.s32 $0x1BF5;
	[smem:$0x3FB2] =	sst s0  }
0x18: {  	s0 =	sld [smem:$0x3F95];
	_ =	swait.ge [sflag:s4], $0x0  }
0x19: {  	s7 =	sld [smem:$0x3F96]  }
0x1a: {  	s8 =	sadd.s32 $0xFFFFE003, lr  }
0x1b: {  	s9 =	sadd.s32 $0xFFFFFEF7, lr;
	s5 =	simm.s32 $0xFFFFFFFF;
	p2 =	slt.u32 s8, $0xFFFFF086  }
0x1c: {  	p1 =	slt.u32 s9, $0xF7A;
	s5 =	simm.s32 @!p2 $0x0  }
0x1d: {  	s5 =	simm.s32 @p1 $0x1;
	p0 =	seq.s32 s7, s2  }
0x1e: {  	s7 =	smul.u32 @!p0 $0xF7A, s2;
	p2 =	seq.s32 @!p0 s5, $0x0  }
0x1f: {  	s9 =	smul.u32 $0xF7A, s1;
	s8 =	simm.s32 @!p0 $0x1BF5;
	p2 =	por !p2, p0  }
0x20: {  	[sflag:s8] =	ssyncset.s32 @!p0 $0xFFFFF086;
	s6 =	sadd.s32 @!p0 s3, s7;
	s7 =	simm.s32 @!p0 $0x108  }
0x21: {  	s3 =	sadd.s32 s3, s9;
	s6 =	sadd.s32 @!p0 $0x88, s6;
	s7 =	simm.s32 @p2 $0x1082  }
0x22: {  	[simem:s7], [sflag:s8] =	dma.local @!p0 [hbm:s6], $0xF7A  }
0x23: {  	s9 =	sor.u32 $0xD0000000, s2;
	s6 =	simm.s32 $0x108;
	_ =	swait.ge @!p0 [sflag:s8], $0x0  }
0x24: {  	s3 =	sadd.s32 $0x88, s3;
	s6 =	simm.s32 @!p1 $0x1082;
	[sflag:s4] =	ssyncset.s32 $0xFFFFF086  }
0x25: {  	[simem:s6], [sflag:s4] =	dma.local [hbm:s3], $0xF7A  }
0x26: {  	[smem:$0x3F96] =	sst s1;
	(tag) =	ssettag s2;
	_ =	strace s9  }
0x27: {  	s1 =	sld [smem:$0x3FA6]  }
0x28: {  	s2 =	sld [smem:$0x3FA7]  }
0x29: {  	s4 =	sld [smem:$0x3FA9]  }
0x2a: {  	p0 =	seq.s32 s5, $0x0;
	s5 =	sld [smem:$0x3FAA]  }
0x2b: {  	s6 =	sld [smem:$0x3FAB]  }
0x2c: {  	s7 =	sld [smem:$0x3FAC]  }
0x2d: {  	s3 =	simm.s32 $0x108;
	s8 =	sld [smem:$0x3FAD]  }
0x2e: {  	s3 =	simm.s32 @!p0 $0x1082;
	s9 =	sld [smem:$0x3FAE]  }
0x2f: {  	lr =	sadd.s32 s0, s3;
	s0 =	sld [smem:$0x3FA5]  }
0x30: {  	s3 =	sld [smem:$0x3FA8]  }
0x31: {  	[smem:$0x3FB1] =	sst s10  }
0x32: {  	s10 =	sld [smem:$0x3FAF];
	_ =	sdelay $0x3  }
0x33: {  	p0 =	seq.s32 s10, $0x1;
	s10 =	sld [smem:$0x3FB1];
	_ =	sdelay $0x3  }
0x34: {  	[smem:$0x3FB1] =	sst s10  }
0x35: {  	s10 =	sld [smem:$0x3FB0];
	_ =	sdelay $0x3  }
0x36: {  	p1 =	seq.s32 s10, $0x1;
	s10 =	sld [smem:$0x3FB1];
	_ =	sdelay $0x3  }
0x37: {  	[smem:$0x3FB1] =	sst s10  }
0x38: {  	s10 =	sld [smem:$0x3FB2]  }
0x39: {  	_ = 	snop;
	(pc) =	sbr.ind lr, $3  }
0x3a: {  	_ = 	snop  }
0x3b: {  	_ = 	snop  }
0x3c: {  	p2 =	seq.s32 s10, $0x1;
	s10 =	sld [smem:$0x3FB1]  }
0x3d: {  	_ =	shalt  }
0x3e: {  	_ =	shalt  }
0x3f: {  	_ =	shalt  }
0x40: {  	_ =	shalt  }
0x41: {  	_ =	shalt  }
0x42: {  	_ =	shalt  }
0x43: {  	_ =	shalt  }
0x44: {  	_ =	shalt  }
0x45: {  	_ =	shalt  }
0x46: {  	_ =	shalt  }
0x47: {  	_ =	shalt  }
0x48: {  	_ =	shalt  }
0x49: {  	_ =	shalt  }
0x4a: {  	_ =	shalt  }
0x4b: {  	_ =	shalt  }
0x4c: {  	_ =	shalt  }
0x4d: {  	_ =	shalt  }
0x4e: {  	_ =	shalt  }
0x4f: {  	_ =	shalt  }
0x50: {  	_ =	shalt  }
0x51: {  	_ =	shalt  }
0x52: {  	_ =	shalt  }
0x53: {  	_ =	shalt  }
0x54: {  	_ =	shalt  }
0x55: {  	_ =	shalt  }
0x56: {  	_ =	shalt  }
0x57: {  	_ =	shalt  }
0x58: {  	_ =	shalt  }
0x59: {  	_ =	shalt  }
0x5a: {  	_ =	shalt  }
0x5b: {  	_ =	shalt  }
0x5c: {  	_ =	shalt  }
0x5d: {  	_ =	shalt  }
0x5e: {  	_ =	shalt  }
0x5f: {  	_ =	shalt  }
0x60: {  	_ =	shalt  }
0x61: {  	_ =	shalt  }
0x62: {  	_ =	shalt  }
0x63: {  	_ =	shalt  }
0x64: {  	_ =	shalt  }
0x65: {  	_ =	shalt  }
0x66: {  	_ =	shalt  }
0x67: {  	_ =	shalt  }
0x68: {  	_ =	shalt  }
0x69: {  	_ =	shalt  }
0x6a: {  	_ =	shalt  }
0x6b: {  	_ =	shalt  }
0x6c: {  	_ =	shalt  }
0x6d: {  	_ =	shalt  }
0x6e: {  	_ =	shalt  }
0x6f: {  	_ =	shalt  }
0x70: {  	_ =	shalt  }
0x71: {  	_ =	shalt  }
0x72: {  	_ =	shalt  }
0x73: {  	_ =	shalt  }
0x74: {  	_ =	shalt  }
0x75: {  	_ =	shalt  }
0x76: {  	_ =	shalt  }
0x77: {  	_ =	shalt  }
0x78: {  	_ =	shalt  }
0x79: {  	_ =	shalt  }
0x7a: {  	_ =	shalt  }
0x7b: {  	_ =	shalt  }
0x7c: {  	_ =	shalt  }
0x7d: {  	_ =	shalt  }
0x7e: {  	_ =	shalt  }
0x7f: {  	_ =	shalt  }
0x80: {  	_ =	shalt  }
0x81: {  	_ =	shalt  }
0x82: {  	_ =	shalt  }
0x83: {  	_ =	shalt  }
0x84: {  	_ =	shalt  }
0x85: {  	_ =	shalt  }
0x86: {  	_ =	shalt  }
0x87: {  	_ =	shalt  }
.Lfunc_end0:
.L_simem_size_0:
called_computation.3_lowered:
.L_overlay_start_0:
0x88: {  	s2 =	sld [smem:$0x3FD9]  }
0x89: {  	s3 =	sld [smem:$0x3FFE];
	_ =	sdelay $0x1  }
0x8a: {  	s1 =	srdreg.scid  }
0x8b: {  	s0 =	sand.u32 $0x1, s1  }
0x8c: {  	s16 =	sshll.u32 s0, $0xA;
	s2 =	sadd.s32 s3, s2  }
0x8d: {  	s2 =	sadd.s32 s2, s16  }
0x8e: {  	[smem:$0x3FBD] =	sst s2  }
0x8f: {  	_ = 	snop  }
0x90: {  	(tm) =	ssettm $0x1  }
0x91: {  	s17 =	sld [smem:$0x3FFB];
	_ =	sdelay $0x3  }
0x92: {  	_ =	strace s17  }
0x93: {  	s2 =	sld [smem:$0x3FFC];
	_ =	sdelay $0x3  }
0x94: {  	_ =	strace s2  }
0x95: {  	s2 =	sld [smem:$0x3FFD];
	_ =	sdelay $0x3  }
0x96: {  	_ =	strace s2  }
0x97: {  	_ =	strace $0x8FFFFFFF  }
0x98: {  	s18 =	sld [smem:$0x3FDB];
	_ =	sdelay $0x1  }
0x99: {  	s19 =	simm.s32 $_scs_section_size  }
0x9a: {  	s4 =	simm.s32 $_size__tile_overlayer_lowered;
	s5 =	simm.s32 $_tile_overlayer_lowered  }
0x9b: {  	s22 =	simm.s32 $0x1BFF;
	s21 =	sshll.u32 s5, $0x1;
	s2 =	sadd.s32 s19, s18  }
0x9c: {  	s6 =	simm.s32 $0x0;
	s20 =	sshll.u32 s4, $0x1;
	s4 =	sadd.s32 s21, s2  }
0x9d: {  	[timem:s6], [sflag:s22] =	dma.local [hbm:s4], s20  }
0x9e: {  	_ =	swait.ge [sflag:s22], s20  }
0x9f: {  	s3 =	ssub.s32 $0x0, s20;
	[sflag:s22] =	ssyncset.done $0x0  }
0xa0: {  	[sflag:s22] =	ssyncadd.s32 s3;
	_ =	sdelay $0x1  }
0xa1: {  	s23 =	simm.s32 $0x1B8B  }
0xa2: {  	_ =	swait.ge [sflag:s23], $0x1  }
0xa3: {  	[sflag:s23] =	ssyncset.done $0x0  }
0xa4: {  	s25 =	simm.s32 $0x1B8E;
	s24 =	sld [smem:$0x3FFE];
	[sflag:s23] =	ssyncadd.s32 $0xFFFFFFFF  }
0xa5: {  	s26 =	simm.s32 $execute0_lowered;
	[smem:$0x3FD2] =	sst s25  }
0xa6: {  	s4 =	sshll.u32 s26, $0x1;
	_ =	strace $0x8000004F;
	[dreg:$0x1] =	wrdreg $0xFFFFFFFF  }
0xa7: {  	s28 =	simm.s32 $_size_execute0_lowered;
	s2 =	sadd.s32 s2, s4;
	[dreg:$0x0] =	wrdreg $0x0  }
0xa8: {  	s4 =	sshll.u32 s28, $0x1;
	[dreg:$0x2] =	wrdreg s2  }
0xa9: {  	[dreg:$0x3] =	wrdreg s4  }
0xaa: {  	[dreg:$0x4] =	wrdreg $0xC0  }
0xab: {  	_ =	task [dreg:s6], $0x5FFFF  }
0xac: {  	[dreg:$0x1] =	wrdreg $0xFFFFFFFF  }
0xad: {  	[dreg:$0x0] =	wrdreg $0x60  }
0xae: {  	[dreg:$0x2] =	wrdreg s24  }
0xaf: {  	[dreg:$0x3] =	wrdreg $0xC4400  }
0xb0: {  	[dreg:$0x4] =	wrdreg $0x9  }
0xb1: {  	_ =	task.clear_ibuf [dreg:s6], $0x5FFFF;
	_ =	strace $0x9000004F  }
0xb2: {  	s29 =	simm.s32 $0x9;
	_ =	strace $0x80000051  }
0xb3: {  	_ =	swait.ge [sflag:s29], $0x1  }
0xb4: {  	[sflag:s29] =	ssyncadd.s32 $0xFFFFFFFF  }
0xb5: {  	_ =	strace $0x90000051  }
0xb6: {  	_ =	sfence  }
0xb7: {  	s30 =	sld [smem:$0x0];
	_ =	sdelay $0x2  }
0xb8: {  	s31 =	sshll.u32 s1, $0xD;
	s1 =	sshrl.u32 s1, $0x2  }
0xb9: {  	s3 =	sand.u32 $0x4000, s31;
	s1 =	sadd.s32 s1, s30  }
0xba: {  	s0 =	sor.u32 s3, s0;
	s1 =	sshll.u32 s1, $0x11  }
0xbb: {  	s0 =	sor.u32 s1, s0  }
0xbc: {  	s0 =	sadd.s32 $0x8F2B, s0  }
0xbd: {  	[sflag:s0] =	ssyncadd.remote.s32 $0x1  }
0xbe: {  	_ =	sfence.sel $0xFFFF  }
0xbf: {  	[dreg:$0x0] =	wrdreg $0xFFFFFFFF;
	(pc) =	sbr.abs _section_cstart, $3  }
0xc0: {  	[dreg:$0x1] =	wrdreg $0xFFFFFFFF  }
0xc1: {  	_ =	task.clear_ibuf [dreg:s6], $0x2FFFF;
	_ =	strace $0x9FFFFFFF  }
0xc2: {  	(tm) =	ssettm $0x7FFFFFFF  }
0xc3: {  	_ =	shalt  }
tec
execute0_lowered:
.L_overlay_start_1:
0x0: {  	(tag) =	ssettag $0x1  }
0x1: {  	s0 =	rddreg [dreg:$0x0]  }
0x2: {  	s2 =	rddreg [dreg:$0x1];
	s3 =	simm.s32 $0x0  }
0x3: {  	s1 =	srdreg.scid;
	s14 =	stileid.u32;
	s10 =	simm.s32 $0xB  }
0x4: {  	s12 =	simm.s32 $0x7D;
	s13 =	simm.s32 $0x2800;
	s15 =	simm.s32 $0x4740  }
0x5: {  	s17 =	simm.s32 $0x6680;
	s19 =	simm.s32 $0x85C0;
	s21 =	simm.s32 $0xA500  }
0x6: {  	s24 =	simm.s32 $0x1;
	s28 =	simm.s32 $0x7;
	s29 =	simm.s32 $0x3  }
0x7: {  	s30 =	simm.s32 $0x8;
	s31 =	simm.s32 $0x4;
	s16 =	simm.s32 $0x0  }
0x8: {  	s1 =	sand.u32 $0x1, s1;
	s4 =	sshll.u32 s14, $0x1;
	s8 =	smul.u32 $0xA000, s14  }
0x9: {  	[smem:$0x7FF] =	sst s3;
	s26 =	sshll.u32 s14, $0x6;
	s4 =	sor.u32 s1, s4  }
0xa: {  	s5 =	smul.u32 $0xA0000, s1;
	_ =	strace $0x80000050;
	s1 =	ssub.s32 $0x2, s1  }
0xb: {  	s22 =	sor.u32 $0x1C0B, s26;
	s26 =	simm.s32 $0x2;
	s6 =	smul.u32 $0x280, s4  }
0xc: {  	s4 =	sadd.s32 $0xEE00, s0;
	s9 =	sshrl.u32 s1, $0x1;
	s11 =	sadd.s32 s8, s2  }
0xd: {  	s5 =	sadd.s32 s8, s5;
	s1 =	ssub.s32 s1, s9;
	s23 =	sshrl.u32 s11, $0x3  }
0xe: {  	s11 =	simm.s32 $0xA;
	s7 =	sadd.s32 s6, s0;
	s25 =	sshrl.u32 s5, $0x3  }
0xf: {  	s5 =	sadd.s32 $0x7600, s0;
	s9 =	smax.u32 s1, $0x1;
	s1 =	simm.s32 $0x5  }
0x10: {  	s0 =	sadd.s32 s25, s0;
	s6 =	sadd.s32 $0x9E00, s7;
	s7 =	sadd.s32 $0x2600, s7  }
0x11: {  	s25 =	simm.s32 $0x6;
	s8 =	sadd.s32 $0x22800, s0;
	s0 =	simm.s32 $0x9  }
.LBB2_1:
0x12: {  	[tilespmem:s3], [sflag:$0xB] =	stream.linear.gather [hbm4b:s6+s3], $0x1400, $0x38;
	[tilespmem:$0x16440] =	vst v63  }
0x13: {  	_ =	swait.ge [sflag:s10], $0x1400  }
0x14: {  	[sflag:s10] =	ssyncset.done $0x0  }
0x15: {  	s14 =	simm.s32 $0x1400;
	[sflag:s10] =	ssyncadd.s32 $0xFFFFEC00  }
0x16: {  	[tilespmem:s14], [sflag:$0xB] =	stream.linear.gather [hbm4b:s7+s3], $0x1400, $0x38;
	[tilespmem:$0x16440] =	vst v63  }
0x17: {  	_ =	swait.ge [sflag:s10], $0x1400  }
0x18: {  	[sflag:s10] =	ssyncset.done $0x0  }
0x19: {  	[sflag:s10] =	ssyncadd.s32 $0xFFFFEC00  }
0x1a: {  	[tilespmem:s13], [sflag:$0x1] =	stream.indirect.gather [hbm4b:s4+s12], $0x40, s3, s12, $0xb8;
	[tilespmem:$0x16440] =	vst v63  }
0x1b: {  	s18 =	simm.s32 $0x80  }
0x1c: {  	[tilespmem:s15], [sflag:$0x2] =	stream.indirect.gather [hbm4b:s4+s12], $0x40, s18, s12, $0xb8;
	[tilespmem:$0x16440] =	vst v63  }
0x1d: {  	s20 =	simm.s32 $0x100  }
0x1e: {  	[tilespmem:s17], [sflag:$0x3] =	stream.indirect.gather [hbm4b:s4+s12], $0x40, s20, s12, $0xb8;
	[tilespmem:$0x16440] =	vst v63  }
0x1f: {  	s18 =	simm.s32 $0x180  }
0x20: {  	[tilespmem:s19], [sflag:$0x4] =	stream.indirect.gather [hbm4b:s4+s12], $0x40, s18, s12, $0xb8;
	[tilespmem:$0x16440] =	vst v63  }
0x21: {  	s20 =	simm.s32 $0x200  }
0x22: {  	[tilespmem:s21], [sflag:$0x5] =	stream.indirect.gather [hbm4b:s4+s12], $0x40, s20, s12, $0xb8;
	[tilespmem:$0x16440] =	vst v63  }
0x23: {  	[spmem:s23], [sflag:s22] =	dma.local [hbm:s5], $0x1400  }
0x24: {  	_ =	swait.ge [sflag:s10], $0x1400  }
0x25: {  	[sflag:s10] =	ssyncset.done $0x0  }
0x26: {  	[sflag:s10] =	ssyncadd.s32 $0xFFFFEC00  }
0x27: {  	[bflag:$0x0] =	sbarrier.arrive $0xFFFF  }
0x28: {  	_ =	swait.ge [sflag:s24], $0x1F40  }
0x29: {  	[sflag:s24] =	ssyncset.done $0x0  }
0x2a: {  	s18 =	simm.s32 $0x1400;
	[sflag:s24] =	ssyncadd.s32 $0xFFFFE0C0  }
0x2b: {  	[spmem:s2] =	stream.indirect.scatter.add.f32 [tilespmem:s13], [sflag:$0x6], $0x40, s18, s12, $0xb8;
	[tilespmem:$0x16440] =	vst v63  }
0x2c: {  	_ =	swait.ge [sflag:s25], $0x1F40  }
0x2d: {  	[sflag:s25] =	ssyncset.done $0x0  }
0x2e: {  	s14 =	simm.s32 $0x280;
	[sflag:s25] =	ssyncadd.s32 $0xFFFFE0C0  }
0x2f: {  	[tilespmem:s13], [sflag:$0x1] =	stream.indirect.gather [hbm4b:s4+s12], $0x40, s14, s12, $0xb8;
	[tilespmem:$0x16440] =	vst v63  }
0x30: {  	_ =	swait.ge [sflag:s26], $0x1F40  }
0x31: {  	[sflag:s26] =	ssyncset.done $0x0  }
0x32: {  	s20 =	simm.s32 $0x1480;
	[sflag:s26] =	ssyncadd.s32 $0xFFFFE0C0  }
0x33: {  	[spmem:s2] =	stream.indirect.scatter.add.f32 [tilespmem:s15], [sflag:$0x7], $0x40, s20, s12, $0xb8;
	[tilespmem:$0x16440] =	vst v63  }
0x34: {  	_ =	swait.ge [sflag:s28], $0x1F40  }
0x35: {  	[sflag:s28] =	ssyncset.done $0x0  }
0x36: {  	s14 =	simm.s32 $0x300;
	[sflag:s28] =	ssyncadd.s32 $0xFFFFE0C0  }
0x37: {  	[tilespmem:s15], [sflag:$0x2] =	stream.indirect.gather [hbm4b:s4+s12], $0x40, s14, s12, $0xb8;
	[tilespmem:$0x16440] =	vst v63  }
0x38: {  	_ =	swait.ge [sflag:s29], $0x1F40  }
0x39: {  	[sflag:s29] =	ssyncset.done $0x0  }
0x3a: {  	s20 =	simm.s32 $0x1500;
	[sflag:s29] =	ssyncadd.s32 $0xFFFFE0C0  }
0x3b: {  	[spmem:s2] =	stream.indirect.scatter.add.f32 [tilespmem:s17], [sflag:$0x8], $0x40, s20, s12, $0xb8;
	[tilespmem:$0x16440] =	vst v63  }
0x3c: {  	_ =	swait.ge [sflag:s30], $0x1F40  }
0x3d: {  	[sflag:s30] =	ssyncset.done $0x0  }
0x3e: {  	s14 =	simm.s32 $0x380;
	[sflag:s30] =	ssyncadd.s32 $0xFFFFE0C0  }
0x3f: {  	[tilespmem:s17], [sflag:$0x3] =	stream.indirect.gather [hbm4b:s4+s12], $0x40, s14, s12, $0xb8;
	[tilespmem:$0x16440] =	vst v63  }
0x40: {  	_ =	swait.ge [sflag:s31], $0x1F40  }
0x41: {  	[sflag:s31] =	ssyncset.done $0x0  }
0x42: {  	s20 =	simm.s32 $0x1580;
	[sflag:s31] =	ssyncadd.s32 $0xFFFFE0C0  }
0x43: {  	[spmem:s2] =	stream.indirect.scatter.add.f32 [tilespmem:s19], [sflag:$0x9], $0x40, s20, s12, $0xb8;
	[tilespmem:$0x16440] =	vst v63  }
0x44: {  	_ =	swait.ge [sflag:s0], $0x1F40  }
0x45: {  	[sflag:s0] =	ssyncset.done $0x0  }
0x46: {  	s14 =	simm.s32 $0x400;
	[sflag:s0] =	ssyncadd.s32 $0xFFFFE0C0  }
0x47: {  	[tilespmem:s19], [sflag:$0x4] =	stream.indirect.gather [hbm4b:s4+s12], $0x40, s14, s12, $0xb8;
	[tilespmem:$0x16440] =	vst v63  }
0x48: {  	_ =	swait.ge [sflag:s1], $0x1F40  }
0x49: {  	[sflag:s1] =	ssyncset.done $0x0  }
0x4a: {  	s20 =	simm.s32 $0x1600;
	[sflag:s1] =	ssyncadd.s32 $0xFFFFE0C0  }
0x4b: {  	[spmem:s2] =	stream.indirect.scatter.add.f32 [tilespmem:s21], [sflag:$0xA], $0x40, s20, s12, $0xb8;
	[tilespmem:$0x16440] =	vst v63  }
0x4c: {  	_ =	swait.ge [sflag:s11], $0x1F40  }
0x4d: {  	[sflag:s11] =	ssyncset.done $0x0  }
0x4e: {  	s18 =	simm.s32 $0xA00;
	s20 =	simm.s32 $0x480;
	[sflag:s11] =	ssyncadd.s32 $0xFFFFE0C0  }
.LBB2_2:
0x4f: {  	[tilespmem:s21], [sflag:$0x5] =	stream.indirect.gather [hbm4b:s4+s12], $0x40, s20, s12, $0xb8;
	[tilespmem:$0x16440] =	vst v63  }
0x50: {  	s20 =	smov.u32 s18  }
0x51: {  	p0 =	sne.s32 s18, $0x3C00;
	s18 =	sadd.s32 $0xA00, s18;
	_ =	swait.ge [sflag:s24], $0x1F40  }
0x52: {  	s20 =	sshra.s32 s20, $0x2;
	[sflag:s24] =	ssyncset.done $0x0  }
0x53: {  	s14 =	sadd.s32 $0x1400, s20;
	[sflag:s24] =	ssyncadd.s32 $0xFFFFE0C0  }
0x54: {  	[spmem:s2] =	stream.indirect.scatter.add.f32 [tilespmem:s13], [sflag:$0x6], $0x40, s14, s12, $0xb8;
	[tilespmem:$0x16440] =	vst v63  }
0x55: {  	_ =	swait.ge [sflag:s25], $0x1F40  }
0x56: {  	[sflag:s25] =	ssyncset.done $0x0  }
0x57: {  	s14 =	sadd.s32 $0x280, s20;
	[sflag:s25] =	ssyncadd.s32 $0xFFFFE0C0  }
0x58: {  	[tilespmem:s13], [sflag:$0x1] =	stream.indirect.gather [hbm4b:s4+s12], $0x40, s14, s12, $0xb8;
	[tilespmem:$0x16440] =	vst v63  }
0x59: {  	_ =	swait.ge [sflag:s26], $0x1F40  }
0x5a: {  	[sflag:s26] =	ssyncset.done $0x0  }
0x5b: {  	s14 =	sadd.s32 $0x1480, s20;
	[sflag:s26] =	ssyncadd.s32 $0xFFFFE0C0  }
0x5c: {  	[spmem:s2] =	stream.indirect.scatter.add.f32 [tilespmem:s15], [sflag:$0x7], $0x40, s14, s12, $0xb8;
	[tilespmem:$0x16440] =	vst v63  }
0x5d: {  	_ =	swait.ge [sflag:s28], $0x1F40  }
0x5e: {  	[sflag:s28] =	ssyncset.done $0x0  }
0x5f: {  	s14 =	sadd.s32 $0x300, s20;
	[sflag:s28] =	ssyncadd.s32 $0xFFFFE0C0  }
0x60: {  	[tilespmem:s15], [sflag:$0x2] =	stream.indirect.gather [hbm4b:s4+s12], $0x40, s14, s12, $0xb8;
	[tilespmem:$0x16440] =	vst v63  }
0x61: {  	_ =	swait.ge [sflag:s29], $0x1F40  }
0x62: {  	[sflag:s29] =	ssyncset.done $0x0  }
0x63: {  	s14 =	sadd.s32 $0x1500, s20;
	[sflag:s29] =	ssyncadd.s32 $0xFFFFE0C0  }
0x64: {  	[spmem:s2] =	stream.indirect.scatter.add.f32 [tilespmem:s17], [sflag:$0x8], $0x40, s14, s12, $0xb8;
	[tilespmem:$0x16440] =	vst v63  }
0x65: {  	_ =	swait.ge [sflag:s30], $0x1F40  }
0x66: {  	[sflag:s30] =	ssyncset.done $0x0  }
0x67: {  	s14 =	sadd.s32 $0x380, s20;
	[sflag:s30] =	ssyncadd.s32 $0xFFFFE0C0  }
0x68: {  	[tilespmem:s17], [sflag:$0x3] =	stream.indirect.gather [hbm4b:s4+s12], $0x40, s14, s12, $0xb8;
	[tilespmem:$0x16440] =	vst v63  }
0x69: {  	_ =	swait.ge [sflag:s31], $0x1F40  }
0x6a: {  	[sflag:s31] =	ssyncset.done $0x0  }
0x6b: {  	s14 =	sadd.s32 $0x1580, s20;
	[sflag:s31] =	ssyncadd.s32 $0xFFFFE0C0  }
0x6c: {  	[spmem:s2] =	stream.indirect.scatter.add.f32 [tilespmem:s19], [sflag:$0x9], $0x40, s14, s12, $0xb8;
	[tilespmem:$0x16440] =	vst v63  }
0x6d: {  	_ =	swait.ge [sflag:s0], $0x1F40  }
0x6e: {  	[sflag:s0] =	ssyncset.done $0x0  }
0x6f: {  	s14 =	sadd.s32 $0x400, s20;
	[sflag:s0] =	ssyncadd.s32 $0xFFFFE0C0  }
0x70: {  	[tilespmem:s19], [sflag:$0x4] =	stream.indirect.gather [hbm4b:s4+s12], $0x40, s14, s12, $0xb8;
	[tilespmem:$0x16440] =	vst v63  }
0x71: {  	_ =	swait.ge [sflag:s1], $0x1F40  }
0x72: {  	[sflag:s1] =	ssyncset.done $0x0  }
.Ltmp0:
0x73: {  	s14 =	sadd.s32 $0x1600, s20;
	[sflag:s1] =	ssyncadd.s32 $0xFFFFE0C0;
	(pc) =	sbr.rel @p0 .LBB2_2-.Ltmp0, $4  }
0x74: {  	[spmem:s2] =	stream.indirect.scatter.add.f32 [tilespmem:s21], [sflag:$0xA], $0x40, s14, s12, $0xb8;
	[tilespmem:$0x16440] =	vst v63  }
0x75: {  	_ =	swait.ge [sflag:s11], $0x1F40  }
0x76: {  	[sflag:s11] =	ssyncset.done $0x0  }
0x77: {  	s20 =	sadd.s32 $0x480, s20;
	[sflag:s11] =	ssyncadd.s32 $0xFFFFE0C0  }
0x78: {  	[tilespmem:s21], [sflag:$0x5] =	stream.indirect.gather [hbm4b:s4+s12], $0x40, s20, s12, $0xb8;
	[tilespmem:$0x16440] =	vst v63  }
0x79: {  	_ =	swait.ge [sflag:s24], $0x1F40  }
0x7a: {  	[sflag:s24] =	ssyncset.done $0x0  }
0x7b: {  	s14 =	simm.s32 $0x2580;
	[sflag:s24] =	ssyncadd.s32 $0xFFFFE0C0  }
0x7c: {  	[spmem:s2] =	stream.indirect.scatter.add.f32 [tilespmem:s13], [sflag:$0x6], $0x40, s14, s12, $0xb8;
	[tilespmem:$0x16440] =	vst v63  }
0x7d: {  	_ =	swait.ge [sflag:s26], $0x1F40  }
0x7e: {  	[sflag:s26] =	ssyncset.done $0x0  }
0x7f: {  	s18 =	simm.s32 $0x2600;
	[sflag:s26] =	ssyncadd.s32 $0xFFFFE0C0  }
0x80: {  	[spmem:s2] =	stream.indirect.scatter.add.f32 [tilespmem:s15], [sflag:$0x7], $0x40, s18, s12, $0xb8;
	[tilespmem:$0x16440] =	vst v63  }
0x81: {  	_ =	swait.ge [sflag:s29], $0x1F40  }
0x82: {  	[sflag:s29] =	ssyncset.done $0x0  }
0x83: {  	s20 =	simm.s32 $0x2680;
	[sflag:s29] =	ssyncadd.s32 $0xFFFFE0C0  }
0x84: {  	[spmem:s2] =	stream.indirect.scatter.add.f32 [tilespmem:s17], [sflag:$0x8], $0x40, s20, s12, $0xb8;
	[tilespmem:$0x16440] =	vst v63  }
0x85: {  	_ =	swait.ge [sflag:s31], $0x1F40  }
0x86: {  	[sflag:s31] =	ssyncset.done $0x0  }
0x87: {  	s18 =	simm.s32 $0x2700;
	[sflag:s31] =	ssyncadd.s32 $0xFFFFE0C0  }
0x88: {  	[spmem:s2] =	stream.indirect.scatter.add.f32 [tilespmem:s19], [sflag:$0x9], $0x40, s18, s12, $0xb8;
	[tilespmem:$0x16440] =	vst v63  }
0x89: {  	_ =	swait.ge [sflag:s1], $0x1F40  }
0x8a: {  	[sflag:s1] =	ssyncset.done $0x0  }
0x8b: {  	s20 =	simm.s32 $0x2780;
	[sflag:s1] =	ssyncadd.s32 $0xFFFFE0C0  }
0x8c: {  	[spmem:s2] =	stream.indirect.scatter.add.f32 [tilespmem:s21], [sflag:$0xA], $0x40, s20, s12, $0xb8;
	[tilespmem:$0x16440] =	vst v63  }
0x8d: {  	_ =	swait.ge [sflag:s25], $0x1F40  }
0x8e: {  	[sflag:s25] =	ssyncset.done $0x0  }
0x8f: {  	[sflag:s25] =	ssyncadd.s32 $0xFFFFE0C0  }
0x90: {  	_ =	swait.ge [sflag:s28], $0x1F40  }
0x91: {  	[sflag:s28] =	ssyncset.done $0x0  }
0x92: {  	[sflag:s28] =	ssyncadd.s32 $0xFFFFE0C0  }
0x93: {  	_ =	swait.ge [sflag:s30], $0x1F40  }
0x94: {  	[sflag:s30] =	ssyncset.done $0x0  }
0x95: {  	[sflag:s30] =	ssyncadd.s32 $0xFFFFE0C0  }
0x96: {  	_ =	swait.ge [sflag:s0], $0x1F40  }
0x97: {  	[sflag:s0] =	ssyncset.done $0x0  }
0x98: {  	[sflag:s0] =	ssyncadd.s32 $0xFFFFE0C0  }
0x99: {  	_ =	swait.ge [sflag:s11], $0x1F40  }
0x9a: {  	s16 =	sadd.s32 $0x1, s16;
	[sflag:s11] =	ssyncset.done $0x0  }
0x9b: {  	p0 =	sne.s32 s16, s9;
	[sflag:s11] =	ssyncadd.s32 $0xFFFFE0C0  }
.Ltmp1:
0x9c: {  	[bflag:$0x0] =	sbarrier.arrive $0xFFFF;
	(pc) =	sbr.rel @p0 .LBB2_1-.Ltmp1, $4  }
0x9d: {  	[hbm:s8], [sflag:s22] =	dma.local [spmem:s23], $0x1400  }
0x9e: {  	_ =	swait.ge [sflag:s10], $0x1400  }
0x9f: {  	[sflag:s10] =	ssyncset.done $0x0  }
0xa0: {  	[sflag:s10] =	ssyncadd.s32 $0xFFFFEC00  }
0xa1: {  	_ =	sfence.sel $0x180000  }
0xa2: {  	[bflag:$0x0] =	sbarrier.arrive $0xFFFF  }
0xa3: {  	_ =	strace $0x90000050  }
0xa4: {  	s0 =	stileid.u32;
	[bflag:$0x2] =	sbarrier.arrive $0xFFFF  }
0xa5: {  	p0 =	sne.s32 s0, $0x0;
	s0 =	rddreg [dreg:$0x2]  }
0xa6: {  	s0 =	sadd.s32 @!p0 $0x100000, s0  }
0xa7: {  	[sflag:s0] =	ssyncadd.tile.s32 @!p0 $0x1;
	_ =	shalt  }
.Lfunc_end2:
_tile_overlayer_lowered:
.L_overlay_start_2:
0xa8: {  	(tag) =	ssettag $0x2  }
0xa9: {  	s0 =	rddreg [dreg:$0x0];
	s2 =	stileid.u32  }
0xaa: {  	s1 =	rddreg [dreg:$0x1];
	p0 =	sne.s32 s2, $0x0  }
0xab: {  	s3 =	rddreg [dreg:$0x2];
	[bflag:$0x3] =	sbarrier.arrive $0xFFFF;
	s2 =	simm.s32 @!p0 $0x1C0B  }
0xac: {  	[timem:s3], [sflag:s2] =	dma.local @!p0 [hbm:s0], s1  }
0xad: {  	s0 =	simm.s32 @!p0 $0xB  }
0xae: {  	_ =	swait.ge @!p0 [sflag:s0], s1  }
0xaf: {  	s1 =	ssub.s32 @!p0 $0x0, s1;
	[sflag:s0] =	ssyncset.done @!p0 $0x0  }
0xb0: {  	[sflag:s0] =	ssyncadd.s32 @!p0 s1  }
0xb1: {  	[bflag:$0x3] =	sbarrier.arrive $0xFFFF  }
0xb2: {  	_ =	shalt  }

</sc_bundles>
